<compile_context>
chip_gen: v7x
topology: tpu7x:2x2x1
jax: 0.10.2.dev20260603
libtpu: 0.0.44.dev20260713+nightly
codegen_flags: <defaults>
</compile_context>

<pallas_src>
import functools

import numpy as np
import jax
import jax.numpy as jnp
from jax import lax
from jax.experimental import pallas as pl
from jax.experimental.pallas import tpu as pltpu
from jax.experimental.pallas import tpu_sc as plsc
from jax.experimental import layout as jex_layout

_NC = 2
_NS = 16
_NW = _NC * _NS
_NB = 4


def _pe_table(seq_len, dmodel):
    position = np.arange(seq_len, dtype=np.float32)[:, None]
    div_term = np.exp(
        np.arange(0, dmodel, 2, dtype=np.float32)
        * (-np.log(np.float32(10000.0)) / np.float32(dmodel))
    )
    pe = np.zeros((seq_len, dmodel), dtype=np.float32)
    pe[:, 0::2] = np.sin(position * div_term)
    pe[:, 1::2] = np.cos(position * div_term)
    return jnp.asarray(np.stack([pe[0::2], pe[1::2]], axis=0))


@functools.lru_cache(maxsize=None)
def _make_sc_kernel(n_batch, seq_len, dmodel):
    assert n_batch % _NW == 0 and seq_len % 2 == 0
    half = seq_len // 2
    assert half <= 128
    seq_per_w = n_batch // _NW
    n_outer = seq_per_w // _NB
    assert seq_per_w % _NB == 0 and n_outer >= 2
    mesh = plsc.VectorSubcoreMesh(core_axis_name="c", subcore_axis_name="s")

    @functools.partial(
        pl.kernel,
        out_type=jax.ShapeDtypeStruct(
            (n_batch * half, 2 * dmodel), jnp.float32
        ),
        mesh=mesh,
        compiler_params=pltpu.CompilerParams(use_tc_tiling_on_sc=False),
        scratch_types=[
            pltpu.VMEM_SHARED((2, half, dmodel), jnp.float32),
            pltpu.VMEM((seq_per_w * 2, half), jnp.int32),
            pltpu.VMEM((_NB, 2, half, dmodel), jnp.float32),
            pltpu.SemaphoreType.DMA((_NB,)),
            pltpu.SemaphoreType.DMA((_NB,)),
            pltpu.SemaphoreType.DMA((_NB,)),
        ],
    )
    def run(x_hbm, pe_hbm, table_hbm, out_hbm, pe_v, idx_v, rows_v, psem,
            gsem, osem):
        sid = lax.axis_index("s")
        wid = sid * _NC + lax.axis_index("c")
        seq0 = wid * seq_per_w

        @pl.when(sid == 0)
        def _():
            pltpu.sync_copy(pe_hbm, pe_v)

        pltpu.sync_copy(
            x_hbm.at[pl.ds(seq0 * 2, seq_per_w * 2)], idx_v
        )
        plsc.subcore_barrier()

        def fire_pe(k):
            pltpu.async_copy(pe_v, rows_v.at[k], psem.at[k])

        def wait_pe(k):
            pltpu.make_async_copy(pe_v, rows_v.at[k], psem.at[k]).wait()

        def fire_gather(s, k):
            for par in range(2):
                pltpu.async_copy(
                    table_hbm.at[idx_v.at[s * 2 + par]],
                    rows_v.at[k].at[par],
                    gsem.at[k], add=True,
                )

        def wait_gather(k):
            for par in range(2):
                pltpu.make_async_copy(
                    table_hbm.at[pl.ds(0, half)],
                    rows_v.at[k].at[par], gsem.at[k],
                ).wait()

        def fire_out(s, k):
            for par in range(2):
                pltpu.async_copy(
                    rows_v.at[k].at[par],
                    out_hbm.at[pl.ds((seq0 + s) * half, half),
                               pl.ds(par * dmodel, dmodel)],
                    osem.at[k],
                )

        def wait_out(k):
            for par in range(2):
                pltpu.make_async_copy(
                    rows_v.at[k].at[par],
                    out_hbm.at[pl.ds(0, half), pl.ds(par * dmodel, dmodel)],
                    osem.at[k],
                ).wait()

        for kk in range(_NB):
            fire_pe(kk)
            if kk >= 1:
                wait_gather(kk - 1)
                fire_out(kk - 1, kk - 1)
            wait_pe(kk)
            fire_gather(kk, kk)

        def outer(g, carry):
            s_base = g * _NB
            for kk in range(_NB):
                s = s_base + kk
                wait_out(kk)
                fire_pe(kk)
                kp = (kk - 1) % _NB
                wait_gather(kp)
                fire_out(s - 1, kp)
                wait_pe(kk)
                fire_gather(s, kk)
            return carry

        lax.fori_loop(1, n_outer, outer, 0)

        wait_gather(_NB - 1)
        fire_out(seq_per_w - 1, _NB - 1)
        for kk in range(_NB):
            wait_out(kk)

    return run


def kernel(x, emb_table):
    n_batch, seq_len = x.shape
    vocab, dmodel = emb_table.shape
    pe = _pe_table(seq_len, dmodel)
    xi = x.astype(jnp.int32) * 2
    x_de = jnp.stack([xi[:, 0::2], xi[:, 1::2]], axis=1)
    x_flat = x_de.reshape(n_batch * 2, seq_len // 2)
    emb_nat = jex_layout.with_layout_constraint(
        emb_table, jex_layout.Layout((0, 1), tiling=((16, 128),))
    )
    out = _make_sc_kernel(n_batch, seq_len, dmodel)(x_flat, pe, emb_nat)
    return out.reshape(n_batch, seq_len, dmodel)

# --- scband reference (transcript-rebuilt; emitter-appended) ---
"""Pipeline reference for scband-embeder-29394756174294 (READ-ONLY COPY).

The authoritative reference and input builder live on the scoring server;
editing this copy changes nothing except your own understanding.
"""

import jax, jax.numpy as jnp
import numpy as np

VOCAB = 1000000
DMODEL = 64
BATCH = 4096
SEQ = 200

def positional_encoding(n_batch, seq_len, dmodel):
    position = jnp.arange(0, seq_len, dtype=jnp.float32)[:, None]
    div_term = jnp.exp(jnp.arange(0, dmodel, 2, dtype=jnp.float32) * (-jnp.log(jnp.asarray(10000.0)) / dmodel))
    pe = jnp.zeros((seq_len, dmodel), dtype=jnp.float32)
    pe = pe.at[:, 0::2].set(jnp.sin(position * div_term))
    pe = pe.at[:, 1::2].set(jnp.cos(position * div_term))
    return jnp.broadcast_to(pe[None, :, :], (n_batch, seq_len, dmodel))

def setup_inputs(seed: int = 0) -> dict:
    key = jax.random.key(seed)
    k1, k2 = jax.random.split(key)
    x = jax.random.randint(k1, (BATCH, SEQ), 0, VOCAB, dtype=jnp.int64 if jax.config.jax_enable_x64 else jnp.int32)
    emb_table = jax.random.normal(k2, (VOCAB, DMODEL), dtype=jnp.float32)
    return {"x": x, "emb_table": emb_table}

def reference(x, emb_table):
    n_batch, seq_len = x.shape
    emb = jnp.take(emb_table, x, axis=0)
    return emb + positional_encoding(n_batch, seq_len, DMODEL)

if __name__ == "__main__":
    import jax
    _d = setup_inputs()
    print(jax.jit(kernel)(*tuple(_d.values())))

</pallas_src>

<mosaic_0001>
#map = affine_map<(d0, d1) -> (0, 0)>
#map1 = affine_map<(d0, d1) -> (0, 0, 0)>
module attributes {stable_mosaic.version = 14 : i64} {
  func.func @run(%arg0: i32, %arg1: i32, %arg2: memref<8192x100xi32, #tpu.memory_space<hbm>>, %arg3: memref<2x100x64xf32, #tpu.memory_space<hbm>>, %arg4: memref<1000000x64xf32, #tpu.memory_space<hbm>>, %arg5: memref<409600x128xf32, #tpu.memory_space<hbm>>, %arg6: memref<2x100x64xf32, #tpu.memory_space<vmem_shared>>, %arg7: memref<256x100xi32, #tpu.memory_space<vmem>>, %arg8: memref<4x2x100x64xf32, #tpu.memory_space<vmem>>, %arg9: memref<4x!tpu.dma_semaphore, #tpu.memory_space<semaphore_mem>>, %arg10: memref<4x!tpu.dma_semaphore, #tpu.memory_space<semaphore_mem>>, %arg11: memref<4x!tpu.dma_semaphore, #tpu.memory_space<semaphore_mem>>) attributes {dimension_semantics = [#tpu.dimension_semantics<core_parallel>, #tpu.dimension_semantics<subcore_parallel>], iteration_bounds = array<i64: 2, 16>, scalar_prefetch = 0 : i64, scratch_operands = 6 : i64, tpu.core_type = #tpu.core_type<sc_vector_subcore>, window_params = [{transform_indices = #map}, {transform_indices = #map1}, {transform_indices = #map}, {transform_indices = #map}]} {
    %mul3A = arith.constant 2 : i32
    %mul3A_0 = arith.muli %arg1, %mul3A : i32
    %add3A = arith.addi %mul3A_0, %arg0 : i32
    %mul3A_1 = arith.constant 128 : i32
    %mul3A_2 = arith.muli %add3A, %mul3A_1 : i32
    %eq3A = arith.constant 0 : i32
    %eq3A_3 = arith.cmpi eq, %arg1, %eq3A : i32
    %convert_element_type3A = arith.extui %eq3A_3 : i1 to i32
    %cond3A = arith.constant 0 : i32
    %cond3A_4 = arith.cmpi ne, %convert_element_type3A, %cond3A : i32
    scf.if %cond3A_4 {
      "tpu.region"() ({
        %run_scoped3A = tpu.sem_alloc : memref<!tpu.dma_semaphore, #tpu.memory_space<semaphore_mem>>
        tpu.enqueue_dma source(%arg3 : memref<2x100x64xf32, #tpu.memory_space<hbm>>) target(%arg6 : memref<2x100x64xf32, #tpu.memory_space<vmem_shared>>) target_semaphore(%run_scoped3A : memref<!tpu.dma_semaphore, #tpu.memory_space<semaphore_mem>>)
        tpu.wait_dma2 semaphore(%run_scoped3A : memref<!tpu.dma_semaphore, #tpu.memory_space<semaphore_mem>>) src(%arg3 : memref<2x100x64xf32, #tpu.memory_space<hbm>>) dst(%arg6 : memref<2x100x64xf32, #tpu.memory_space<vmem_shared>>)
        tpu.yield
      }) : () -> ()
    } else {
    }
    %mul3A_5 = arith.constant 2 : i32
    %mul3A_6 = arith.muli %mul3A_2, %mul3A_5 : i32
    "tpu.region"() ({
      %run_scoped3A = tpu.sem_alloc : memref<!tpu.dma_semaphore, #tpu.memory_space<semaphore_mem>>
      %dma_start3A_1002 = arith.constant 0 : i32
      %dma_start3A_1003 = tpu.memref_slice %arg2[%mul3A_6, %dma_start3A_1002] : memref<8192x100xi32, #tpu.memory_space<hbm>> -> memref<256x100xi32, #tpu.memory_space<hbm>>
      %dma_start3A_1004 = arith.constant 0 : i32
      %dma_start3A_1005 = tpu.memref_slice %arg2[%mul3A_6, %dma_start3A_1004] : memref<8192x100xi32, #tpu.memory_space<hbm>> -> memref<256x100xi32, #tpu.memory_space<hbm>>
      tpu.enqueue_dma source(%dma_start3A_1005 : memref<256x100xi32, #tpu.memory_space<hbm>>) target(%arg7 : memref<256x100xi32, #tpu.memory_space<vmem>>) target_semaphore(%run_scoped3A : memref<!tpu.dma_semaphore, #tpu.memory_space<semaphore_mem>>)
      %dma_wait3A_1006 = arith.constant 0 : i32
      %dma_wait3A_1007 = tpu.memref_slice %arg2[%mul3A_6, %dma_wait3A_1006] : memref<8192x100xi32, #tpu.memory_space<hbm>> -> memref<256x100xi32, #tpu.memory_space<hbm>>
      %dma_wait3A_1008 = arith.constant 0 : i32
      %dma_wait3A_1009 = tpu.memref_slice %arg2[%mul3A_6, %dma_wait3A_1008] : memref<8192x100xi32, #tpu.memory_space<hbm>> -> memref<256x100xi32, #tpu.memory_space<hbm>>
      tpu.wait_dma2 semaphore(%run_scoped3A : memref<!tpu.dma_semaphore, #tpu.memory_space<semaphore_mem>>) src(%dma_wait3A_1009 : memref<256x100xi32, #tpu.memory_space<hbm>>) dst(%arg7 : memref<256x100xi32, #tpu.memory_space<vmem>>)
      tpu.yield
    }) : () -> ()
    %barrier3A = arith.constant 0 : index
    tpu.barrier barrier_id(%barrier3A)
    %dma_start3A = arith.constant 0 : i32
    %dma_start3A_7 = arith.constant 0 : i32
    %dma_start3A_8 = arith.constant 0 : i32
    %dma_start3A_9 = arith.constant 0 : i32
    %dma_start3A_10 = arith.constant 0 : i32
    %dma_start3A_11 = tpu.memref_slice %arg8[%dma_start3A, %dma_start3A_8, %dma_start3A_9, %dma_start3A_10] : memref<4x2x100x64xf32, #tpu.memory_space<vmem>> -> memref<1x2x100x64xf32, #tpu.memory_space<vmem>>
    %dma_start3A_12 = tpu.memref_squeeze %dma_start3A_11 : memref<1x2x100x64xf32, #tpu.memory_space<vmem>> -> memref<2x100x64xf32, #tpu.memory_space<vmem>>
    %dma_start3A_13 = tpu.memref_slice %arg9[%dma_start3A_7] : memref<4x!tpu.dma_semaphore, #tpu.memory_space<semaphore_mem>> -> memref<1x!tpu.dma_semaphore, #tpu.memory_space<semaphore_mem>>
    %dma_start3A_14 = tpu.memref_squeeze %dma_start3A_13 : memref<1x!tpu.dma_semaphore, #tpu.memory_space<semaphore_mem>> -> memref<!tpu.dma_semaphore, #tpu.memory_space<semaphore_mem>>
    %dma_start3A_15 = arith.constant 0 : i32
    %dma_start3A_16 = arith.constant 0 : i32
    %dma_start3A_17 = arith.constant 0 : i32
    %dma_start3A_18 = tpu.memref_slice %arg8[%dma_start3A, %dma_start3A_15, %dma_start3A_16, %dma_start3A_17] : memref<4x2x100x64xf32, #tpu.memory_space<vmem>> -> memref<1x2x100x64xf32, #tpu.memory_space<vmem>>
    %dma_start3A_19 = tpu.memref_squeeze %dma_start3A_18 : memref<1x2x100x64xf32, #tpu.memory_space<vmem>> -> memref<2x100x64xf32, #tpu.memory_space<vmem>>
    tpu.enqueue_dma source(%arg6 : memref<2x100x64xf32, #tpu.memory_space<vmem_shared>>) target(%dma_start3A_19 : memref<2x100x64xf32, #tpu.memory_space<vmem>>) target_semaphore(%dma_start3A_14 : memref<!tpu.dma_semaphore, #tpu.memory_space<semaphore_mem>>)
    %dma_wait3A = arith.constant 0 : i32
    %dma_wait3A_20 = arith.constant 0 : i32
    %dma_wait3A_21 = arith.constant 0 : i32
    %dma_wait3A_22 = arith.constant 0 : i32
    %dma_wait3A_23 = arith.constant 0 : i32
    %dma_wait3A_24 = tpu.memref_slice %arg8[%dma_wait3A, %dma_wait3A_21, %dma_wait3A_22, %dma_wait3A_23] : memref<4x2x100x64xf32, #tpu.memory_space<vmem>> -> memref<1x2x100x64xf32, #tpu.memory_space<vmem>>
    %dma_wait3A_25 = tpu.memref_squeeze %dma_wait3A_24 : memref<1x2x100x64xf32, #tpu.memory_space<vmem>> -> memref<2x100x64xf32, #tpu.memory_space<vmem>>
    %dma_wait3A_26 = tpu.memref_slice %arg9[%dma_wait3A_20] : memref<4x!tpu.dma_semaphore, #tpu.memory_space<semaphore_mem>> -> memref<1x!tpu.dma_semaphore, #tpu.memory_space<semaphore_mem>>
    %dma_wait3A_27 = tpu.memref_squeeze %dma_wait3A_26 : memref<1x!tpu.dma_semaphore, #tpu.memory_space<semaphore_mem>> -> memref<!tpu.dma_semaphore, #tpu.memory_space<semaphore_mem>>
    %dma_wait3A_28 = arith.constant 0 : i32
    %dma_wait3A_29 = arith.constant 0 : i32
    %dma_wait3A_30 = arith.constant 0 : i32
    %dma_wait3A_31 = tpu.memref_slice %arg8[%dma_wait3A, %dma_wait3A_28, %dma_wait3A_29, %dma_wait3A_30] : memref<4x2x100x64xf32, #tpu.memory_space<vmem>> -> memref<1x2x100x64xf32, #tpu.memory_space<vmem>>
    %dma_wait3A_32 = tpu.memref_squeeze %dma_wait3A_31 : memref<1x2x100x64xf32, #tpu.memory_space<vmem>> -> memref<2x100x64xf32, #tpu.memory_space<vmem>>
    tpu.wait_dma2 semaphore(%dma_wait3A_27 : memref<!tpu.dma_semaphore, #tpu.memory_space<semaphore_mem>>) src(%arg6 : memref<2x100x64xf32, #tpu.memory_space<vmem_shared>>) dst(%dma_wait3A_32 : memref<2x100x64xf32, #tpu.memory_space<vmem>>)
    %dma_start3A_33 = arith.constant 0 : i32
    %dma_start3A_34 = arith.constant 0 : i32
    %dma_start3A_35 = arith.constant 0 : i32
    %dma_start3A_36 = arith.constant 0 : i32
    %dma_start3A_37 = arith.constant 0 : i32
    %dma_start3A_38 = arith.constant 0 : i32
    %dma_start3A_39 = arith.constant 0 : i32
    %dma_start3A_40 = tpu.memref_slice %arg8[%dma_start3A_34, %dma_start3A_37, %dma_start3A_38, %dma_start3A_39] : memref<4x2x100x64xf32, #tpu.memory_space<vmem>> -> memref<1x2x100x64xf32, #tpu.memory_space<vmem>>
    %dma_start3A_41 = tpu.memref_squeeze %dma_start3A_40 : memref<1x2x100x64xf32, #tpu.memory_space<vmem>> -> memref<2x100x64xf32, #tpu.memory_space<vmem>>
    %dma_start3A_42 = arith.constant 0 : i32
    %dma_start3A_43 = arith.constant 0 : i32
    %dma_start3A_44 = tpu.memref_slice %dma_start3A_41[%dma_start3A_35, %dma_start3A_42, %dma_start3A_43] : memref<2x100x64xf32, #tpu.memory_space<vmem>> -> memref<1x100x64xf32, #tpu.memory_space<vmem>>
    %dma_start3A_45 = tpu.memref_squeeze %dma_start3A_44 : memref<1x100x64xf32, #tpu.memory_space<vmem>> -> memref<100x64xf32, #tpu.memory_space<vmem>>
    %dma_start3A_46 = arith.constant 0 : i32
    %dma_start3A_47 = tpu.memref_slice %arg7[%dma_start3A_33, %dma_start3A_46] : memref<256x100xi32, #tpu.memory_space<vmem>> -> memref<1x100xi32, #tpu.memory_space<vmem>>
    %dma_start3A_48 = tpu.memref_squeeze %dma_start3A_47 : memref<1x100xi32, #tpu.memory_space<vmem>> -> memref<100xi32, #tpu.memory_space<vmem>>
    %dma_start3A_49 = arith.constant 0 : i32
    %dma_start3A_50 = arith.constant 0 : i32
    %dma_start3A_51 = tpu.memref_slice %arg4[%dma_start3A_49, %dma_start3A_50] : memref<1000000x64xf32, #tpu.memory_space<hbm>> -> memref<1000000x64xf32, #tpu.memory_space<hbm>>
    %dma_start3A_52 = tpu.memref_slice %arg10[%dma_start3A_36] : memref<4x!tpu.dma_semaphore, #tpu.memory_space<semaphore_mem>> -> memref<1x!tpu.dma_semaphore, #tpu.memory_space<semaphore_mem>>
    %dma_start3A_53 = tpu.memref_squeeze %dma_start3A_52 : memref<1x!tpu.dma_semaphore, #tpu.memory_space<semaphore_mem>> -> memref<!tpu.dma_semaphore, #tpu.memory_space<semaphore_mem>>
    tpu.enqueue_indirect_dma source(%dma_start3A_51 : memref<1000000x64xf32, #tpu.memory_space<hbm>>) target(%dma_start3A_45 : memref<100x64xf32, #tpu.memory_space<vmem>>) offsets(%dma_start3A_48 : memref<100xi32, #tpu.memory_space<vmem>>) semaphore(%dma_start3A_53 : memref<!tpu.dma_semaphore, #tpu.memory_space<semaphore_mem>>) {add = true}
    %dma_start3A_54 = arith.constant 1 : i32
    %dma_start3A_55 = arith.constant 0 : i32
    %dma_start3A_56 = arith.constant 1 : i32
    %dma_start3A_57 = arith.constant 0 : i32
    %dma_start3A_58 = arith.constant 0 : i32
    %dma_start3A_59 = arith.constant 0 : i32
    %dma_start3A_60 = arith.constant 0 : i32
    %dma_start3A_61 = tpu.memref_slice %arg8[%dma_start3A_55, %dma_start3A_58, %dma_start3A_59, %dma_start3A_60] : memref<4x2x100x64xf32, #tpu.memory_space<vmem>> -> memref<1x2x100x64xf32, #tpu.memory_space<vmem>>
    %dma_start3A_62 = tpu.memref_squeeze %dma_start3A_61 : memref<1x2x100x64xf32, #tpu.memory_space<vmem>> -> memref<2x100x64xf32, #tpu.memory_space<vmem>>
    %dma_start3A_63 = arith.constant 0 : i32
    %dma_start3A_64 = arith.constant 0 : i32
    %dma_start3A_65 = tpu.memref_slice %dma_start3A_62[%dma_start3A_56, %dma_start3A_63, %dma_start3A_64] : memref<2x100x64xf32, #tpu.memory_space<vmem>> -> memref<1x100x64xf32, #tpu.memory_space<vmem>>
    %dma_start3A_66 = tpu.memref_squeeze %dma_start3A_65 : memref<1x100x64xf32, #tpu.memory_space<vmem>> -> memref<100x64xf32, #tpu.memory_space<vmem>>
    %dma_start3A_67 = arith.constant 0 : i32
    %dma_start3A_68 = tpu.memref_slice %arg7[%dma_start3A_54, %dma_start3A_67] : memref<256x100xi32, #tpu.memory_space<vmem>> -> memref<1x100xi32, #tpu.memory_space<vmem>>
    %dma_start3A_69 = tpu.memref_squeeze %dma_start3A_68 : memref<1x100xi32, #tpu.memory_space<vmem>> -> memref<100xi32, #tpu.memory_space<vmem>>
    %dma_start3A_70 = arith.constant 0 : i32
    %dma_start3A_71 = arith.constant 0 : i32
    %dma_start3A_72 = tpu.memref_slice %arg4[%dma_start3A_70, %dma_start3A_71] : memref<1000000x64xf32, #tpu.memory_space<hbm>> -> memref<1000000x64xf32, #tpu.memory_space<hbm>>
    %dma_start3A_73 = tpu.memref_slice %arg10[%dma_start3A_57] : memref<4x!tpu.dma_semaphore, #tpu.memory_space<semaphore_mem>> -> memref<1x!tpu.dma_semaphore, #tpu.memory_space<semaphore_mem>>
    %dma_start3A_74 = tpu.memref_squeeze %dma_start3A_73 : memref<1x!tpu.dma_semaphore, #tpu.memory_space<semaphore_mem>> -> memref<!tpu.dma_semaphore, #tpu.memory_space<semaphore_mem>>
    tpu.enqueue_indirect_dma source(%dma_start3A_72 : memref<1000000x64xf32, #tpu.memory_space<hbm>>) target(%dma_start3A_66 : memref<100x64xf32, #tpu.memory_space<vmem>>) offsets(%dma_start3A_69 : memref<100xi32, #tpu.memory_space<vmem>>) semaphore(%dma_start3A_74 : memref<!tpu.dma_semaphore, #tpu.memory_space<semaphore_mem>>) {add = true}
    %dma_start3A_75 = arith.constant 1 : i32
    %dma_start3A_76 = arith.constant 1 : i32
    %dma_start3A_77 = arith.constant 0 : i32
    %dma_start3A_78 = arith.constant 0 : i32
    %dma_start3A_79 = arith.constant 0 : i32
    %dma_start3A_80 = tpu.memref_slice %arg8[%dma_start3A_75, %dma_start3A_77, %dma_start3A_78, %dma_start3A_79] : memref<4x2x100x64xf32, #tpu.memory_space<vmem>> -> memref<1x2x100x64xf32, #tpu.memory_space<vmem>>
    %dma_start3A_81 = tpu.memref_squeeze %dma_start3A_80 : memref<1x2x100x64xf32, #tpu.memory_space<vmem>> -> memref<2x100x64xf32, #tpu.memory_space<vmem>>
    %dma_start3A_82 = tpu.memref_slice %arg9[%dma_start3A_76] : memref<4x!tpu.dma_semaphore, #tpu.memory_space<semaphore_mem>> -> memref<1x!tpu.dma_semaphore, #tpu.memory_space<semaphore_mem>>
    %dma_start3A_83 = tpu.memref_squeeze %dma_start3A_82 : memref<1x!tpu.dma_semaphore, #tpu.memory_space<semaphore_mem>> -> memref<!tpu.dma_semaphore, #tpu.memory_space<semaphore_mem>>
    %dma_start3A_84 = arith.constant 0 : i32
    %dma_start3A_85 = arith.constant 0 : i32
    %dma_start3A_86 = arith.constant 0 : i32
    %dma_start3A_87 = tpu.memref_slice %arg8[%dma_start3A_75, %dma_start3A_84, %dma_start3A_85, %dma_start3A_86] : memref<4x2x100x64xf32, #tpu.memory_space<vmem>> -> memref<1x2x100x64xf32, #tpu.memory_space<vmem>>
    %dma_start3A_88 = tpu.memref_squeeze %dma_start3A_87 : memref<1x2x100x64xf32, #tpu.memory_space<vmem>> -> memref<2x100x64xf32, #tpu.memory_space<vmem>>
    tpu.enqueue_dma source(%arg6 : memref<2x100x64xf32, #tpu.memory_space<vmem_shared>>) target(%dma_start3A_88 : memref<2x100x64xf32, #tpu.memory_space<vmem>>) target_semaphore(%dma_start3A_83 : memref<!tpu.dma_semaphore, #tpu.memory_space<semaphore_mem>>)
    %dma_wait3A_89 = arith.constant 0 : i32
    %dma_wait3A_90 = arith.constant 0 : i32
    %dma_wait3A_91 = arith.constant 0 : i32
    %dma_wait3A_92 = arith.constant 0 : i32
    %dma_wait3A_93 = arith.constant 0 : i32
    %dma_wait3A_94 = arith.constant 0 : i32
    %dma_wait3A_95 = tpu.memref_slice %arg8[%dma_wait3A_89, %dma_wait3A_92, %dma_wait3A_93, %dma_wait3A_94] : memref<4x2x100x64xf32, #tpu.memory_space<vmem>> -> memref<1x2x100x64xf32, #tpu.memory_space<vmem>>
    %dma_wait3A_96 = tpu.memref_squeeze %dma_wait3A_95 : memref<1x2x100x64xf32, #tpu.memory_space<vmem>> -> memref<2x100x64xf32, #tpu.memory_space<vmem>>
    %dma_wait3A_97 = arith.constant 0 : i32
    %dma_wait3A_98 = arith.constant 0 : i32
    %dma_wait3A_99 = tpu.memref_slice %dma_wait3A_96[%dma_wait3A_90, %dma_wait3A_97, %dma_wait3A_98] : memref<2x100x64xf32, #tpu.memory_space<vmem>> -> memref<1x100x64xf32, #tpu.memory_space<vmem>>
    %dma_wait3A_100 = tpu.memref_squeeze %dma_wait3A_99 : memref<1x100x64xf32, #tpu.memory_space<vmem>> -> memref<100x64xf32, #tpu.memory_space<vmem>>
    %dma_wait3A_101 = arith.constant 0 : i32
    %dma_wait3A_102 = arith.constant 0 : i32
    %dma_wait3A_103 = tpu.memref_slice %arg4[%dma_wait3A_101, %dma_wait3A_102] : memref<1000000x64xf32, #tpu.memory_space<hbm>> -> memref<100x64xf32, #tpu.memory_space<hbm>>
    %dma_wait3A_104 = tpu.memref_slice %arg10[%dma_wait3A_91] : memref<4x!tpu.dma_semaphore, #tpu.memory_space<semaphore_mem>> -> memref<1x!tpu.dma_semaphore, #tpu.memory_space<semaphore_mem>>
    %dma_wait3A_105 = tpu.memref_squeeze %dma_wait3A_104 : memref<1x!tpu.dma_semaphore, #tpu.memory_space<semaphore_mem>> -> memref<!tpu.dma_semaphore, #tpu.memory_space<semaphore_mem>>
    %dma_wait3A_106 = arith.constant 0 : i32
    %dma_wait3A_107 = arith.constant 0 : i32
    %dma_wait3A_108 = arith.constant 0 : i32
    %dma_wait3A_109 = tpu.memref_slice %arg8[%dma_wait3A_89, %dma_wait3A_106, %dma_wait3A_107, %dma_wait3A_108] : memref<4x2x100x64xf32, #tpu.memory_space<vmem>> -> memref<1x2x100x64xf32, #tpu.memory_space<vmem>>
    %dma_wait3A_110 = tpu.memref_squeeze %dma_wait3A_109 : memref<1x2x100x64xf32, #tpu.memory_space<vmem>> -> memref<2x100x64xf32, #tpu.memory_space<vmem>>
    %dma_wait3A_111 = arith.constant 0 : i32
    %dma_wait3A_112 = arith.constant 0 : i32
    %dma_wait3A_113 = tpu.memref_slice %dma_wait3A_110[%dma_wait3A_90, %dma_wait3A_111, %dma_wait3A_112] : memref<2x100x64xf32, #tpu.memory_space<vmem>> -> memref<1x100x64xf32, #tpu.memory_space<vmem>>
    %dma_wait3A_114 = tpu.memref_squeeze %dma_wait3A_113 : memref<1x100x64xf32, #tpu.memory_space<vmem>> -> memref<100x64xf32, #tpu.memory_space<vmem>>
    %dma_wait3A_115 = arith.constant 0 : i32
    %dma_wait3A_116 = arith.constant 0 : i32
    %dma_wait3A_117 = tpu.memref_slice %arg4[%dma_wait3A_115, %dma_wait3A_116] : memref<1000000x64xf32, #tpu.memory_space<hbm>> -> memref<100x64xf32, #tpu.memory_space<hbm>>
    tpu.wait_dma2 semaphore(%dma_wait3A_105 : memref<!tpu.dma_semaphore, #tpu.memory_space<semaphore_mem>>) src(%dma_wait3A_117 : memref<100x64xf32, #tpu.memory_space<hbm>>) dst(%dma_wait3A_114 : memref<100x64xf32, #tpu.memory_space<vmem>>)
    %dma_wait3A_118 = arith.constant 0 : i32
    %dma_wait3A_119 = arith.constant 1 : i32
    %dma_wait3A_120 = arith.constant 0 : i32
    %dma_wait3A_121 = arith.constant 0 : i32
    %dma_wait3A_122 = arith.constant 0 : i32
    %dma_wait3A_123 = arith.constant 0 : i32
    %dma_wait3A_124 = tpu.memref_slice %arg8[%dma_wait3A_118, %dma_wait3A_121, %dma_wait3A_122, %dma_wait3A_123] : memref<4x2x100x64xf32, #tpu.memory_space<vmem>> -> memref<1x2x100x64xf32, #tpu.memory_space<vmem>>
    %dma_wait3A_125 = tpu.memref_squeeze %dma_wait3A_124 : memref<1x2x100x64xf32, #tpu.memory_space<vmem>> -> memref<2x100x64xf32, #tpu.memory_space<vmem>>
    %dma_wait3A_126 = arith.constant 0 : i32
    %dma_wait3A_127 = arith.constant 0 : i32
    %dma_wait3A_128 = tpu.memref_slice %dma_wait3A_125[%dma_wait3A_119, %dma_wait3A_126, %dma_wait3A_127] : memref<2x100x64xf32, #tpu.memory_space<vmem>> -> memref<1x100x64xf32, #tpu.memory_space<vmem>>
    %dma_wait3A_129 = tpu.memref_squeeze %dma_wait3A_128 : memref<1x100x64xf32, #tpu.memory_space<vmem>> -> memref<100x64xf32, #tpu.memory_space<vmem>>
    %dma_wait3A_130 = arith.constant 0 : i32
    %dma_wait3A_131 = arith.constant 0 : i32
    %dma_wait3A_132 = tpu.memref_slice %arg4[%dma_wait3A_130, %dma_wait3A_131] : memref<1000000x64xf32, #tpu.memory_space<hbm>> -> memref<100x64xf32, #tpu.memory_space<hbm>>
    %dma_wait3A_133 = tpu.memref_slice %arg10[%dma_wait3A_120] : memref<4x!tpu.dma_semaphore, #tpu.memory_space<semaphore_mem>> -> memref<1x!tpu.dma_semaphore, #tpu.memory_space<semaphore_mem>>
    %dma_wait3A_134 = tpu.memref_squeeze %dma_wait3A_133 : memref<1x!tpu.dma_semaphore, #tpu.memory_space<semaphore_mem>> -> memref<!tpu.dma_semaphore, #tpu.memory_space<semaphore_mem>>
    %dma_wait3A_135 = arith.constant 0 : i32
    %dma_wait3A_136 = arith.constant 0 : i32
    %dma_wait3A_137 = arith.constant 0 : i32
    %dma_wait3A_138 = tpu.memref_slice %arg8[%dma_wait3A_118, %dma_wait3A_135, %dma_wait3A_136, %dma_wait3A_137] : memref<4x2x100x64xf32, #tpu.memory_space<vmem>> -> memref<1x2x100x64xf32, #tpu.memory_space<vmem>>
    %dma_wait3A_139 = tpu.memref_squeeze %dma_wait3A_138 : memref<1x2x100x64xf32, #tpu.memory_space<vmem>> -> memref<2x100x64xf32, #tpu.memory_space<vmem>>
    %dma_wait3A_140 = arith.constant 0 : i32
    %dma_wait3A_141 = arith.constant 0 : i32
    %dma_wait3A_142 = tpu.memref_slice %dma_wait3A_139[%dma_wait3A_119, %dma_wait3A_140, %dma_wait3A_141] : memref<2x100x64xf32, #tpu.memory_space<vmem>> -> memref<1x100x64xf32, #tpu.memory_space<vmem>>
    %dma_wait3A_143 = tpu.memref_squeeze %dma_wait3A_142 : memref<1x100x64xf32, #tpu.memory_space<vmem>> -> memref<100x64xf32, #tpu.memory_space<vmem>>
    %dma_wait3A_144 = arith.constant 0 : i32
    %dma_wait3A_145 = arith.constant 0 : i32
    %dma_wait3A_146 = tpu.memref_slice %arg4[%dma_wait3A_144, %dma_wait3A_145] : memref<1000000x64xf32, #tpu.memory_space<hbm>> -> memref<100x64xf32, #tpu.memory_space<hbm>>
    tpu.wait_dma2 semaphore(%dma_wait3A_134 : memref<!tpu.dma_semaphore, #tpu.memory_space<semaphore_mem>>) src(%dma_wait3A_146 : memref<100x64xf32, #tpu.memory_space<hbm>>) dst(%dma_wait3A_143 : memref<100x64xf32, #tpu.memory_space<vmem>>)
    %add3A_147 = arith.constant 0 : i32
    %add3A_148 = arith.addi %mul3A_2, %add3A_147 : i32
    %mul3A_149 = arith.constant 100 : i32
    %mul3A_150 = arith.muli %add3A_148, %mul3A_149 : i32
    %dma_start3A_151 = arith.constant 0 : i32
    %dma_start3A_152 = arith.constant 0 : i32
    %dma_start3A_153 = arith.constant 0 : i32
    %dma_start3A_154 = arith.constant 0 : i32
    %dma_start3A_155 = arith.constant 0 : i32
    %dma_start3A_156 = arith.constant 0 : i32
    %dma_start3A_157 = tpu.memref_slice %arg8[%dma_start3A_151, %dma_start3A_154, %dma_start3A_155, %dma_start3A_156] : memref<4x2x100x64xf32, #tpu.memory_space<vmem>> -> memref<1x2x100x64xf32, #tpu.memory_space<vmem>>
    %dma_start3A_158 = tpu.memref_squeeze %dma_start3A_157 : memref<1x2x100x64xf32, #tpu.memory_space<vmem>> -> memref<2x100x64xf32, #tpu.memory_space<vmem>>
    %dma_start3A_159 = arith.constant 0 : i32
    %dma_start3A_160 = arith.constant 0 : i32
    %dma_start3A_161 = tpu.memref_slice %dma_start3A_158[%dma_start3A_152, %dma_start3A_159, %dma_start3A_160] : memref<2x100x64xf32, #tpu.memory_space<vmem>> -> memref<1x100x64xf32, #tpu.memory_space<vmem>>
    %dma_start3A_162 = tpu.memref_squeeze %dma_start3A_161 : memref<1x100x64xf32, #tpu.memory_space<vmem>> -> memref<100x64xf32, #tpu.memory_space<vmem>>
    %dma_start3A_163 = arith.constant 0 : i32
    %dma_start3A_164 = tpu.memref_slice %arg5[%mul3A_150, %dma_start3A_163] : memref<409600x128xf32, #tpu.memory_space<hbm>> -> memref<100x64xf32, #tpu.memory_space<hbm>>
    %dma_start3A_165 = tpu.memref_slice %arg11[%dma_start3A_153] : memref<4x!tpu.dma_semaphore, #tpu.memory_space<semaphore_mem>> -> memref<1x!tpu.dma_semaphore, #tpu.memory_space<semaphore_mem>>
    %dma_start3A_166 = tpu.memref_squeeze %dma_start3A_165 : memref<1x!tpu.dma_semaphore, #tpu.memory_space<semaphore_mem>> -> memref<!tpu.dma_semaphore, #tpu.memory_space<semaphore_mem>>
    %dma_start3A_167 = arith.constant 0 : i32
    %dma_start3A_168 = tpu.memref_slice %arg5[%mul3A_150, %dma_start3A_167] : memref<409600x128xf32, #tpu.memory_space<hbm>> -> memref<100x64xf32, #tpu.memory_space<hbm>>
    %dma_start3A_169 = arith.constant 0 : i32
    %dma_start3A_170 = arith.constant 0 : i32
    %dma_start3A_171 = arith.constant 0 : i32
    %dma_start3A_172 = tpu.memref_slice %arg8[%dma_start3A_151, %dma_start3A_169, %dma_start3A_170, %dma_start3A_171] : memref<4x2x100x64xf32, #tpu.memory_space<vmem>> -> memref<1x2x100x64xf32, #tpu.memory_space<vmem>>
    %dma_start3A_173 = tpu.memref_squeeze %dma_start3A_172 : memref<1x2x100x64xf32, #tpu.memory_space<vmem>> -> memref<2x100x64xf32, #tpu.memory_space<vmem>>
    %dma_start3A_174 = arith.constant 0 : i32
    %dma_start3A_175 = arith.constant 0 : i32
    %dma_start3A_176 = tpu.memref_slice %dma_start3A_173[%dma_start3A_152, %dma_start3A_174, %dma_start3A_175] : memref<2x100x64xf32, #tpu.memory_space<vmem>> -> memref<1x100x64xf32, #tpu.memory_space<vmem>>
    %dma_start3A_177 = tpu.memref_squeeze %dma_start3A_176 : memref<1x100x64xf32, #tpu.memory_space<vmem>> -> memref<100x64xf32, #tpu.memory_space<vmem>>
    tpu.enqueue_dma source(%dma_start3A_177 : memref<100x64xf32, #tpu.memory_space<vmem>>) target(%dma_start3A_168 : memref<100x64xf32, #tpu.memory_space<hbm>>) target_semaphore(%dma_start3A_166 : memref<!tpu.dma_semaphore, #tpu.memory_space<semaphore_mem>>)
    %add3A_178 = arith.constant 0 : i32
    %add3A_179 = arith.addi %mul3A_2, %add3A_178 : i32
    %mul3A_180 = arith.constant 100 : i32
    %mul3A_181 = arith.muli %add3A_179, %mul3A_180 : i32
    %dma_start3A_182 = arith.constant 0 : i32
    %dma_start3A_183 = arith.constant 1 : i32
    %dma_start3A_184 = arith.constant 0 : i32
    %dma_start3A_185 = arith.constant 0 : i32
    %dma_start3A_186 = arith.constant 0 : i32
    %dma_start3A_187 = arith.constant 0 : i32
    %dma_start3A_188 = tpu.memref_slice %arg8[%dma_start3A_182, %dma_start3A_185, %dma_start3A_186, %dma_start3A_187] : memref<4x2x100x64xf32, #tpu.memory_space<vmem>> -> memref<1x2x100x64xf32, #tpu.memory_space<vmem>>
    %dma_start3A_189 = tpu.memref_squeeze %dma_start3A_188 : memref<1x2x100x64xf32, #tpu.memory_space<vmem>> -> memref<2x100x64xf32, #tpu.memory_space<vmem>>
    %dma_start3A_190 = arith.constant 0 : i32
    %dma_start3A_191 = arith.constant 0 : i32
    %dma_start3A_192 = tpu.memref_slice %dma_start3A_189[%dma_start3A_183, %dma_start3A_190, %dma_start3A_191] : memref<2x100x64xf32, #tpu.memory_space<vmem>> -> memref<1x100x64xf32, #tpu.memory_space<vmem>>
    %dma_start3A_193 = tpu.memref_squeeze %dma_start3A_192 : memref<1x100x64xf32, #tpu.memory_space<vmem>> -> memref<100x64xf32, #tpu.memory_space<vmem>>
    %dma_start3A_194 = arith.constant 64 : i32
    %dma_start3A_195 = tpu.memref_slice %arg5[%mul3A_181, %dma_start3A_194] : memref<409600x128xf32, #tpu.memory_space<hbm>> -> memref<100x64xf32, #tpu.memory_space<hbm>>
    %dma_start3A_196 = tpu.memref_slice %arg11[%dma_start3A_184] : memref<4x!tpu.dma_semaphore, #tpu.memory_space<semaphore_mem>> -> memref<1x!tpu.dma_semaphore, #tpu.memory_space<semaphore_mem>>
    %dma_start3A_197 = tpu.memref_squeeze %dma_start3A_196 : memref<1x!tpu.dma_semaphore, #tpu.memory_space<semaphore_mem>> -> memref<!tpu.dma_semaphore, #tpu.memory_space<semaphore_mem>>
    %dma_start3A_198 = arith.constant 64 : i32
    %dma_start3A_199 = tpu.memref_slice %arg5[%mul3A_181, %dma_start3A_198] : memref<409600x128xf32, #tpu.memory_space<hbm>> -> memref<100x64xf32, #tpu.memory_space<hbm>>
    %dma_start3A_200 = arith.constant 0 : i32
    %dma_start3A_201 = arith.constant 0 : i32
    %dma_start3A_202 = arith.constant 0 : i32
    %dma_start3A_203 = tpu.memref_slice %arg8[%dma_start3A_182, %dma_start3A_200, %dma_start3A_201, %dma_start3A_202] : memref<4x2x100x64xf32, #tpu.memory_space<vmem>> -> memref<1x2x100x64xf32, #tpu.memory_space<vmem>>
    %dma_start3A_204 = tpu.memref_squeeze %dma_start3A_203 : memref<1x2x100x64xf32, #tpu.memory_space<vmem>> -> memref<2x100x64xf32, #tpu.memory_space<vmem>>
    %dma_start3A_205 = arith.constant 0 : i32
    %dma_start3A_206 = arith.constant 0 : i32
    %dma_start3A_207 = tpu.memref_slice %dma_start3A_204[%dma_start3A_183, %dma_start3A_205, %dma_start3A_206] : memref<2x100x64xf32, #tpu.memory_space<vmem>> -> memref<1x100x64xf32, #tpu.memory_space<vmem>>
    %dma_start3A_208 = tpu.memref_squeeze %dma_start3A_207 : memref<1x100x64xf32, #tpu.memory_space<vmem>> -> memref<100x64xf32, #tpu.memory_space<vmem>>
    tpu.enqueue_dma source(%dma_start3A_208 : memref<100x64xf32, #tpu.memory_space<vmem>>) target(%dma_start3A_199 : memref<100x64xf32, #tpu.memory_space<hbm>>) target_semaphore(%dma_start3A_197 : memref<!tpu.dma_semaphore, #tpu.memory_space<semaphore_mem>>)
    %dma_wait3A_209 = arith.constant 1 : i32
    %dma_wait3A_210 = arith.constant 1 : i32
    %dma_wait3A_211 = arith.constant 0 : i32
    %dma_wait3A_212 = arith.constant 0 : i32
    %dma_wait3A_213 = arith.constant 0 : i32
    %dma_wait3A_214 = tpu.memref_slice %arg8[%dma_wait3A_209, %dma_wait3A_211, %dma_wait3A_212, %dma_wait3A_213] : memref<4x2x100x64xf32, #tpu.memory_space<vmem>> -> memref<1x2x100x64xf32, #tpu.memory_space<vmem>>
    %dma_wait3A_215 = tpu.memref_squeeze %dma_wait3A_214 : memref<1x2x100x64xf32, #tpu.memory_space<vmem>> -> memref<2x100x64xf32, #tpu.memory_space<vmem>>
    %dma_wait3A_216 = tpu.memref_slice %arg9[%dma_wait3A_210] : memref<4x!tpu.dma_semaphore, #tpu.memory_space<semaphore_mem>> -> memref<1x!tpu.dma_semaphore, #tpu.memory_space<semaphore_mem>>
    %dma_wait3A_217 = tpu.memref_squeeze %dma_wait3A_216 : memref<1x!tpu.dma_semaphore, #tpu.memory_space<semaphore_mem>> -> memref<!tpu.dma_semaphore, #tpu.memory_space<semaphore_mem>>
    %dma_wait3A_218 = arith.constant 0 : i32
    %dma_wait3A_219 = arith.constant 0 : i32
    %dma_wait3A_220 = arith.constant 0 : i32
    %dma_wait3A_221 = tpu.memref_slice %arg8[%dma_wait3A_209, %dma_wait3A_218, %dma_wait3A_219, %dma_wait3A_220] : memref<4x2x100x64xf32, #tpu.memory_space<vmem>> -> memref<1x2x100x64xf32, #tpu.memory_space<vmem>>
    %dma_wait3A_222 = tpu.memref_squeeze %dma_wait3A_221 : memref<1x2x100x64xf32, #tpu.memory_space<vmem>> -> memref<2x100x64xf32, #tpu.memory_space<vmem>>
    tpu.wait_dma2 semaphore(%dma_wait3A_217 : memref<!tpu.dma_semaphore, #tpu.memory_space<semaphore_mem>>) src(%arg6 : memref<2x100x64xf32, #tpu.memory_space<vmem_shared>>) dst(%dma_wait3A_222 : memref<2x100x64xf32, #tpu.memory_space<vmem>>)
    %dma_start3A_223 = arith.constant 2 : i32
    %dma_start3A_224 = arith.constant 1 : i32
    %dma_start3A_225 = arith.constant 0 : i32
    %dma_start3A_226 = arith.constant 1 : i32
    %dma_start3A_227 = arith.constant 0 : i32
    %dma_start3A_228 = arith.constant 0 : i32
    %dma_start3A_229 = arith.constant 0 : i32
    %dma_start3A_230 = tpu.memref_slice %arg8[%dma_start3A_224, %dma_start3A_227, %dma_start3A_228, %dma_start3A_229] : memref<4x2x100x64xf32, #tpu.memory_space<vmem>> -> memref<1x2x100x64xf32, #tpu.memory_space<vmem>>
    %dma_start3A_231 = tpu.memref_squeeze %dma_start3A_230 : memref<1x2x100x64xf32, #tpu.memory_space<vmem>> -> memref<2x100x64xf32, #tpu.memory_space<vmem>>
    %dma_start3A_232 = arith.constant 0 : i32
    %dma_start3A_233 = arith.constant 0 : i32
    %dma_start3A_234 = tpu.memref_slice %dma_start3A_231[%dma_start3A_225, %dma_start3A_232, %dma_start3A_233] : memref<2x100x64xf32, #tpu.memory_space<vmem>> -> memref<1x100x64xf32, #tpu.memory_space<vmem>>
    %dma_start3A_235 = tpu.memref_squeeze %dma_start3A_234 : memref<1x100x64xf32, #tpu.memory_space<vmem>> -> memref<100x64xf32, #tpu.memory_space<vmem>>
    %dma_start3A_236 = arith.constant 0 : i32
    %dma_start3A_237 = tpu.memref_slice %arg7[%dma_start3A_223, %dma_start3A_236] : memref<256x100xi32, #tpu.memory_space<vmem>> -> memref<1x100xi32, #tpu.memory_space<vmem>>
    %dma_start3A_238 = tpu.memref_squeeze %dma_start3A_237 : memref<1x100xi32, #tpu.memory_space<vmem>> -> memref<100xi32, #tpu.memory_space<vmem>>
    %dma_start3A_239 = arith.constant 0 : i32
    %dma_start3A_240 = arith.constant 0 : i32
    %dma_start3A_241 = tpu.memref_slice %arg4[%dma_start3A_239, %dma_start3A_240] : memref<1000000x64xf32, #tpu.memory_space<hbm>> -> memref<1000000x64xf32, #tpu.memory_space<hbm>>
    %dma_start3A_242 = tpu.memref_slice %arg10[%dma_start3A_226] : memref<4x!tpu.dma_semaphore, #tpu.memory_space<semaphore_mem>> -> memref<1x!tpu.dma_semaphore, #tpu.memory_space<semaphore_mem>>
    %dma_start3A_243 = tpu.memref_squeeze %dma_start3A_242 : memref<1x!tpu.dma_semaphore, #tpu.memory_space<semaphore_mem>> -> memref<!tpu.dma_semaphore, #tpu.memory_space<semaphore_mem>>
    tpu.enqueue_indirect_dma source(%dma_start3A_241 : memref<1000000x64xf32, #tpu.memory_space<hbm>>) target(%dma_start3A_235 : memref<100x64xf32, #tpu.memory_space<vmem>>) offsets(%dma_start3A_238 : memref<100xi32, #tpu.memory_space<vmem>>) semaphore(%dma_start3A_243 : memref<!tpu.dma_semaphore, #tpu.memory_space<semaphore_mem>>) {add = true}
    %dma_start3A_244 = arith.constant 3 : i32
    %dma_start3A_245 = arith.constant 1 : i32
    %dma_start3A_246 = arith.constant 1 : i32
    %dma_start3A_247 = arith.constant 1 : i32
    %dma_start3A_248 = arith.constant 0 : i32
    %dma_start3A_249 = arith.constant 0 : i32
    %dma_start3A_250 = arith.constant 0 : i32
    %dma_start3A_251 = tpu.memref_slice %arg8[%dma_start3A_245, %dma_start3A_248, %dma_start3A_249, %dma_start3A_250] : memref<4x2x100x64xf32, #tpu.memory_space<vmem>> -> memref<1x2x100x64xf32, #tpu.memory_space<vmem>>
    %dma_start3A_252 = tpu.memref_squeeze %dma_start3A_251 : memref<1x2x100x64xf32, #tpu.memory_space<vmem>> -> memref<2x100x64xf32, #tpu.memory_space<vmem>>
    %dma_start3A_253 = arith.constant 0 : i32
    %dma_start3A_254 = arith.constant 0 : i32
    %dma_start3A_255 = tpu.memref_slice %dma_start3A_252[%dma_start3A_246, %dma_start3A_253, %dma_start3A_254] : memref<2x100x64xf32, #tpu.memory_space<vmem>> -> memref<1x100x64xf32, #tpu.memory_space<vmem>>
    %dma_start3A_256 = tpu.memref_squeeze %dma_start3A_255 : memref<1x100x64xf32, #tpu.memory_space<vmem>> -> memref<100x64xf32, #tpu.memory_space<vmem>>
    %dma_start3A_257 = arith.constant 0 : i32
    %dma_start3A_258 = tpu.memref_slice %arg7[%dma_start3A_244, %dma_start3A_257] : memref<256x100xi32, #tpu.memory_space<vmem>> -> memref<1x100xi32, #tpu.memory_space<vmem>>
    %dma_start3A_259 = tpu.memref_squeeze %dma_start3A_258 : memref<1x100xi32, #tpu.memory_space<vmem>> -> memref<100xi32, #tpu.memory_space<vmem>>
    %dma_start3A_260 = arith.constant 0 : i32
    %dma_start3A_261 = arith.constant 0 : i32
    %dma_start3A_262 = tpu.memref_slice %arg4[%dma_start3A_260, %dma_start3A_261] : memref<1000000x64xf32, #tpu.memory_space<hbm>> -> memref<1000000x64xf32, #tpu.memory_space<hbm>>
    %dma_start3A_263 = tpu.memref_slice %arg10[%dma_start3A_247] : memref<4x!tpu.dma_semaphore, #tpu.memory_space<semaphore_mem>> -> memref<1x!tpu.dma_semaphore, #tpu.memory_space<semaphore_mem>>
    %dma_start3A_264 = tpu.memref_squeeze %dma_start3A_263 : memref<1x!tpu.dma_semaphore, #tpu.memory_space<semaphore_mem>> -> memref<!tpu.dma_semaphore, #tpu.memory_space<semaphore_mem>>
    tpu.enqueue_indirect_dma source(%dma_start3A_262 : memref<1000000x64xf32, #tpu.memory_space<hbm>>) target(%dma_start3A_256 : memref<100x64xf32, #tpu.memory_space<vmem>>) offsets(%dma_start3A_259 : memref<100xi32, #tpu.memory_space<vmem>>) semaphore(%dma_start3A_264 : memref<!tpu.dma_semaphore, #tpu.memory_space<semaphore_mem>>) {add = true}
    %dma_start3A_265 = arith.constant 2 : i32
    %dma_start3A_266 = arith.constant 2 : i32
    %dma_start3A_267 = arith.constant 0 : i32
    %dma_start3A_268 = arith.constant 0 : i32
    %dma_start3A_269 = arith.constant 0 : i32
    %dma_start3A_270 = tpu.memref_slice %arg8[%dma_start3A_265, %dma_start3A_267, %dma_start3A_268, %dma_start3A_269] : memref<4x2x100x64xf32, #tpu.memory_space<vmem>> -> memref<1x2x100x64xf32, #tpu.memory_space<vmem>>
    %dma_start3A_271 = tpu.memref_squeeze %dma_start3A_270 : memref<1x2x100x64xf32, #tpu.memory_space<vmem>> -> memref<2x100x64xf32, #tpu.memory_space<vmem>>
    %dma_start3A_272 = tpu.memref_slice %arg9[%dma_start3A_266] : memref<4x!tpu.dma_semaphore, #tpu.memory_space<semaphore_mem>> -> memref<1x!tpu.dma_semaphore, #tpu.memory_space<semaphore_mem>>
    %dma_start3A_273 = tpu.memref_squeeze %dma_start3A_272 : memref<1x!tpu.dma_semaphore, #tpu.memory_space<semaphore_mem>> -> memref<!tpu.dma_semaphore, #tpu.memory_space<semaphore_mem>>
    %dma_start3A_274 = arith.constant 0 : i32
    %dma_start3A_275 = arith.constant 0 : i32
    %dma_start3A_276 = arith.constant 0 : i32
    %dma_start3A_277 = tpu.memref_slice %arg8[%dma_start3A_265, %dma_start3A_274, %dma_start3A_275, %dma_start3A_276] : memref<4x2x100x64xf32, #tpu.memory_space<vmem>> -> memref<1x2x100x64xf32, #tpu.memory_space<vmem>>
    %dma_start3A_278 = tpu.memref_squeeze %dma_start3A_277 : memref<1x2x100x64xf32, #tpu.memory_space<vmem>> -> memref<2x100x64xf32, #tpu.memory_space<vmem>>
    tpu.enqueue_dma source(%arg6 : memref<2x100x64xf32, #tpu.memory_space<vmem_shared>>) target(%dma_start3A_278 : memref<2x100x64xf32, #tpu.memory_space<vmem>>) target_semaphore(%dma_start3A_273 : memref<!tpu.dma_semaphore, #tpu.memory_space<semaphore_mem>>)
    %dma_wait3A_279 = arith.constant 1 : i32
    %dma_wait3A_280 = arith.constant 0 : i32
    %dma_wait3A_281 = arith.constant 1 : i32
    %dma_wait3A_282 = arith.constant 0 : i32
    %dma_wait3A_283 = arith.constant 0 : i32
    %dma_wait3A_284 = arith.constant 0 : i32
    %dma_wait3A_285 = tpu.memref_slice %arg8[%dma_wait3A_279, %dma_wait3A_282, %dma_wait3A_283, %dma_wait3A_284] : memref<4x2x100x64xf32, #tpu.memory_space<vmem>> -> memref<1x2x100x64xf32, #tpu.memory_space<vmem>>
    %dma_wait3A_286 = tpu.memref_squeeze %dma_wait3A_285 : memref<1x2x100x64xf32, #tpu.memory_space<vmem>> -> memref<2x100x64xf32, #tpu.memory_space<vmem>>
    %dma_wait3A_287 = arith.constant 0 : i32
    %dma_wait3A_288 = arith.constant 0 : i32
    %dma_wait3A_289 = tpu.memref_slice %dma_wait3A_286[%dma_wait3A_280, %dma_wait3A_287, %dma_wait3A_288] : memref<2x100x64xf32, #tpu.memory_space<vmem>> -> memref<1x100x64xf32, #tpu.memory_space<vmem>>
    %dma_wait3A_290 = tpu.memref_squeeze %dma_wait3A_289 : memref<1x100x64xf32, #tpu.memory_space<vmem>> -> memref<100x64xf32, #tpu.memory_space<vmem>>
    %dma_wait3A_291 = arith.constant 0 : i32
    %dma_wait3A_292 = arith.constant 0 : i32
    %dma_wait3A_293 = tpu.memref_slice %arg4[%dma_wait3A_291, %dma_wait3A_292] : memref<1000000x64xf32, #tpu.memory_space<hbm>> -> memref<100x64xf32, #tpu.memory_space<hbm>>
    %dma_wait3A_294 = tpu.memref_slice %arg10[%dma_wait3A_281] : memref<4x!tpu.dma_semaphore, #tpu.memory_space<semaphore_mem>> -> memref<1x!tpu.dma_semaphore, #tpu.memory_space<semaphore_mem>>
    %dma_wait3A_295 = tpu.memref_squeeze %dma_wait3A_294 : memref<1x!tpu.dma_semaphore, #tpu.memory_space<semaphore_mem>> -> memref<!tpu.dma_semaphore, #tpu.memory_space<semaphore_mem>>
    %dma_wait3A_296 = arith.constant 0 : i32
    %dma_wait3A_297 = arith.constant 0 : i32
    %dma_wait3A_298 = arith.constant 0 : i32
    %dma_wait3A_299 = tpu.memref_slice %arg8[%dma_wait3A_279, %dma_wait3A_296, %dma_wait3A_297, %dma_wait3A_298] : memref<4x2x100x64xf32, #tpu.memory_space<vmem>> -> memref<1x2x100x64xf32, #tpu.memory_space<vmem>>
    %dma_wait3A_300 = tpu.memref_squeeze %dma_wait3A_299 : memref<1x2x100x64xf32, #tpu.memory_space<vmem>> -> memref<2x100x64xf32, #tpu.memory_space<vmem>>
    %dma_wait3A_301 = arith.constant 0 : i32
    %dma_wait3A_302 = arith.constant 0 : i32
    %dma_wait3A_303 = tpu.memref_slice %dma_wait3A_300[%dma_wait3A_280, %dma_wait3A_301, %dma_wait3A_302] : memref<2x100x64xf32, #tpu.memory_space<vmem>> -> memref<1x100x64xf32, #tpu.memory_space<vmem>>
    %dma_wait3A_304 = tpu.memref_squeeze %dma_wait3A_303 : memref<1x100x64xf32, #tpu.memory_space<vmem>> -> memref<100x64xf32, #tpu.memory_space<vmem>>
    %dma_wait3A_305 = arith.constant 0 : i32
    %dma_wait3A_306 = arith.constant 0 : i32
    %dma_wait3A_307 = tpu.memref_slice %arg4[%dma_wait3A_305, %dma_wait3A_306] : memref<1000000x64xf32, #tpu.memory_space<hbm>> -> memref<100x64xf32, #tpu.memory_space<hbm>>
    tpu.wait_dma2 semaphore(%dma_wait3A_295 : memref<!tpu.dma_semaphore, #tpu.memory_space<semaphore_mem>>) src(%dma_wait3A_307 : memref<100x64xf32, #tpu.memory_space<hbm>>) dst(%dma_wait3A_304 : memref<100x64xf32, #tpu.memory_space<vmem>>)
    %dma_wait3A_308 = arith.constant 1 : i32
    %dma_wait3A_309 = arith.constant 1 : i32
    %dma_wait3A_310 = arith.constant 1 : i32
    %dma_wait3A_311 = arith.constant 0 : i32
    %dma_wait3A_312 = arith.constant 0 : i32
    %dma_wait3A_313 = arith.constant 0 : i32
    %dma_wait3A_314 = tpu.memref_slice %arg8[%dma_wait3A_308, %dma_wait3A_311, %dma_wait3A_312, %dma_wait3A_313] : memref<4x2x100x64xf32, #tpu.memory_space<vmem>> -> memref<1x2x100x64xf32, #tpu.memory_space<vmem>>
    %dma_wait3A_315 = tpu.memref_squeeze %dma_wait3A_314 : memref<1x2x100x64xf32, #tpu.memory_space<vmem>> -> memref<2x100x64xf32, #tpu.memory_space<vmem>>
    %dma_wait3A_316 = arith.constant 0 : i32
    %dma_wait3A_317 = arith.constant 0 : i32
    %dma_wait3A_318 = tpu.memref_slice %dma_wait3A_315[%dma_wait3A_309, %dma_wait3A_316, %dma_wait3A_317] : memref<2x100x64xf32, #tpu.memory_space<vmem>> -> memref<1x100x64xf32, #tpu.memory_space<vmem>>
    %dma_wait3A_319 = tpu.memref_squeeze %dma_wait3A_318 : memref<1x100x64xf32, #tpu.memory_space<vmem>> -> memref<100x64xf32, #tpu.memory_space<vmem>>
    %dma_wait3A_320 = arith.constant 0 : i32
    %dma_wait3A_321 = arith.constant 0 : i32
    %dma_wait3A_322 = tpu.memref_slice %arg4[%dma_wait3A_320, %dma_wait3A_321] : memref<1000000x64xf32, #tpu.memory_space<hbm>> -> memref<100x64xf32, #tpu.memory_space<hbm>>
    %dma_wait3A_323 = tpu.memref_slice %arg10[%dma_wait3A_310] : memref<4x!tpu.dma_semaphore, #tpu.memory_space<semaphore_mem>> -> memref<1x!tpu.dma_semaphore, #tpu.memory_space<semaphore_mem>>
    %dma_wait3A_324 = tpu.memref_squeeze %dma_wait3A_323 : memref<1x!tpu.dma_semaphore, #tpu.memory_space<semaphore_mem>> -> memref<!tpu.dma_semaphore, #tpu.memory_space<semaphore_mem>>
    %dma_wait3A_325 = arith.constant 0 : i32
    %dma_wait3A_326 = arith.constant 0 : i32
    %dma_wait3A_327 = arith.constant 0 : i32
    %dma_wait3A_328 = tpu.memref_slice %arg8[%dma_wait3A_308, %dma_wait3A_325, %dma_wait3A_326, %dma_wait3A_327] : memref<4x2x100x64xf32, #tpu.memory_space<vmem>> -> memref<1x2x100x64xf32, #tpu.memory_space<vmem>>
    %dma_wait3A_329 = tpu.memref_squeeze %dma_wait3A_328 : memref<1x2x100x64xf32, #tpu.memory_space<vmem>> -> memref<2x100x64xf32, #tpu.memory_space<vmem>>
    %dma_wait3A_330 = arith.constant 0 : i32
    %dma_wait3A_331 = arith.constant 0 : i32
    %dma_wait3A_332 = tpu.memref_slice %dma_wait3A_329[%dma_wait3A_309, %dma_wait3A_330, %dma_wait3A_331] : memref<2x100x64xf32, #tpu.memory_space<vmem>> -> memref<1x100x64xf32, #tpu.memory_space<vmem>>
    %dma_wait3A_333 = tpu.memref_squeeze %dma_wait3A_332 : memref<1x100x64xf32, #tpu.memory_space<vmem>> -> memref<100x64xf32, #tpu.memory_space<vmem>>
    %dma_wait3A_334 = arith.constant 0 : i32
    %dma_wait3A_335 = arith.constant 0 : i32
    %dma_wait3A_336 = tpu.memref_slice %arg4[%dma_wait3A_334, %dma_wait3A_335] : memref<1000000x64xf32, #tpu.memory_space<hbm>> -> memref<100x64xf32, #tpu.memory_space<hbm>>
    tpu.wait_dma2 semaphore(%dma_wait3A_324 : memref<!tpu.dma_semaphore, #tpu.memory_space<semaphore_mem>>) src(%dma_wait3A_336 : memref<100x64xf32, #tpu.memory_space<hbm>>) dst(%dma_wait3A_333 : memref<100x64xf32, #tpu.memory_space<vmem>>)
    %add3A_337 = arith.constant 1 : i32
    %add3A_338 = arith.addi %mul3A_2, %add3A_337 : i32
    %mul3A_339 = arith.constant 100 : i32
    %mul3A_340 = arith.muli %add3A_338, %mul3A_339 : i32
    %dma_start3A_341 = arith.constant 1 : i32
    %dma_start3A_342 = arith.constant 0 : i32
    %dma_start3A_343 = arith.constant 1 : i32
    %dma_start3A_344 = arith.constant 0 : i32
    %dma_start3A_345 = arith.constant 0 : i32
    %dma_start3A_346 = arith.constant 0 : i32
    %dma_start3A_347 = tpu.memref_slice %arg8[%dma_start3A_341, %dma_start3A_344, %dma_start3A_345, %dma_start3A_346] : memref<4x2x100x64xf32, #tpu.memory_space<vmem>> -> memref<1x2x100x64xf32, #tpu.memory_space<vmem>>
    %dma_start3A_348 = tpu.memref_squeeze %dma_start3A_347 : memref<1x2x100x64xf32, #tpu.memory_space<vmem>> -> memref<2x100x64xf32, #tpu.memory_space<vmem>>
    %dma_start3A_349 = arith.constant 0 : i32
    %dma_start3A_350 = arith.constant 0 : i32
    %dma_start3A_351 = tpu.memref_slice %dma_start3A_348[%dma_start3A_342, %dma_start3A_349, %dma_start3A_350] : memref<2x100x64xf32, #tpu.memory_space<vmem>> -> memref<1x100x64xf32, #tpu.memory_space<vmem>>
    %dma_start3A_352 = tpu.memref_squeeze %dma_start3A_351 : memref<1x100x64xf32, #tpu.memory_space<vmem>> -> memref<100x64xf32, #tpu.memory_space<vmem>>
    %dma_start3A_353 = arith.constant 0 : i32
    %dma_start3A_354 = tpu.memref_slice %arg5[%mul3A_340, %dma_start3A_353] : memref<409600x128xf32, #tpu.memory_space<hbm>> -> memref<100x64xf32, #tpu.memory_space<hbm>>
    %dma_start3A_355 = tpu.memref_slice %arg11[%dma_start3A_343] : memref<4x!tpu.dma_semaphore, #tpu.memory_space<semaphore_mem>> -> memref<1x!tpu.dma_semaphore, #tpu.memory_space<semaphore_mem>>
    %dma_start3A_356 = tpu.memref_squeeze %dma_start3A_355 : memref<1x!tpu.dma_semaphore, #tpu.memory_space<semaphore_mem>> -> memref<!tpu.dma_semaphore, #tpu.memory_space<semaphore_mem>>
    %dma_start3A_357 = arith.constant 0 : i32
    %dma_start3A_358 = tpu.memref_slice %arg5[%mul3A_340, %dma_start3A_357] : memref<409600x128xf32, #tpu.memory_space<hbm>> -> memref<100x64xf32, #tpu.memory_space<hbm>>
    %dma_start3A_359 = arith.constant 0 : i32
    %dma_start3A_360 = arith.constant 0 : i32
    %dma_start3A_361 = arith.constant 0 : i32
    %dma_start3A_362 = tpu.memref_slice %arg8[%dma_start3A_341, %dma_start3A_359, %dma_start3A_360, %dma_start3A_361] : memref<4x2x100x64xf32, #tpu.memory_space<vmem>> -> memref<1x2x100x64xf32, #tpu.memory_space<vmem>>
    %dma_start3A_363 = tpu.memref_squeeze %dma_start3A_362 : memref<1x2x100x64xf32, #tpu.memory_space<vmem>> -> memref<2x100x64xf32, #tpu.memory_space<vmem>>
    %dma_start3A_364 = arith.constant 0 : i32
    %dma_start3A_365 = arith.constant 0 : i32
    %dma_start3A_366 = tpu.memref_slice %dma_start3A_363[%dma_start3A_342, %dma_start3A_364, %dma_start3A_365] : memref<2x100x64xf32, #tpu.memory_space<vmem>> -> memref<1x100x64xf32, #tpu.memory_space<vmem>>
    %dma_start3A_367 = tpu.memref_squeeze %dma_start3A_366 : memref<1x100x64xf32, #tpu.memory_space<vmem>> -> memref<100x64xf32, #tpu.memory_space<vmem>>
    tpu.enqueue_dma source(%dma_start3A_367 : memref<100x64xf32, #tpu.memory_space<vmem>>) target(%dma_start3A_358 : memref<100x64xf32, #tpu.memory_space<hbm>>) target_semaphore(%dma_start3A_356 : memref<!tpu.dma_semaphore, #tpu.memory_space<semaphore_mem>>)
    %add3A_368 = arith.constant 1 : i32
    %add3A_369 = arith.addi %mul3A_2, %add3A_368 : i32
    %mul3A_370 = arith.constant 100 : i32
    %mul3A_371 = arith.muli %add3A_369, %mul3A_370 : i32
    %dma_start3A_372 = arith.constant 1 : i32
    %dma_start3A_373 = arith.constant 1 : i32
    %dma_start3A_374 = arith.constant 1 : i32
    %dma_start3A_375 = arith.constant 0 : i32
    %dma_start3A_376 = arith.constant 0 : i32
    %dma_start3A_377 = arith.constant 0 : i32
    %dma_start3A_378 = tpu.memref_slice %arg8[%dma_start3A_372, %dma_start3A_375, %dma_start3A_376, %dma_start3A_377] : memref<4x2x100x64xf32, #tpu.memory_space<vmem>> -> memref<1x2x100x64xf32, #tpu.memory_space<vmem>>
    %dma_start3A_379 = tpu.memref_squeeze %dma_start3A_378 : memref<1x2x100x64xf32, #tpu.memory_space<vmem>> -> memref<2x100x64xf32, #tpu.memory_space<vmem>>
    %dma_start3A_380 = arith.constant 0 : i32
    %dma_start3A_381 = arith.constant 0 : i32
    %dma_start3A_382 = tpu.memref_slice %dma_start3A_379[%dma_start3A_373, %dma_start3A_380, %dma_start3A_381] : memref<2x100x64xf32, #tpu.memory_space<vmem>> -> memref<1x100x64xf32, #tpu.memory_space<vmem>>
    %dma_start3A_383 = tpu.memref_squeeze %dma_start3A_382 : memref<1x100x64xf32, #tpu.memory_space<vmem>> -> memref<100x64xf32, #tpu.memory_space<vmem>>
    %dma_start3A_384 = arith.constant 64 : i32
    %dma_start3A_385 = tpu.memref_slice %arg5[%mul3A_371, %dma_start3A_384] : memref<409600x128xf32, #tpu.memory_space<hbm>> -> memref<100x64xf32, #tpu.memory_space<hbm>>
    %dma_start3A_386 = tpu.memref_slice %arg11[%dma_start3A_374] : memref<4x!tpu.dma_semaphore, #tpu.memory_space<semaphore_mem>> -> memref<1x!tpu.dma_semaphore, #tpu.memory_space<semaphore_mem>>
    %dma_start3A_387 = tpu.memref_squeeze %dma_start3A_386 : memref<1x!tpu.dma_semaphore, #tpu.memory_space<semaphore_mem>> -> memref<!tpu.dma_semaphore, #tpu.memory_space<semaphore_mem>>
    %dma_start3A_388 = arith.constant 64 : i32
    %dma_start3A_389 = tpu.memref_slice %arg5[%mul3A_371, %dma_start3A_388] : memref<409600x128xf32, #tpu.memory_space<hbm>> -> memref<100x64xf32, #tpu.memory_space<hbm>>
    %dma_start3A_390 = arith.constant 0 : i32
    %dma_start3A_391 = arith.constant 0 : i32
    %dma_start3A_392 = arith.constant 0 : i32
    %dma_start3A_393 = tpu.memref_slice %arg8[%dma_start3A_372, %dma_start3A_390, %dma_start3A_391, %dma_start3A_392] : memref<4x2x100x64xf32, #tpu.memory_space<vmem>> -> memref<1x2x100x64xf32, #tpu.memory_space<vmem>>
    %dma_start3A_394 = tpu.memref_squeeze %dma_start3A_393 : memref<1x2x100x64xf32, #tpu.memory_space<vmem>> -> memref<2x100x64xf32, #tpu.memory_space<vmem>>
    %dma_start3A_395 = arith.constant 0 : i32
    %dma_start3A_396 = arith.constant 0 : i32
    %dma_start3A_397 = tpu.memref_slice %dma_start3A_394[%dma_start3A_373, %dma_start3A_395, %dma_start3A_396] : memref<2x100x64xf32, #tpu.memory_space<vmem>> -> memref<1x100x64xf32, #tpu.memory_space<vmem>>
    %dma_start3A_398 = tpu.memref_squeeze %dma_start3A_397 : memref<1x100x64xf32, #tpu.memory_space<vmem>> -> memref<100x64xf32, #tpu.memory_space<vmem>>
    tpu.enqueue_dma source(%dma_start3A_398 : memref<100x64xf32, #tpu.memory_space<vmem>>) target(%dma_start3A_389 : memref<100x64xf32, #tpu.memory_space<hbm>>) target_semaphore(%dma_start3A_387 : memref<!tpu.dma_semaphore, #tpu.memory_space<semaphore_mem>>)
    %dma_wait3A_399 = arith.constant 2 : i32
    %dma_wait3A_400 = arith.constant 2 : i32
    %dma_wait3A_401 = arith.constant 0 : i32
    %dma_wait3A_402 = arith.constant 0 : i32
    %dma_wait3A_403 = arith.constant 0 : i32
    %dma_wait3A_404 = tpu.memref_slice %arg8[%dma_wait3A_399, %dma_wait3A_401, %dma_wait3A_402, %dma_wait3A_403] : memref<4x2x100x64xf32, #tpu.memory_space<vmem>> -> memref<1x2x100x64xf32, #tpu.memory_space<vmem>>
    %dma_wait3A_405 = tpu.memref_squeeze %dma_wait3A_404 : memref<1x2x100x64xf32, #tpu.memory_space<vmem>> -> memref<2x100x64xf32, #tpu.memory_space<vmem>>
    %dma_wait3A_406 = tpu.memref_slice %arg9[%dma_wait3A_400] : memref<4x!tpu.dma_semaphore, #tpu.memory_space<semaphore_mem>> -> memref<1x!tpu.dma_semaphore, #tpu.memory_space<semaphore_mem>>
    %dma_wait3A_407 = tpu.memref_squeeze %dma_wait3A_406 : memref<1x!tpu.dma_semaphore, #tpu.memory_space<semaphore_mem>> -> memref<!tpu.dma_semaphore, #tpu.memory_space<semaphore_mem>>
    %dma_wait3A_408 = arith.constant 0 : i32
    %dma_wait3A_409 = arith.constant 0 : i32
    %dma_wait3A_410 = arith.constant 0 : i32
    %dma_wait3A_411 = tpu.memref_slice %arg8[%dma_wait3A_399, %dma_wait3A_408, %dma_wait3A_409, %dma_wait3A_410] : memref<4x2x100x64xf32, #tpu.memory_space<vmem>> -> memref<1x2x100x64xf32, #tpu.memory_space<vmem>>
    %dma_wait3A_412 = tpu.memref_squeeze %dma_wait3A_411 : memref<1x2x100x64xf32, #tpu.memory_space<vmem>> -> memref<2x100x64xf32, #tpu.memory_space<vmem>>
    tpu.wait_dma2 semaphore(%dma_wait3A_407 : memref<!tpu.dma_semaphore, #tpu.memory_space<semaphore_mem>>) src(%arg6 : memref<2x100x64xf32, #tpu.memory_space<vmem_shared>>) dst(%dma_wait3A_412 : memref<2x100x64xf32, #tpu.memory_space<vmem>>)
    %dma_start3A_413 = arith.constant 4 : i32
    %dma_start3A_414 = arith.constant 2 : i32
    %dma_start3A_415 = arith.constant 0 : i32
    %dma_start3A_416 = arith.constant 2 : i32
    %dma_start3A_417 = arith.constant 0 : i32
    %dma_start3A_418 = arith.constant 0 : i32
    %dma_start3A_419 = arith.constant 0 : i32
    %dma_start3A_420 = tpu.memref_slice %arg8[%dma_start3A_414, %dma_start3A_417, %dma_start3A_418, %dma_start3A_419] : memref<4x2x100x64xf32, #tpu.memory_space<vmem>> -> memref<1x2x100x64xf32, #tpu.memory_space<vmem>>
    %dma_start3A_421 = tpu.memref_squeeze %dma_start3A_420 : memref<1x2x100x64xf32, #tpu.memory_space<vmem>> -> memref<2x100x64xf32, #tpu.memory_space<vmem>>
    %dma_start3A_422 = arith.constant 0 : i32
    %dma_start3A_423 = arith.constant 0 : i32
    %dma_start3A_424 = tpu.memref_slice %dma_start3A_421[%dma_start3A_415, %dma_start3A_422, %dma_start3A_423] : memref<2x100x64xf32, #tpu.memory_space<vmem>> -> memref<1x100x64xf32, #tpu.memory_space<vmem>>
    %dma_start3A_425 = tpu.memref_squeeze %dma_start3A_424 : memref<1x100x64xf32, #tpu.memory_space<vmem>> -> memref<100x64xf32, #tpu.memory_space<vmem>>
    %dma_start3A_426 = arith.constant 0 : i32
    %dma_start3A_427 = tpu.memref_slice %arg7[%dma_start3A_413, %dma_start3A_426] : memref<256x100xi32, #tpu.memory_space<vmem>> -> memref<1x100xi32, #tpu.memory_space<vmem>>
    %dma_start3A_428 = tpu.memref_squeeze %dma_start3A_427 : memref<1x100xi32, #tpu.memory_space<vmem>> -> memref<100xi32, #tpu.memory_space<vmem>>
    %dma_start3A_429 = arith.constant 0 : i32
    %dma_start3A_430 = arith.constant 0 : i32
    %dma_start3A_431 = tpu.memref_slice %arg4[%dma_start3A_429, %dma_start3A_430] : memref<1000000x64xf32, #tpu.memory_space<hbm>> -> memref<1000000x64xf32, #tpu.memory_space<hbm>>
    %dma_start3A_432 = tpu.memref_slice %arg10[%dma_start3A_416] : memref<4x!tpu.dma_semaphore, #tpu.memory_space<semaphore_mem>> -> memref<1x!tpu.dma_semaphore, #tpu.memory_space<semaphore_mem>>
    %dma_start3A_433 = tpu.memref_squeeze %dma_start3A_432 : memref<1x!tpu.dma_semaphore, #tpu.memory_space<semaphore_mem>> -> memref<!tpu.dma_semaphore, #tpu.memory_space<semaphore_mem>>
    tpu.enqueue_indirect_dma source(%dma_start3A_431 : memref<1000000x64xf32, #tpu.memory_space<hbm>>) target(%dma_start3A_425 : memref<100x64xf32, #tpu.memory_space<vmem>>) offsets(%dma_start3A_428 : memref<100xi32, #tpu.memory_space<vmem>>) semaphore(%dma_start3A_433 : memref<!tpu.dma_semaphore, #tpu.memory_space<semaphore_mem>>) {add = true}
    %dma_start3A_434 = arith.constant 5 : i32
    %dma_start3A_435 = arith.constant 2 : i32
    %dma_start3A_436 = arith.constant 1 : i32
    %dma_start3A_437 = arith.constant 2 : i32
    %dma_start3A_438 = arith.constant 0 : i32
    %dma_start3A_439 = arith.constant 0 : i32
    %dma_start3A_440 = arith.constant 0 : i32
    %dma_start3A_441 = tpu.memref_slice %arg8[%dma_start3A_435, %dma_start3A_438, %dma_start3A_439, %dma_start3A_440] : memref<4x2x100x64xf32, #tpu.memory_space<vmem>> -> memref<1x2x100x64xf32, #tpu.memory_space<vmem>>
    %dma_start3A_442 = tpu.memref_squeeze %dma_start3A_441 : memref<1x2x100x64xf32, #tpu.memory_space<vmem>> -> memref<2x100x64xf32, #tpu.memory_space<vmem>>
    %dma_start3A_443 = arith.constant 0 : i32
    %dma_start3A_444 = arith.constant 0 : i32
    %dma_start3A_445 = tpu.memref_slice %dma_start3A_442[%dma_start3A_436, %dma_start3A_443, %dma_start3A_444] : memref<2x100x64xf32, #tpu.memory_space<vmem>> -> memref<1x100x64xf32, #tpu.memory_space<vmem>>
    %dma_start3A_446 = tpu.memref_squeeze %dma_start3A_445 : memref<1x100x64xf32, #tpu.memory_space<vmem>> -> memref<100x64xf32, #tpu.memory_space<vmem>>
    %dma_start3A_447 = arith.constant 0 : i32
    %dma_start3A_448 = tpu.memref_slice %arg7[%dma_start3A_434, %dma_start3A_447] : memref<256x100xi32, #tpu.memory_space<vmem>> -> memref<1x100xi32, #tpu.memory_space<vmem>>
    %dma_start3A_449 = tpu.memref_squeeze %dma_start3A_448 : memref<1x100xi32, #tpu.memory_space<vmem>> -> memref<100xi32, #tpu.memory_space<vmem>>
    %dma_start3A_450 = arith.constant 0 : i32
    %dma_start3A_451 = arith.constant 0 : i32
    %dma_start3A_452 = tpu.memref_slice %arg4[%dma_start3A_450, %dma_start3A_451] : memref<1000000x64xf32, #tpu.memory_space<hbm>> -> memref<1000000x64xf32, #tpu.memory_space<hbm>>
    %dma_start3A_453 = tpu.memref_slice %arg10[%dma_start3A_437] : memref<4x!tpu.dma_semaphore, #tpu.memory_space<semaphore_mem>> -> memref<1x!tpu.dma_semaphore, #tpu.memory_space<semaphore_mem>>
    %dma_start3A_454 = tpu.memref_squeeze %dma_start3A_453 : memref<1x!tpu.dma_semaphore, #tpu.memory_space<semaphore_mem>> -> memref<!tpu.dma_semaphore, #tpu.memory_space<semaphore_mem>>
    tpu.enqueue_indirect_dma source(%dma_start3A_452 : memref<1000000x64xf32, #tpu.memory_space<hbm>>) target(%dma_start3A_446 : memref<100x64xf32, #tpu.memory_space<vmem>>) offsets(%dma_start3A_449 : memref<100xi32, #tpu.memory_space<vmem>>) semaphore(%dma_start3A_454 : memref<!tpu.dma_semaphore, #tpu.memory_space<semaphore_mem>>) {add = true}
    %dma_start3A_455 = arith.constant 3 : i32
    %dma_start3A_456 = arith.constant 3 : i32
    %dma_start3A_457 = arith.constant 0 : i32
    %dma_start3A_458 = arith.constant 0 : i32
    %dma_start3A_459 = arith.constant 0 : i32
    %dma_start3A_460 = tpu.memref_slice %arg8[%dma_start3A_455, %dma_start3A_457, %dma_start3A_458, %dma_start3A_459] : memref<4x2x100x64xf32, #tpu.memory_space<vmem>> -> memref<1x2x100x64xf32, #tpu.memory_space<vmem>>
    %dma_start3A_461 = tpu.memref_squeeze %dma_start3A_460 : memref<1x2x100x64xf32, #tpu.memory_space<vmem>> -> memref<2x100x64xf32, #tpu.memory_space<vmem>>
    %dma_start3A_462 = tpu.memref_slice %arg9[%dma_start3A_456] : memref<4x!tpu.dma_semaphore, #tpu.memory_space<semaphore_mem>> -> memref<1x!tpu.dma_semaphore, #tpu.memory_space<semaphore_mem>>
    %dma_start3A_463 = tpu.memref_squeeze %dma_start3A_462 : memref<1x!tpu.dma_semaphore, #tpu.memory_space<semaphore_mem>> -> memref<!tpu.dma_semaphore, #tpu.memory_space<semaphore_mem>>
    %dma_start3A_464 = arith.constant 0 : i32
    %dma_start3A_465 = arith.constant 0 : i32
    %dma_start3A_466 = arith.constant 0 : i32
    %dma_start3A_467 = tpu.memref_slice %arg8[%dma_start3A_455, %dma_start3A_464, %dma_start3A_465, %dma_start3A_466] : memref<4x2x100x64xf32, #tpu.memory_space<vmem>> -> memref<1x2x100x64xf32, #tpu.memory_space<vmem>>
    %dma_start3A_468 = tpu.memref_squeeze %dma_start3A_467 : memref<1x2x100x64xf32, #tpu.memory_space<vmem>> -> memref<2x100x64xf32, #tpu.memory_space<vmem>>
    tpu.enqueue_dma source(%arg6 : memref<2x100x64xf32, #tpu.memory_space<vmem_shared>>) target(%dma_start3A_468 : memref<2x100x64xf32, #tpu.memory_space<vmem>>) target_semaphore(%dma_start3A_463 : memref<!tpu.dma_semaphore, #tpu.memory_space<semaphore_mem>>)
    %dma_wait3A_469 = arith.constant 2 : i32
    %dma_wait3A_470 = arith.constant 0 : i32
    %dma_wait3A_471 = arith.constant 2 : i32
    %dma_wait3A_472 = arith.constant 0 : i32
    %dma_wait3A_473 = arith.constant 0 : i32
    %dma_wait3A_474 = arith.constant 0 : i32
    %dma_wait3A_475 = tpu.memref_slice %arg8[%dma_wait3A_469, %dma_wait3A_472, %dma_wait3A_473, %dma_wait3A_474] : memref<4x2x100x64xf32, #tpu.memory_space<vmem>> -> memref<1x2x100x64xf32, #tpu.memory_space<vmem>>
    %dma_wait3A_476 = tpu.memref_squeeze %dma_wait3A_475 : memref<1x2x100x64xf32, #tpu.memory_space<vmem>> -> memref<2x100x64xf32, #tpu.memory_space<vmem>>
    %dma_wait3A_477 = arith.constant 0 : i32
    %dma_wait3A_478 = arith.constant 0 : i32
    %dma_wait3A_479 = tpu.memref_slice %dma_wait3A_476[%dma_wait3A_470, %dma_wait3A_477, %dma_wait3A_478] : memref<2x100x64xf32, #tpu.memory_space<vmem>> -> memref<1x100x64xf32, #tpu.memory_space<vmem>>
    %dma_wait3A_480 = tpu.memref_squeeze %dma_wait3A_479 : memref<1x100x64xf32, #tpu.memory_space<vmem>> -> memref<100x64xf32, #tpu.memory_space<vmem>>
    %dma_wait3A_481 = arith.constant 0 : i32
    %dma_wait3A_482 = arith.constant 0 : i32
    %dma_wait3A_483 = tpu.memref_slice %arg4[%dma_wait3A_481, %dma_wait3A_482] : memref<1000000x64xf32, #tpu.memory_space<hbm>> -> memref<100x64xf32, #tpu.memory_space<hbm>>
    %dma_wait3A_484 = tpu.memref_slice %arg10[%dma_wait3A_471] : memref<4x!tpu.dma_semaphore, #tpu.memory_space<semaphore_mem>> -> memref<1x!tpu.dma_semaphore, #tpu.memory_space<semaphore_mem>>
    %dma_wait3A_485 = tpu.memref_squeeze %dma_wait3A_484 : memref<1x!tpu.dma_semaphore, #tpu.memory_space<semaphore_mem>> -> memref<!tpu.dma_semaphore, #tpu.memory_space<semaphore_mem>>
    %dma_wait3A_486 = arith.constant 0 : i32
    %dma_wait3A_487 = arith.constant 0 : i32
    %dma_wait3A_488 = arith.constant 0 : i32
    %dma_wait3A_489 = tpu.memref_slice %arg8[%dma_wait3A_469, %dma_wait3A_486, %dma_wait3A_487, %dma_wait3A_488] : memref<4x2x100x64xf32, #tpu.memory_space<vmem>> -> memref<1x2x100x64xf32, #tpu.memory_space<vmem>>
    %dma_wait3A_490 = tpu.memref_squeeze %dma_wait3A_489 : memref<1x2x100x64xf32, #tpu.memory_space<vmem>> -> memref<2x100x64xf32, #tpu.memory_space<vmem>>
    %dma_wait3A_491 = arith.constant 0 : i32
    %dma_wait3A_492 = arith.constant 0 : i32
    %dma_wait3A_493 = tpu.memref_slice %dma_wait3A_490[%dma_wait3A_470, %dma_wait3A_491, %dma_wait3A_492] : memref<2x100x64xf32, #tpu.memory_space<vmem>> -> memref<1x100x64xf32, #tpu.memory_space<vmem>>
    %dma_wait3A_494 = tpu.memref_squeeze %dma_wait3A_493 : memref<1x100x64xf32, #tpu.memory_space<vmem>> -> memref<100x64xf32, #tpu.memory_space<vmem>>
    %dma_wait3A_495 = arith.constant 0 : i32
    %dma_wait3A_496 = arith.constant 0 : i32
    %dma_wait3A_497 = tpu.memref_slice %arg4[%dma_wait3A_495, %dma_wait3A_496] : memref<1000000x64xf32, #tpu.memory_space<hbm>> -> memref<100x64xf32, #tpu.memory_space<hbm>>
    tpu.wait_dma2 semaphore(%dma_wait3A_485 : memref<!tpu.dma_semaphore, #tpu.memory_space<semaphore_mem>>) src(%dma_wait3A_497 : memref<100x64xf32, #tpu.memory_space<hbm>>) dst(%dma_wait3A_494 : memref<100x64xf32, #tpu.memory_space<vmem>>)
    %dma_wait3A_498 = arith.constant 2 : i32
    %dma_wait3A_499 = arith.constant 1 : i32
    %dma_wait3A_500 = arith.constant 2 : i32
    %dma_wait3A_501 = arith.constant 0 : i32
    %dma_wait3A_502 = arith.constant 0 : i32
    %dma_wait3A_503 = arith.constant 0 : i32
    %dma_wait3A_504 = tpu.memref_slice %arg8[%dma_wait3A_498, %dma_wait3A_501, %dma_wait3A_502, %dma_wait3A_503] : memref<4x2x100x64xf32, #tpu.memory_space<vmem>> -> memref<1x2x100x64xf32, #tpu.memory_space<vmem>>
    %dma_wait3A_505 = tpu.memref_squeeze %dma_wait3A_504 : memref<1x2x100x64xf32, #tpu.memory_space<vmem>> -> memref<2x100x64xf32, #tpu.memory_space<vmem>>
    %dma_wait3A_506 = arith.constant 0 : i32
    %dma_wait3A_507 = arith.constant 0 : i32
    %dma_wait3A_508 = tpu.memref_slice %dma_wait3A_505[%dma_wait3A_499, %dma_wait3A_506, %dma_wait3A_507] : memref<2x100x64xf32, #tpu.memory_space<vmem>> -> memref<1x100x64xf32, #tpu.memory_space<vmem>>
    %dma_wait3A_509 = tpu.memref_squeeze %dma_wait3A_508 : memref<1x100x64xf32, #tpu.memory_space<vmem>> -> memref<100x64xf32, #tpu.memory_space<vmem>>
    %dma_wait3A_510 = arith.constant 0 : i32
    %dma_wait3A_511 = arith.constant 0 : i32
    %dma_wait3A_512 = tpu.memref_slice %arg4[%dma_wait3A_510, %dma_wait3A_511] : memref<1000000x64xf32, #tpu.memory_space<hbm>> -> memref<100x64xf32, #tpu.memory_space<hbm>>
    %dma_wait3A_513 = tpu.memref_slice %arg10[%dma_wait3A_500] : memref<4x!tpu.dma_semaphore, #tpu.memory_space<semaphore_mem>> -> memref<1x!tpu.dma_semaphore, #tpu.memory_space<semaphore_mem>>
    %dma_wait3A_514 = tpu.memref_squeeze %dma_wait3A_513 : memref<1x!tpu.dma_semaphore, #tpu.memory_space<semaphore_mem>> -> memref<!tpu.dma_semaphore, #tpu.memory_space<semaphore_mem>>
    %dma_wait3A_515 = arith.constant 0 : i32
    %dma_wait3A_516 = arith.constant 0 : i32
    %dma_wait3A_517 = arith.constant 0 : i32
    %dma_wait3A_518 = tpu.memref_slice %arg8[%dma_wait3A_498, %dma_wait3A_515, %dma_wait3A_516, %dma_wait3A_517] : memref<4x2x100x64xf32, #tpu.memory_space<vmem>> -> memref<1x2x100x64xf32, #tpu.memory_space<vmem>>
    %dma_wait3A_519 = tpu.memref_squeeze %dma_wait3A_518 : memref<1x2x100x64xf32, #tpu.memory_space<vmem>> -> memref<2x100x64xf32, #tpu.memory_space<vmem>>
    %dma_wait3A_520 = arith.constant 0 : i32
    %dma_wait3A_521 = arith.constant 0 : i32
    %dma_wait3A_522 = tpu.memref_slice %dma_wait3A_519[%dma_wait3A_499, %dma_wait3A_520, %dma_wait3A_521] : memref<2x100x64xf32, #tpu.memory_space<vmem>> -> memref<1x100x64xf32, #tpu.memory_space<vmem>>
    %dma_wait3A_523 = tpu.memref_squeeze %dma_wait3A_522 : memref<1x100x64xf32, #tpu.memory_space<vmem>> -> memref<100x64xf32, #tpu.memory_space<vmem>>
    %dma_wait3A_524 = arith.constant 0 : i32
    %dma_wait3A_525 = arith.constant 0 : i32
    %dma_wait3A_526 = tpu.memref_slice %arg4[%dma_wait3A_524, %dma_wait3A_525] : memref<1000000x64xf32, #tpu.memory_space<hbm>> -> memref<100x64xf32, #tpu.memory_space<hbm>>
    tpu.wait_dma2 semaphore(%dma_wait3A_514 : memref<!tpu.dma_semaphore, #tpu.memory_space<semaphore_mem>>) src(%dma_wait3A_526 : memref<100x64xf32, #tpu.memory_space<hbm>>) dst(%dma_wait3A_523 : memref<100x64xf32, #tpu.memory_space<vmem>>)
    %add3A_527 = arith.constant 2 : i32
    %add3A_528 = arith.addi %mul3A_2, %add3A_527 : i32
    %mul3A_529 = arith.constant 100 : i32
    %mul3A_530 = arith.muli %add3A_528, %mul3A_529 : i32
    %dma_start3A_531 = arith.constant 2 : i32
    %dma_start3A_532 = arith.constant 0 : i32
    %dma_start3A_533 = arith.constant 2 : i32
    %dma_start3A_534 = arith.constant 0 : i32
    %dma_start3A_535 = arith.constant 0 : i32
    %dma_start3A_536 = arith.constant 0 : i32
    %dma_start3A_537 = tpu.memref_slice %arg8[%dma_start3A_531, %dma_start3A_534, %dma_start3A_535, %dma_start3A_536] : memref<4x2x100x64xf32, #tpu.memory_space<vmem>> -> memref<1x2x100x64xf32, #tpu.memory_space<vmem>>
    %dma_start3A_538 = tpu.memref_squeeze %dma_start3A_537 : memref<1x2x100x64xf32, #tpu.memory_space<vmem>> -> memref<2x100x64xf32, #tpu.memory_space<vmem>>
    %dma_start3A_539 = arith.constant 0 : i32
    %dma_start3A_540 = arith.constant 0 : i32
    %dma_start3A_541 = tpu.memref_slice %dma_start3A_538[%dma_start3A_532, %dma_start3A_539, %dma_start3A_540] : memref<2x100x64xf32, #tpu.memory_space<vmem>> -> memref<1x100x64xf32, #tpu.memory_space<vmem>>
    %dma_start3A_542 = tpu.memref_squeeze %dma_start3A_541 : memref<1x100x64xf32, #tpu.memory_space<vmem>> -> memref<100x64xf32, #tpu.memory_space<vmem>>
    %dma_start3A_543 = arith.constant 0 : i32
    %dma_start3A_544 = tpu.memref_slice %arg5[%mul3A_530, %dma_start3A_543] : memref<409600x128xf32, #tpu.memory_space<hbm>> -> memref<100x64xf32, #tpu.memory_space<hbm>>
    %dma_start3A_545 = tpu.memref_slice %arg11[%dma_start3A_533] : memref<4x!tpu.dma_semaphore, #tpu.memory_space<semaphore_mem>> -> memref<1x!tpu.dma_semaphore, #tpu.memory_space<semaphore_mem>>
    %dma_start3A_546 = tpu.memref_squeeze %dma_start3A_545 : memref<1x!tpu.dma_semaphore, #tpu.memory_space<semaphore_mem>> -> memref<!tpu.dma_semaphore, #tpu.memory_space<semaphore_mem>>
    %dma_start3A_547 = arith.constant 0 : i32
    %dma_start3A_548 = tpu.memref_slice %arg5[%mul3A_530, %dma_start3A_547] : memref<409600x128xf32, #tpu.memory_space<hbm>> -> memref<100x64xf32, #tpu.memory_space<hbm>>
    %dma_start3A_549 = arith.constant 0 : i32
    %dma_start3A_550 = arith.constant 0 : i32
    %dma_start3A_551 = arith.constant 0 : i32
    %dma_start3A_552 = tpu.memref_slice %arg8[%dma_start3A_531, %dma_start3A_549, %dma_start3A_550, %dma_start3A_551] : memref<4x2x100x64xf32, #tpu.memory_space<vmem>> -> memref<1x2x100x64xf32, #tpu.memory_space<vmem>>
    %dma_start3A_553 = tpu.memref_squeeze %dma_start3A_552 : memref<1x2x100x64xf32, #tpu.memory_space<vmem>> -> memref<2x100x64xf32, #tpu.memory_space<vmem>>
    %dma_start3A_554 = arith.constant 0 : i32
    %dma_start3A_555 = arith.constant 0 : i32
    %dma_start3A_556 = tpu.memref_slice %dma_start3A_553[%dma_start3A_532, %dma_start3A_554, %dma_start3A_555] : memref<2x100x64xf32, #tpu.memory_space<vmem>> -> memref<1x100x64xf32, #tpu.memory_space<vmem>>
    %dma_start3A_557 = tpu.memref_squeeze %dma_start3A_556 : memref<1x100x64xf32, #tpu.memory_space<vmem>> -> memref<100x64xf32, #tpu.memory_space<vmem>>
    tpu.enqueue_dma source(%dma_start3A_557 : memref<100x64xf32, #tpu.memory_space<vmem>>) target(%dma_start3A_548 : memref<100x64xf32, #tpu.memory_space<hbm>>) target_semaphore(%dma_start3A_546 : memref<!tpu.dma_semaphore, #tpu.memory_space<semaphore_mem>>)
    %add3A_558 = arith.constant 2 : i32
    %add3A_559 = arith.addi %mul3A_2, %add3A_558 : i32
    %mul3A_560 = arith.constant 100 : i32
    %mul3A_561 = arith.muli %add3A_559, %mul3A_560 : i32
    %dma_start3A_562 = arith.constant 2 : i32
    %dma_start3A_563 = arith.constant 1 : i32
    %dma_start3A_564 = arith.constant 2 : i32
    %dma_start3A_565 = arith.constant 0 : i32
    %dma_start3A_566 = arith.constant 0 : i32
    %dma_start3A_567 = arith.constant 0 : i32
    %dma_start3A_568 = tpu.memref_slice %arg8[%dma_start3A_562, %dma_start3A_565, %dma_start3A_566, %dma_start3A_567] : memref<4x2x100x64xf32, #tpu.memory_space<vmem>> -> memref<1x2x100x64xf32, #tpu.memory_space<vmem>>
    %dma_start3A_569 = tpu.memref_squeeze %dma_start3A_568 : memref<1x2x100x64xf32, #tpu.memory_space<vmem>> -> memref<2x100x64xf32, #tpu.memory_space<vmem>>
    %dma_start3A_570 = arith.constant 0 : i32
    %dma_start3A_571 = arith.constant 0 : i32
    %dma_start3A_572 = tpu.memref_slice %dma_start3A_569[%dma_start3A_563, %dma_start3A_570, %dma_start3A_571] : memref<2x100x64xf32, #tpu.memory_space<vmem>> -> memref<1x100x64xf32, #tpu.memory_space<vmem>>
    %dma_start3A_573 = tpu.memref_squeeze %dma_start3A_572 : memref<1x100x64xf32, #tpu.memory_space<vmem>> -> memref<100x64xf32, #tpu.memory_space<vmem>>
    %dma_start3A_574 = arith.constant 64 : i32
    %dma_start3A_575 = tpu.memref_slice %arg5[%mul3A_561, %dma_start3A_574] : memref<409600x128xf32, #tpu.memory_space<hbm>> -> memref<100x64xf32, #tpu.memory_space<hbm>>
    %dma_start3A_576 = tpu.memref_slice %arg11[%dma_start3A_564] : memref<4x!tpu.dma_semaphore, #tpu.memory_space<semaphore_mem>> -> memref<1x!tpu.dma_semaphore, #tpu.memory_space<semaphore_mem>>
    %dma_start3A_577 = tpu.memref_squeeze %dma_start3A_576 : memref<1x!tpu.dma_semaphore, #tpu.memory_space<semaphore_mem>> -> memref<!tpu.dma_semaphore, #tpu.memory_space<semaphore_mem>>
    %dma_start3A_578 = arith.constant 64 : i32
    %dma_start3A_579 = tpu.memref_slice %arg5[%mul3A_561, %dma_start3A_578] : memref<409600x128xf32, #tpu.memory_space<hbm>> -> memref<100x64xf32, #tpu.memory_space<hbm>>
    %dma_start3A_580 = arith.constant 0 : i32
    %dma_start3A_581 = arith.constant 0 : i32
    %dma_start3A_582 = arith.constant 0 : i32
    %dma_start3A_583 = tpu.memref_slice %arg8[%dma_start3A_562, %dma_start3A_580, %dma_start3A_581, %dma_start3A_582] : memref<4x2x100x64xf32, #tpu.memory_space<vmem>> -> memref<1x2x100x64xf32, #tpu.memory_space<vmem>>
    %dma_start3A_584 = tpu.memref_squeeze %dma_start3A_583 : memref<1x2x100x64xf32, #tpu.memory_space<vmem>> -> memref<2x100x64xf32, #tpu.memory_space<vmem>>
    %dma_start3A_585 = arith.constant 0 : i32
    %dma_start3A_586 = arith.constant 0 : i32
    %dma_start3A_587 = tpu.memref_slice %dma_start3A_584[%dma_start3A_563, %dma_start3A_585, %dma_start3A_586] : memref<2x100x64xf32, #tpu.memory_space<vmem>> -> memref<1x100x64xf32, #tpu.memory_space<vmem>>
    %dma_start3A_588 = tpu.memref_squeeze %dma_start3A_587 : memref<1x100x64xf32, #tpu.memory_space<vmem>> -> memref<100x64xf32, #tpu.memory_space<vmem>>
    tpu.enqueue_dma source(%dma_start3A_588 : memref<100x64xf32, #tpu.memory_space<vmem>>) target(%dma_start3A_579 : memref<100x64xf32, #tpu.memory_space<hbm>>) target_semaphore(%dma_start3A_577 : memref<!tpu.dma_semaphore, #tpu.memory_space<semaphore_mem>>)
    %dma_wait3A_589 = arith.constant 3 : i32
    %dma_wait3A_590 = arith.constant 3 : i32
    %dma_wait3A_591 = arith.constant 0 : i32
    %dma_wait3A_592 = arith.constant 0 : i32
    %dma_wait3A_593 = arith.constant 0 : i32
    %dma_wait3A_594 = tpu.memref_slice %arg8[%dma_wait3A_589, %dma_wait3A_591, %dma_wait3A_592, %dma_wait3A_593] : memref<4x2x100x64xf32, #tpu.memory_space<vmem>> -> memref<1x2x100x64xf32, #tpu.memory_space<vmem>>
    %dma_wait3A_595 = tpu.memref_squeeze %dma_wait3A_594 : memref<1x2x100x64xf32, #tpu.memory_space<vmem>> -> memref<2x100x64xf32, #tpu.memory_space<vmem>>
    %dma_wait3A_596 = tpu.memref_slice %arg9[%dma_wait3A_590] : memref<4x!tpu.dma_semaphore, #tpu.memory_space<semaphore_mem>> -> memref<1x!tpu.dma_semaphore, #tpu.memory_space<semaphore_mem>>
    %dma_wait3A_597 = tpu.memref_squeeze %dma_wait3A_596 : memref<1x!tpu.dma_semaphore, #tpu.memory_space<semaphore_mem>> -> memref<!tpu.dma_semaphore, #tpu.memory_space<semaphore_mem>>
    %dma_wait3A_598 = arith.constant 0 : i32
    %dma_wait3A_599 = arith.constant 0 : i32
    %dma_wait3A_600 = arith.constant 0 : i32
    %dma_wait3A_601 = tpu.memref_slice %arg8[%dma_wait3A_589, %dma_wait3A_598, %dma_wait3A_599, %dma_wait3A_600] : memref<4x2x100x64xf32, #tpu.memory_space<vmem>> -> memref<1x2x100x64xf32, #tpu.memory_space<vmem>>
    %dma_wait3A_602 = tpu.memref_squeeze %dma_wait3A_601 : memref<1x2x100x64xf32, #tpu.memory_space<vmem>> -> memref<2x100x64xf32, #tpu.memory_space<vmem>>
    tpu.wait_dma2 semaphore(%dma_wait3A_597 : memref<!tpu.dma_semaphore, #tpu.memory_space<semaphore_mem>>) src(%arg6 : memref<2x100x64xf32, #tpu.memory_space<vmem_shared>>) dst(%dma_wait3A_602 : memref<2x100x64xf32, #tpu.memory_space<vmem>>)
    %dma_start3A_603 = arith.constant 6 : i32
    %dma_start3A_604 = arith.constant 3 : i32
    %dma_start3A_605 = arith.constant 0 : i32
    %dma_start3A_606 = arith.constant 3 : i32
    %dma_start3A_607 = arith.constant 0 : i32
    %dma_start3A_608 = arith.constant 0 : i32
    %dma_start3A_609 = arith.constant 0 : i32
    %dma_start3A_610 = tpu.memref_slice %arg8[%dma_start3A_604, %dma_start3A_607, %dma_start3A_608, %dma_start3A_609] : memref<4x2x100x64xf32, #tpu.memory_space<vmem>> -> memref<1x2x100x64xf32, #tpu.memory_space<vmem>>
    %dma_start3A_611 = tpu.memref_squeeze %dma_start3A_610 : memref<1x2x100x64xf32, #tpu.memory_space<vmem>> -> memref<2x100x64xf32, #tpu.memory_space<vmem>>
    %dma_start3A_612 = arith.constant 0 : i32
    %dma_start3A_613 = arith.constant 0 : i32
    %dma_start3A_614 = tpu.memref_slice %dma_start3A_611[%dma_start3A_605, %dma_start3A_612, %dma_start3A_613] : memref<2x100x64xf32, #tpu.memory_space<vmem>> -> memref<1x100x64xf32, #tpu.memory_space<vmem>>
    %dma_start3A_615 = tpu.memref_squeeze %dma_start3A_614 : memref<1x100x64xf32, #tpu.memory_space<vmem>> -> memref<100x64xf32, #tpu.memory_space<vmem>>
    %dma_start3A_616 = arith.constant 0 : i32
    %dma_start3A_617 = tpu.memref_slice %arg7[%dma_start3A_603, %dma_start3A_616] : memref<256x100xi32, #tpu.memory_space<vmem>> -> memref<1x100xi32, #tpu.memory_space<vmem>>
    %dma_start3A_618 = tpu.memref_squeeze %dma_start3A_617 : memref<1x100xi32, #tpu.memory_space<vmem>> -> memref<100xi32, #tpu.memory_space<vmem>>
    %dma_start3A_619 = arith.constant 0 : i32
    %dma_start3A_620 = arith.constant 0 : i32
    %dma_start3A_621 = tpu.memref_slice %arg4[%dma_start3A_619, %dma_start3A_620] : memref<1000000x64xf32, #tpu.memory_space<hbm>> -> memref<1000000x64xf32, #tpu.memory_space<hbm>>
    %dma_start3A_622 = tpu.memref_slice %arg10[%dma_start3A_606] : memref<4x!tpu.dma_semaphore, #tpu.memory_space<semaphore_mem>> -> memref<1x!tpu.dma_semaphore, #tpu.memory_space<semaphore_mem>>
    %dma_start3A_623 = tpu.memref_squeeze %dma_start3A_622 : memref<1x!tpu.dma_semaphore, #tpu.memory_space<semaphore_mem>> -> memref<!tpu.dma_semaphore, #tpu.memory_space<semaphore_mem>>
    tpu.enqueue_indirect_dma source(%dma_start3A_621 : memref<1000000x64xf32, #tpu.memory_space<hbm>>) target(%dma_start3A_615 : memref<100x64xf32, #tpu.memory_space<vmem>>) offsets(%dma_start3A_618 : memref<100xi32, #tpu.memory_space<vmem>>) semaphore(%dma_start3A_623 : memref<!tpu.dma_semaphore, #tpu.memory_space<semaphore_mem>>) {add = true}
    %dma_start3A_624 = arith.constant 7 : i32
    %dma_start3A_625 = arith.constant 3 : i32
    %dma_start3A_626 = arith.constant 1 : i32
    %dma_start3A_627 = arith.constant 3 : i32
    %dma_start3A_628 = arith.constant 0 : i32
    %dma_start3A_629 = arith.constant 0 : i32
    %dma_start3A_630 = arith.constant 0 : i32
    %dma_start3A_631 = tpu.memref_slice %arg8[%dma_start3A_625, %dma_start3A_628, %dma_start3A_629, %dma_start3A_630] : memref<4x2x100x64xf32, #tpu.memory_space<vmem>> -> memref<1x2x100x64xf32, #tpu.memory_space<vmem>>
    %dma_start3A_632 = tpu.memref_squeeze %dma_start3A_631 : memref<1x2x100x64xf32, #tpu.memory_space<vmem>> -> memref<2x100x64xf32, #tpu.memory_space<vmem>>
    %dma_start3A_633 = arith.constant 0 : i32
    %dma_start3A_634 = arith.constant 0 : i32
    %dma_start3A_635 = tpu.memref_slice %dma_start3A_632[%dma_start3A_626, %dma_start3A_633, %dma_start3A_634] : memref<2x100x64xf32, #tpu.memory_space<vmem>> -> memref<1x100x64xf32, #tpu.memory_space<vmem>>
    %dma_start3A_636 = tpu.memref_squeeze %dma_start3A_635 : memref<1x100x64xf32, #tpu.memory_space<vmem>> -> memref<100x64xf32, #tpu.memory_space<vmem>>
    %dma_start3A_637 = arith.constant 0 : i32
    %dma_start3A_638 = tpu.memref_slice %arg7[%dma_start3A_624, %dma_start3A_637] : memref<256x100xi32, #tpu.memory_space<vmem>> -> memref<1x100xi32, #tpu.memory_space<vmem>>
    %dma_start3A_639 = tpu.memref_squeeze %dma_start3A_638 : memref<1x100xi32, #tpu.memory_space<vmem>> -> memref<100xi32, #tpu.memory_space<vmem>>
    %dma_start3A_640 = arith.constant 0 : i32
    %dma_start3A_641 = arith.constant 0 : i32
    %dma_start3A_642 = tpu.memref_slice %arg4[%dma_start3A_640, %dma_start3A_641] : memref<1000000x64xf32, #tpu.memory_space<hbm>> -> memref<1000000x64xf32, #tpu.memory_space<hbm>>
    %dma_start3A_643 = tpu.memref_slice %arg10[%dma_start3A_627] : memref<4x!tpu.dma_semaphore, #tpu.memory_space<semaphore_mem>> -> memref<1x!tpu.dma_semaphore, #tpu.memory_space<semaphore_mem>>
    %dma_start3A_644 = tpu.memref_squeeze %dma_start3A_643 : memref<1x!tpu.dma_semaphore, #tpu.memory_space<semaphore_mem>> -> memref<!tpu.dma_semaphore, #tpu.memory_space<semaphore_mem>>
    tpu.enqueue_indirect_dma source(%dma_start3A_642 : memref<1000000x64xf32, #tpu.memory_space<hbm>>) target(%dma_start3A_636 : memref<100x64xf32, #tpu.memory_space<vmem>>) offsets(%dma_start3A_639 : memref<100xi32, #tpu.memory_space<vmem>>) semaphore(%dma_start3A_644 : memref<!tpu.dma_semaphore, #tpu.memory_space<semaphore_mem>>) {add = true}
    %scan3A = arith.constant 0 : i32
    %scan3A_645 = arith.constant 1 : i32
    %scan3A_646 = arith.constant 31 : i32
    %scan3A_647 = arith.addi %scan3A_645, %scan3A_646 : i32
    %scan3A_648 = arith.constant 1 : i32
    scf.for %scan3A_1002 = %scan3A_645 to %scan3A_647 step %scan3A_648  : i32 {
      %mul3A_1003 = arith.constant 4 : i32
      %mul3A_1004 = arith.muli %scan3A_1002, %mul3A_1003 : i32
      %add3A_1005 = arith.constant 0 : i32
      %add3A_1006 = arith.addi %mul3A_1004, %add3A_1005 : i32
      %dma_wait3A_1007 = arith.constant 0 : i32
      %dma_wait3A_1008 = arith.constant 0 : i32
      %dma_wait3A_1009 = arith.constant 0 : i32
      %dma_wait3A_1010 = arith.constant 0 : i32
      %dma_wait3A_1011 = arith.constant 0 : i32
      %dma_wait3A_1012 = arith.constant 0 : i32
      %dma_wait3A_1013 = tpu.memref_slice %arg8[%dma_wait3A_1007, %dma_wait3A_1010, %dma_wait3A_1011, %dma_wait3A_1012] : memref<4x2x100x64xf32, #tpu.memory_space<vmem>> -> memref<1x2x100x64xf32, #tpu.memory_space<vmem>>
      %dma_wait3A_1014 = tpu.memref_squeeze %dma_wait3A_1013 : memref<1x2x100x64xf32, #tpu.memory_space<vmem>> -> memref<2x100x64xf32, #tpu.memory_space<vmem>>
      %dma_wait3A_1015 = arith.constant 0 : i32
      %dma_wait3A_1016 = arith.constant 0 : i32
      %dma_wait3A_1017 = tpu.memref_slice %dma_wait3A_1014[%dma_wait3A_1008, %dma_wait3A_1015, %dma_wait3A_1016] : memref<2x100x64xf32, #tpu.memory_space<vmem>> -> memref<1x100x64xf32, #tpu.memory_space<vmem>>
      %dma_wait3A_1018 = tpu.memref_squeeze %dma_wait3A_1017 : memref<1x100x64xf32, #tpu.memory_space<vmem>> -> memref<100x64xf32, #tpu.memory_space<vmem>>
      %dma_wait3A_1019 = arith.constant 0 : i32
      %dma_wait3A_1020 = arith.constant 0 : i32
      %dma_wait3A_1021 = tpu.memref_slice %arg5[%dma_wait3A_1019, %dma_wait3A_1020] : memref<409600x128xf32, #tpu.memory_space<hbm>> -> memref<100x64xf32, #tpu.memory_space<hbm>>
      %dma_wait3A_1022 = tpu.memref_slice %arg11[%dma_wait3A_1009] : memref<4x!tpu.dma_semaphore, #tpu.memory_space<semaphore_mem>> -> memref<1x!tpu.dma_semaphore, #tpu.memory_space<semaphore_mem>>
      %dma_wait3A_1023 = tpu.memref_squeeze %dma_wait3A_1022 : memref<1x!tpu.dma_semaphore, #tpu.memory_space<semaphore_mem>> -> memref<!tpu.dma_semaphore, #tpu.memory_space<semaphore_mem>>
      %dma_wait3A_1024 = arith.constant 0 : i32
      %dma_wait3A_1025 = arith.constant 0 : i32
      %dma_wait3A_1026 = tpu.memref_slice %arg5[%dma_wait3A_1024, %dma_wait3A_1025] : memref<409600x128xf32, #tpu.memory_space<hbm>> -> memref<100x64xf32, #tpu.memory_space<hbm>>
      %dma_wait3A_1027 = arith.constant 0 : i32
      %dma_wait3A_1028 = arith.constant 0 : i32
      %dma_wait3A_1029 = arith.constant 0 : i32
      %dma_wait3A_1030 = tpu.memref_slice %arg8[%dma_wait3A_1007, %dma_wait3A_1027, %dma_wait3A_1028, %dma_wait3A_1029] : memref<4x2x100x64xf32, #tpu.memory_space<vmem>> -> memref<1x2x100x64xf32, #tpu.memory_space<vmem>>
      %dma_wait3A_1031 = tpu.memref_squeeze %dma_wait3A_1030 : memref<1x2x100x64xf32, #tpu.memory_space<vmem>> -> memref<2x100x64xf32, #tpu.memory_space<vmem>>
      %dma_wait3A_1032 = arith.constant 0 : i32
      %dma_wait3A_1033 = arith.constant 0 : i32
      %dma_wait3A_1034 = tpu.memref_slice %dma_wait3A_1031[%dma_wait3A_1008, %dma_wait3A_1032, %dma_wait3A_1033] : memref<2x100x64xf32, #tpu.memory_space<vmem>> -> memref<1x100x64xf32, #tpu.memory_space<vmem>>
      %dma_wait3A_1035 = tpu.memref_squeeze %dma_wait3A_1034 : memref<1x100x64xf32, #tpu.memory_space<vmem>> -> memref<100x64xf32, #tpu.memory_space<vmem>>
      tpu.wait_dma2 semaphore(%dma_wait3A_1023 : memref<!tpu.dma_semaphore, #tpu.memory_space<semaphore_mem>>) src(%dma_wait3A_1035 : memref<100x64xf32, #tpu.memory_space<vmem>>) dst(%dma_wait3A_1026 : memref<100x64xf32, #tpu.memory_space<hbm>>)
      %dma_wait3A_1036 = arith.constant 0 : i32
      %dma_wait3A_1037 = arith.constant 1 : i32
      %dma_wait3A_1038 = arith.constant 0 : i32
      %dma_wait3A_1039 = arith.constant 0 : i32
      %dma_wait3A_1040 = arith.constant 0 : i32
      %dma_wait3A_1041 = arith.constant 0 : i32
      %dma_wait3A_1042 = tpu.memref_slice %arg8[%dma_wait3A_1036, %dma_wait3A_1039, %dma_wait3A_1040, %dma_wait3A_1041] : memref<4x2x100x64xf32, #tpu.memory_space<vmem>> -> memref<1x2x100x64xf32, #tpu.memory_space<vmem>>
      %dma_wait3A_1043 = tpu.memref_squeeze %dma_wait3A_1042 : memref<1x2x100x64xf32, #tpu.memory_space<vmem>> -> memref<2x100x64xf32, #tpu.memory_space<vmem>>
      %dma_wait3A_1044 = arith.constant 0 : i32
      %dma_wait3A_1045 = arith.constant 0 : i32
      %dma_wait3A_1046 = tpu.memref_slice %dma_wait3A_1043[%dma_wait3A_1037, %dma_wait3A_1044, %dma_wait3A_1045] : memref<2x100x64xf32, #tpu.memory_space<vmem>> -> memref<1x100x64xf32, #tpu.memory_space<vmem>>
      %dma_wait3A_1047 = tpu.memref_squeeze %dma_wait3A_1046 : memref<1x100x64xf32, #tpu.memory_space<vmem>> -> memref<100x64xf32, #tpu.memory_space<vmem>>
      %dma_wait3A_1048 = arith.constant 0 : i32
      %dma_wait3A_1049 = arith.constant 64 : i32
      %dma_wait3A_1050 = tpu.memref_slice %arg5[%dma_wait3A_1048, %dma_wait3A_1049] : memref<409600x128xf32, #tpu.memory_space<hbm>> -> memref<100x64xf32, #tpu.memory_space<hbm>>
      %dma_wait3A_1051 = tpu.memref_slice %arg11[%dma_wait3A_1038] : memref<4x!tpu.dma_semaphore, #tpu.memory_space<semaphore_mem>> -> memref<1x!tpu.dma_semaphore, #tpu.memory_space<semaphore_mem>>
      %dma_wait3A_1052 = tpu.memref_squeeze %dma_wait3A_1051 : memref<1x!tpu.dma_semaphore, #tpu.memory_space<semaphore_mem>> -> memref<!tpu.dma_semaphore, #tpu.memory_space<semaphore_mem>>
      %dma_wait3A_1053 = arith.constant 0 : i32
      %dma_wait3A_1054 = arith.constant 64 : i32
      %dma_wait3A_1055 = tpu.memref_slice %arg5[%dma_wait3A_1053, %dma_wait3A_1054] : memref<409600x128xf32, #tpu.memory_space<hbm>> -> memref<100x64xf32, #tpu.memory_space<hbm>>
      %dma_wait3A_1056 = arith.constant 0 : i32
      %dma_wait3A_1057 = arith.constant 0 : i32
      %dma_wait3A_1058 = arith.constant 0 : i32
      %dma_wait3A_1059 = tpu.memref_slice %arg8[%dma_wait3A_1036, %dma_wait3A_1056, %dma_wait3A_1057, %dma_wait3A_1058] : memref<4x2x100x64xf32, #tpu.memory_space<vmem>> -> memref<1x2x100x64xf32, #tpu.memory_space<vmem>>
      %dma_wait3A_1060 = tpu.memref_squeeze %dma_wait3A_1059 : memref<1x2x100x64xf32, #tpu.memory_space<vmem>> -> memref<2x100x64xf32, #tpu.memory_space<vmem>>
      %dma_wait3A_1061 = arith.constant 0 : i32
      %dma_wait3A_1062 = arith.constant 0 : i32
      %dma_wait3A_1063 = tpu.memref_slice %dma_wait3A_1060[%dma_wait3A_1037, %dma_wait3A_1061, %dma_wait3A_1062] : memref<2x100x64xf32, #tpu.memory_space<vmem>> -> memref<1x100x64xf32, #tpu.memory_space<vmem>>
      %dma_wait3A_1064 = tpu.memref_squeeze %dma_wait3A_1063 : memref<1x100x64xf32, #tpu.memory_space<vmem>> -> memref<100x64xf32, #tpu.memory_space<vmem>>
      tpu.wait_dma2 semaphore(%dma_wait3A_1052 : memref<!tpu.dma_semaphore, #tpu.memory_space<semaphore_mem>>) src(%dma_wait3A_1064 : memref<100x64xf32, #tpu.memory_space<vmem>>) dst(%dma_wait3A_1055 : memref<100x64xf32, #tpu.memory_space<hbm>>)
      %dma_start3A_1065 = arith.constant 0 : i32
      %dma_start3A_1066 = arith.constant 0 : i32
      %dma_start3A_1067 = arith.constant 0 : i32
      %dma_start3A_1068 = arith.constant 0 : i32
      %dma_start3A_1069 = arith.constant 0 : i32
      %dma_start3A_1070 = tpu.memref_slice %arg8[%dma_start3A_1065, %dma_start3A_1067, %dma_start3A_1068, %dma_start3A_1069] : memref<4x2x100x64xf32, #tpu.memory_space<vmem>> -> memref<1x2x100x64xf32, #tpu.memory_space<vmem>>
      %dma_start3A_1071 = tpu.memref_squeeze %dma_start3A_1070 : memref<1x2x100x64xf32, #tpu.memory_space<vmem>> -> memref<2x100x64xf32, #tpu.memory_space<vmem>>
      %dma_start3A_1072 = tpu.memref_slice %arg9[%dma_start3A_1066] : memref<4x!tpu.dma_semaphore, #tpu.memory_space<semaphore_mem>> -> memref<1x!tpu.dma_semaphore, #tpu.memory_space<semaphore_mem>>
      %dma_start3A_1073 = tpu.memref_squeeze %dma_start3A_1072 : memref<1x!tpu.dma_semaphore, #tpu.memory_space<semaphore_mem>> -> memref<!tpu.dma_semaphore, #tpu.memory_space<semaphore_mem>>
      %dma_start3A_1074 = arith.constant 0 : i32
      %dma_start3A_1075 = arith.constant 0 : i32
      %dma_start3A_1076 = arith.constant 0 : i32
      %dma_start3A_1077 = tpu.memref_slice %arg8[%dma_start3A_1065, %dma_start3A_1074, %dma_start3A_1075, %dma_start3A_1076] : memref<4x2x100x64xf32, #tpu.memory_space<vmem>> -> memref<1x2x100x64xf32, #tpu.memory_space<vmem>>
      %dma_start3A_1078 = tpu.memref_squeeze %dma_start3A_1077 : memref<1x2x100x64xf32, #tpu.memory_space<vmem>> -> memref<2x100x64xf32, #tpu.memory_space<vmem>>
      tpu.enqueue_dma source(%arg6 : memref<2x100x64xf32, #tpu.memory_space<vmem_shared>>) target(%dma_start3A_1078 : memref<2x100x64xf32, #tpu.memory_space<vmem>>) target_semaphore(%dma_start3A_1073 : memref<!tpu.dma_semaphore, #tpu.memory_space<semaphore_mem>>)
      %dma_wait3A_1079 = arith.constant 3 : i32
      %dma_wait3A_1080 = arith.constant 0 : i32
      %dma_wait3A_1081 = arith.constant 3 : i32
      %dma_wait3A_1082 = arith.constant 0 : i32
      %dma_wait3A_1083 = arith.constant 0 : i32
      %dma_wait3A_1084 = arith.constant 0 : i32
      %dma_wait3A_1085 = tpu.memref_slice %arg8[%dma_wait3A_1079, %dma_wait3A_1082, %dma_wait3A_1083, %dma_wait3A_1084] : memref<4x2x100x64xf32, #tpu.memory_space<vmem>> -> memref<1x2x100x64xf32, #tpu.memory_space<vmem>>
      %dma_wait3A_1086 = tpu.memref_squeeze %dma_wait3A_1085 : memref<1x2x100x64xf32, #tpu.memory_space<vmem>> -> memref<2x100x64xf32, #tpu.memory_space<vmem>>
      %dma_wait3A_1087 = arith.constant 0 : i32
      %dma_wait3A_1088 = arith.constant 0 : i32
      %dma_wait3A_1089 = tpu.memref_slice %dma_wait3A_1086[%dma_wait3A_1080, %dma_wait3A_1087, %dma_wait3A_1088] : memref<2x100x64xf32, #tpu.memory_space<vmem>> -> memref<1x100x64xf32, #tpu.memory_space<vmem>>
      %dma_wait3A_1090 = tpu.memref_squeeze %dma_wait3A_1089 : memref<1x100x64xf32, #tpu.memory_space<vmem>> -> memref<100x64xf32, #tpu.memory_space<vmem>>
      %dma_wait3A_1091 = arith.constant 0 : i32
      %dma_wait3A_1092 = arith.constant 0 : i32
      %dma_wait3A_1093 = tpu.memref_slice %arg4[%dma_wait3A_1091, %dma_wait3A_1092] : memref<1000000x64xf32, #tpu.memory_space<hbm>> -> memref<100x64xf32, #tpu.memory_space<hbm>>
      %dma_wait3A_1094 = tpu.memref_slice %arg10[%dma_wait3A_1081] : memref<4x!tpu.dma_semaphore, #tpu.memory_space<semaphore_mem>> -> memref<1x!tpu.dma_semaphore, #tpu.memory_space<semaphore_mem>>
      %dma_wait3A_1095 = tpu.memref_squeeze %dma_wait3A_1094 : memref<1x!tpu.dma_semaphore, #tpu.memory_space<semaphore_mem>> -> memref<!tpu.dma_semaphore, #tpu.memory_space<semaphore_mem>>
      %dma_wait3A_1096 = arith.constant 0 : i32
      %dma_wait3A_1097 = arith.constant 0 : i32
      %dma_wait3A_1098 = arith.constant 0 : i32
      %dma_wait3A_1099 = tpu.memref_slice %arg8[%dma_wait3A_1079, %dma_wait3A_1096, %dma_wait3A_1097, %dma_wait3A_1098] : memref<4x2x100x64xf32, #tpu.memory_space<vmem>> -> memref<1x2x100x64xf32, #tpu.memory_space<vmem>>
      %dma_wait3A_1100 = tpu.memref_squeeze %dma_wait3A_1099 : memref<1x2x100x64xf32, #tpu.memory_space<vmem>> -> memref<2x100x64xf32, #tpu.memory_space<vmem>>
      %dma_wait3A_1101 = arith.constant 0 : i32
      %dma_wait3A_1102 = arith.constant 0 : i32
      %dma_wait3A_1103 = tpu.memref_slice %dma_wait3A_1100[%dma_wait3A_1080, %dma_wait3A_1101, %dma_wait3A_1102] : memref<2x100x64xf32, #tpu.memory_space<vmem>> -> memref<1x100x64xf32, #tpu.memory_space<vmem>>
      %dma_wait3A_1104 = tpu.memref_squeeze %dma_wait3A_1103 : memref<1x100x64xf32, #tpu.memory_space<vmem>> -> memref<100x64xf32, #tpu.memory_space<vmem>>
      %dma_wait3A_1105 = arith.constant 0 : i32
      %dma_wait3A_1106 = arith.constant 0 : i32
      %dma_wait3A_1107 = tpu.memref_slice %arg4[%dma_wait3A_1105, %dma_wait3A_1106] : memref<1000000x64xf32, #tpu.memory_space<hbm>> -> memref<100x64xf32, #tpu.memory_space<hbm>>
      tpu.wait_dma2 semaphore(%dma_wait3A_1095 : memref<!tpu.dma_semaphore, #tpu.memory_space<semaphore_mem>>) src(%dma_wait3A_1107 : memref<100x64xf32, #tpu.memory_space<hbm>>) dst(%dma_wait3A_1104 : memref<100x64xf32, #tpu.memory_space<vmem>>)
      %dma_wait3A_1108 = arith.constant 3 : i32
      %dma_wait3A_1109 = arith.constant 1 : i32
      %dma_wait3A_1110 = arith.constant 3 : i32
      %dma_wait3A_1111 = arith.constant 0 : i32
      %dma_wait3A_1112 = arith.constant 0 : i32
      %dma_wait3A_1113 = arith.constant 0 : i32
      %dma_wait3A_1114 = tpu.memref_slice %arg8[%dma_wait3A_1108, %dma_wait3A_1111, %dma_wait3A_1112, %dma_wait3A_1113] : memref<4x2x100x64xf32, #tpu.memory_space<vmem>> -> memref<1x2x100x64xf32, #tpu.memory_space<vmem>>
      %dma_wait3A_1115 = tpu.memref_squeeze %dma_wait3A_1114 : memref<1x2x100x64xf32, #tpu.memory_space<vmem>> -> memref<2x100x64xf32, #tpu.memory_space<vmem>>
      %dma_wait3A_1116 = arith.constant 0 : i32
      %dma_wait3A_1117 = arith.constant 0 : i32
      %dma_wait3A_1118 = tpu.memref_slice %dma_wait3A_1115[%dma_wait3A_1109, %dma_wait3A_1116, %dma_wait3A_1117] : memref<2x100x64xf32, #tpu.memory_space<vmem>> -> memref<1x100x64xf32, #tpu.memory_space<vmem>>
      %dma_wait3A_1119 = tpu.memref_squeeze %dma_wait3A_1118 : memref<1x100x64xf32, #tpu.memory_space<vmem>> -> memref<100x64xf32, #tpu.memory_space<vmem>>
      %dma_wait3A_1120 = arith.constant 0 : i32
      %dma_wait3A_1121 = arith.constant 0 : i32
      %dma_wait3A_1122 = tpu.memref_slice %arg4[%dma_wait3A_1120, %dma_wait3A_1121] : memref<1000000x64xf32, #tpu.memory_space<hbm>> -> memref<100x64xf32, #tpu.memory_space<hbm>>
      %dma_wait3A_1123 = tpu.memref_slice %arg10[%dma_wait3A_1110] : memref<4x!tpu.dma_semaphore, #tpu.memory_space<semaphore_mem>> -> memref<1x!tpu.dma_semaphore, #tpu.memory_space<semaphore_mem>>
      %dma_wait3A_1124 = tpu.memref_squeeze %dma_wait3A_1123 : memref<1x!tpu.dma_semaphore, #tpu.memory_space<semaphore_mem>> -> memref<!tpu.dma_semaphore, #tpu.memory_space<semaphore_mem>>
      %dma_wait3A_1125 = arith.constant 0 : i32
      %dma_wait3A_1126 = arith.constant 0 : i32
      %dma_wait3A_1127 = arith.constant 0 : i32
      %dma_wait3A_1128 = tpu.memref_slice %arg8[%dma_wait3A_1108, %dma_wait3A_1125, %dma_wait3A_1126, %dma_wait3A_1127] : memref<4x2x100x64xf32, #tpu.memory_space<vmem>> -> memref<1x2x100x64xf32, #tpu.memory_space<vmem>>
      %dma_wait3A_1129 = tpu.memref_squeeze %dma_wait3A_1128 : memref<1x2x100x64xf32, #tpu.memory_space<vmem>> -> memref<2x100x64xf32, #tpu.memory_space<vmem>>
      %dma_wait3A_1130 = arith.constant 0 : i32
      %dma_wait3A_1131 = arith.constant 0 : i32
      %dma_wait3A_1132 = tpu.memref_slice %dma_wait3A_1129[%dma_wait3A_1109, %dma_wait3A_1130, %dma_wait3A_1131] : memref<2x100x64xf32, #tpu.memory_space<vmem>> -> memref<1x100x64xf32, #tpu.memory_space<vmem>>
      %dma_wait3A_1133 = tpu.memref_squeeze %dma_wait3A_1132 : memref<1x100x64xf32, #tpu.memory_space<vmem>> -> memref<100x64xf32, #tpu.memory_space<vmem>>
      %dma_wait3A_1134 = arith.constant 0 : i32
      %dma_wait3A_1135 = arith.constant 0 : i32
      %dma_wait3A_1136 = tpu.memref_slice %arg4[%dma_wait3A_1134, %dma_wait3A_1135] : memref<1000000x64xf32, #tpu.memory_space<hbm>> -> memref<100x64xf32, #tpu.memory_space<hbm>>
      tpu.wait_dma2 semaphore(%dma_wait3A_1124 : memref<!tpu.dma_semaphore, #tpu.memory_space<semaphore_mem>>) src(%dma_wait3A_1136 : memref<100x64xf32, #tpu.memory_space<hbm>>) dst(%dma_wait3A_1133 : memref<100x64xf32, #tpu.memory_space<vmem>>)
      %sub3A = arith.constant 1 : i32
      %sub3A_1137 = arith.subi %add3A_1006, %sub3A : i32
      %add3A_1138 = arith.addi %mul3A_2, %sub3A_1137 : i32
      %mul3A_1139 = arith.constant 100 : i32
      %mul3A_1140 = arith.muli %add3A_1138, %mul3A_1139 : i32
      %dma_start3A_1141 = arith.constant 3 : i32
      %dma_start3A_1142 = arith.constant 0 : i32
      %dma_start3A_1143 = arith.constant 3 : i32
      %dma_start3A_1144 = arith.constant 0 : i32
      %dma_start3A_1145 = arith.constant 0 : i32
      %dma_start3A_1146 = arith.constant 0 : i32
      %dma_start3A_1147 = tpu.memref_slice %arg8[%dma_start3A_1141, %dma_start3A_1144, %dma_start3A_1145, %dma_start3A_1146] : memref<4x2x100x64xf32, #tpu.memory_space<vmem>> -> memref<1x2x100x64xf32, #tpu.memory_space<vmem>>
      %dma_start3A_1148 = tpu.memref_squeeze %dma_start3A_1147 : memref<1x2x100x64xf32, #tpu.memory_space<vmem>> -> memref<2x100x64xf32, #tpu.memory_space<vmem>>
      %dma_start3A_1149 = arith.constant 0 : i32
      %dma_start3A_1150 = arith.constant 0 : i32
      %dma_start3A_1151 = tpu.memref_slice %dma_start3A_1148[%dma_start3A_1142, %dma_start3A_1149, %dma_start3A_1150] : memref<2x100x64xf32, #tpu.memory_space<vmem>> -> memref<1x100x64xf32, #tpu.memory_space<vmem>>
      %dma_start3A_1152 = tpu.memref_squeeze %dma_start3A_1151 : memref<1x100x64xf32, #tpu.memory_space<vmem>> -> memref<100x64xf32, #tpu.memory_space<vmem>>
      %dma_start3A_1153 = arith.constant 0 : i32
      %dma_start3A_1154 = tpu.memref_slice %arg5[%mul3A_1140, %dma_start3A_1153] : memref<409600x128xf32, #tpu.memory_space<hbm>> -> memref<100x64xf32, #tpu.memory_space<hbm>>
      %dma_start3A_1155 = tpu.memref_slice %arg11[%dma_start3A_1143] : memref<4x!tpu.dma_semaphore, #tpu.memory_space<semaphore_mem>> -> memref<1x!tpu.dma_semaphore, #tpu.memory_space<semaphore_mem>>
      %dma_start3A_1156 = tpu.memref_squeeze %dma_start3A_1155 : memref<1x!tpu.dma_semaphore, #tpu.memory_space<semaphore_mem>> -> memref<!tpu.dma_semaphore, #tpu.memory_space<semaphore_mem>>
      %dma_start3A_1157 = arith.constant 0 : i32
      %dma_start3A_1158 = tpu.memref_slice %arg5[%mul3A_1140, %dma_start3A_1157] : memref<409600x128xf32, #tpu.memory_space<hbm>> -> memref<100x64xf32, #tpu.memory_space<hbm>>
      %dma_start3A_1159 = arith.constant 0 : i32
      %dma_start3A_1160 = arith.constant 0 : i32
      %dma_start3A_1161 = arith.constant 0 : i32
      %dma_start3A_1162 = tpu.memref_slice %arg8[%dma_start3A_1141, %dma_start3A_1159, %dma_start3A_1160, %dma_start3A_1161] : memref<4x2x100x64xf32, #tpu.memory_space<vmem>> -> memref<1x2x100x64xf32, #tpu.memory_space<vmem>>
      %dma_start3A_1163 = tpu.memref_squeeze %dma_start3A_1162 : memref<1x2x100x64xf32, #tpu.memory_space<vmem>> -> memref<2x100x64xf32, #tpu.memory_space<vmem>>
      %dma_start3A_1164 = arith.constant 0 : i32
      %dma_start3A_1165 = arith.constant 0 : i32
      %dma_start3A_1166 = tpu.memref_slice %dma_start3A_1163[%dma_start3A_1142, %dma_start3A_1164, %dma_start3A_1165] : memref<2x100x64xf32, #tpu.memory_space<vmem>> -> memref<1x100x64xf32, #tpu.memory_space<vmem>>
      %dma_start3A_1167 = tpu.memref_squeeze %dma_start3A_1166 : memref<1x100x64xf32, #tpu.memory_space<vmem>> -> memref<100x64xf32, #tpu.memory_space<vmem>>
      tpu.enqueue_dma source(%dma_start3A_1167 : memref<100x64xf32, #tpu.memory_space<vmem>>) target(%dma_start3A_1158 : memref<100x64xf32, #tpu.memory_space<hbm>>) target_semaphore(%dma_start3A_1156 : memref<!tpu.dma_semaphore, #tpu.memory_space<semaphore_mem>>)
      %add3A_1168 = arith.addi %mul3A_2, %sub3A_1137 : i32
      %mul3A_1169 = arith.constant 100 : i32
      %mul3A_1170 = arith.muli %add3A_1168, %mul3A_1169 : i32
      %dma_start3A_1171 = arith.constant 3 : i32
      %dma_start3A_1172 = arith.constant 1 : i32
      %dma_start3A_1173 = arith.constant 3 : i32
      %dma_start3A_1174 = arith.constant 0 : i32
      %dma_start3A_1175 = arith.constant 0 : i32
      %dma_start3A_1176 = arith.constant 0 : i32
      %dma_start3A_1177 = tpu.memref_slice %arg8[%dma_start3A_1171, %dma_start3A_1174, %dma_start3A_1175, %dma_start3A_1176] : memref<4x2x100x64xf32, #tpu.memory_space<vmem>> -> memref<1x2x100x64xf32, #tpu.memory_space<vmem>>
      %dma_start3A_1178 = tpu.memref_squeeze %dma_start3A_1177 : memref<1x2x100x64xf32, #tpu.memory_space<vmem>> -> memref<2x100x64xf32, #tpu.memory_space<vmem>>
      %dma_start3A_1179 = arith.constant 0 : i32
      %dma_start3A_1180 = arith.constant 0 : i32
      %dma_start3A_1181 = tpu.memref_slice %dma_start3A_1178[%dma_start3A_1172, %dma_start3A_1179, %dma_start3A_1180] : memref<2x100x64xf32, #tpu.memory_space<vmem>> -> memref<1x100x64xf32, #tpu.memory_space<vmem>>
      %dma_start3A_1182 = tpu.memref_squeeze %dma_start3A_1181 : memref<1x100x64xf32, #tpu.memory_space<vmem>> -> memref<100x64xf32, #tpu.memory_space<vmem>>
      %dma_start3A_1183 = arith.constant 64 : i32
      %dma_start3A_1184 = tpu.memref_slice %arg5[%mul3A_1170, %dma_start3A_1183] : memref<409600x128xf32, #tpu.memory_space<hbm>> -> memref<100x64xf32, #tpu.memory_space<hbm>>
      %dma_start3A_1185 = tpu.memref_slice %arg11[%dma_start3A_1173] : memref<4x!tpu.dma_semaphore, #tpu.memory_space<semaphore_mem>> -> memref<1x!tpu.dma_semaphore, #tpu.memory_space<semaphore_mem>>
      %dma_start3A_1186 = tpu.memref_squeeze %dma_start3A_1185 : memref<1x!tpu.dma_semaphore, #tpu.memory_space<semaphore_mem>> -> memref<!tpu.dma_semaphore, #tpu.memory_space<semaphore_mem>>
      %dma_start3A_1187 = arith.constant 64 : i32
      %dma_start3A_1188 = tpu.memref_slice %arg5[%mul3A_1170, %dma_start3A_1187] : memref<409600x128xf32, #tpu.memory_space<hbm>> -> memref<100x64xf32, #tpu.memory_space<hbm>>
      %dma_start3A_1189 = arith.constant 0 : i32
      %dma_start3A_1190 = arith.constant 0 : i32
      %dma_start3A_1191 = arith.constant 0 : i32
      %dma_start3A_1192 = tpu.memref_slice %arg8[%dma_start3A_1171, %dma_start3A_1189, %dma_start3A_1190, %dma_start3A_1191] : memref<4x2x100x64xf32, #tpu.memory_space<vmem>> -> memref<1x2x100x64xf32, #tpu.memory_space<vmem>>
      %dma_start3A_1193 = tpu.memref_squeeze %dma_start3A_1192 : memref<1x2x100x64xf32, #tpu.memory_space<vmem>> -> memref<2x100x64xf32, #tpu.memory_space<vmem>>
      %dma_start3A_1194 = arith.constant 0 : i32
      %dma_start3A_1195 = arith.constant 0 : i32
      %dma_start3A_1196 = tpu.memref_slice %dma_start3A_1193[%dma_start3A_1172, %dma_start3A_1194, %dma_start3A_1195] : memref<2x100x64xf32, #tpu.memory_space<vmem>> -> memref<1x100x64xf32, #tpu.memory_space<vmem>>
      %dma_start3A_1197 = tpu.memref_squeeze %dma_start3A_1196 : memref<1x100x64xf32, #tpu.memory_space<vmem>> -> memref<100x64xf32, #tpu.memory_space<vmem>>
      tpu.enqueue_dma source(%dma_start3A_1197 : memref<100x64xf32, #tpu.memory_space<vmem>>) target(%dma_start3A_1188 : memref<100x64xf32, #tpu.memory_space<hbm>>) target_semaphore(%dma_start3A_1186 : memref<!tpu.dma_semaphore, #tpu.memory_space<semaphore_mem>>)
      %dma_wait3A_1198 = arith.constant 0 : i32
      %dma_wait3A_1199 = arith.constant 0 : i32
      %dma_wait3A_1200 = arith.constant 0 : i32
      %dma_wait3A_1201 = arith.constant 0 : i32
      %dma_wait3A_1202 = arith.constant 0 : i32
      %dma_wait3A_1203 = tpu.memref_slice %arg8[%dma_wait3A_1198, %dma_wait3A_1200, %dma_wait3A_1201, %dma_wait3A_1202] : memref<4x2x100x64xf32, #tpu.memory_space<vmem>> -> memref<1x2x100x64xf32, #tpu.memory_space<vmem>>
      %dma_wait3A_1204 = tpu.memref_squeeze %dma_wait3A_1203 : memref<1x2x100x64xf32, #tpu.memory_space<vmem>> -> memref<2x100x64xf32, #tpu.memory_space<vmem>>
      %dma_wait3A_1205 = tpu.memref_slice %arg9[%dma_wait3A_1199] : memref<4x!tpu.dma_semaphore, #tpu.memory_space<semaphore_mem>> -> memref<1x!tpu.dma_semaphore, #tpu.memory_space<semaphore_mem>>
      %dma_wait3A_1206 = tpu.memref_squeeze %dma_wait3A_1205 : memref<1x!tpu.dma_semaphore, #tpu.memory_space<semaphore_mem>> -> memref<!tpu.dma_semaphore, #tpu.memory_space<semaphore_mem>>
      %dma_wait3A_1207 = arith.constant 0 : i32
      %dma_wait3A_1208 = arith.constant 0 : i32
      %dma_wait3A_1209 = arith.constant 0 : i32
      %dma_wait3A_1210 = tpu.memref_slice %arg8[%dma_wait3A_1198, %dma_wait3A_1207, %dma_wait3A_1208, %dma_wait3A_1209] : memref<4x2x100x64xf32, #tpu.memory_space<vmem>> -> memref<1x2x100x64xf32, #tpu.memory_space<vmem>>
      %dma_wait3A_1211 = tpu.memref_squeeze %dma_wait3A_1210 : memref<1x2x100x64xf32, #tpu.memory_space<vmem>> -> memref<2x100x64xf32, #tpu.memory_space<vmem>>
      tpu.wait_dma2 semaphore(%dma_wait3A_1206 : memref<!tpu.dma_semaphore, #tpu.memory_space<semaphore_mem>>) src(%arg6 : memref<2x100x64xf32, #tpu.memory_space<vmem_shared>>) dst(%dma_wait3A_1211 : memref<2x100x64xf32, #tpu.memory_space<vmem>>)
      %mul3A_1212 = arith.constant 2 : i32
      %mul3A_1213 = arith.muli %add3A_1006, %mul3A_1212 : i32
      %add3A_1214 = arith.constant 0 : i32
      %add3A_1215 = arith.addi %mul3A_1213, %add3A_1214 : i32
      %dma_start3A_1216 = arith.constant 0 : i32
      %dma_start3A_1217 = arith.constant 0 : i32
      %dma_start3A_1218 = arith.constant 0 : i32
      %dma_start3A_1219 = arith.constant 0 : i32
      %dma_start3A_1220 = arith.constant 0 : i32
      %dma_start3A_1221 = arith.constant 0 : i32
      %dma_start3A_1222 = tpu.memref_slice %arg8[%dma_start3A_1216, %dma_start3A_1219, %dma_start3A_1220, %dma_start3A_1221] : memref<4x2x100x64xf32, #tpu.memory_space<vmem>> -> memref<1x2x100x64xf32, #tpu.memory_space<vmem>>
      %dma_start3A_1223 = tpu.memref_squeeze %dma_start3A_1222 : memref<1x2x100x64xf32, #tpu.memory_space<vmem>> -> memref<2x100x64xf32, #tpu.memory_space<vmem>>
      %dma_start3A_1224 = arith.constant 0 : i32
      %dma_start3A_1225 = arith.constant 0 : i32
      %dma_start3A_1226 = tpu.memref_slice %dma_start3A_1223[%dma_start3A_1217, %dma_start3A_1224, %dma_start3A_1225] : memref<2x100x64xf32, #tpu.memory_space<vmem>> -> memref<1x100x64xf32, #tpu.memory_space<vmem>>
      %dma_start3A_1227 = tpu.memref_squeeze %dma_start3A_1226 : memref<1x100x64xf32, #tpu.memory_space<vmem>> -> memref<100x64xf32, #tpu.memory_space<vmem>>
      %dma_start3A_1228 = arith.constant 0 : i32
      %dma_start3A_1229 = tpu.memref_slice %arg7[%add3A_1215, %dma_start3A_1228] : memref<256x100xi32, #tpu.memory_space<vmem>> -> memref<1x100xi32, #tpu.memory_space<vmem>>
      %dma_start3A_1230 = tpu.memref_squeeze %dma_start3A_1229 : memref<1x100xi32, #tpu.memory_space<vmem>> -> memref<100xi32, #tpu.memory_space<vmem>>
      %dma_start3A_1231 = arith.constant 0 : i32
      %dma_start3A_1232 = arith.constant 0 : i32
      %dma_start3A_1233 = tpu.memref_slice %arg4[%dma_start3A_1231, %dma_start3A_1232] : memref<1000000x64xf32, #tpu.memory_space<hbm>> -> memref<1000000x64xf32, #tpu.memory_space<hbm>>
      %dma_start3A_1234 = tpu.memref_slice %arg10[%dma_start3A_1218] : memref<4x!tpu.dma_semaphore, #tpu.memory_space<semaphore_mem>> -> memref<1x!tpu.dma_semaphore, #tpu.memory_space<semaphore_mem>>
      %dma_start3A_1235 = tpu.memref_squeeze %dma_start3A_1234 : memref<1x!tpu.dma_semaphore, #tpu.memory_space<semaphore_mem>> -> memref<!tpu.dma_semaphore, #tpu.memory_space<semaphore_mem>>
      tpu.enqueue_indirect_dma source(%dma_start3A_1233 : memref<1000000x64xf32, #tpu.memory_space<hbm>>) target(%dma_start3A_1227 : memref<100x64xf32, #tpu.memory_space<vmem>>) offsets(%dma_start3A_1230 : memref<100xi32, #tpu.memory_space<vmem>>) semaphore(%dma_start3A_1235 : memref<!tpu.dma_semaphore, #tpu.memory_space<semaphore_mem>>) {add = true}
      %mul3A_1236 = arith.constant 2 : i32
      %mul3A_1237 = arith.muli %add3A_1006, %mul3A_1236 : i32
      %add3A_1238 = arith.constant 1 : i32
      %add3A_1239 = arith.addi %mul3A_1237, %add3A_1238 : i32
      %dma_start3A_1240 = arith.constant 0 : i32
      %dma_start3A_1241 = arith.constant 1 : i32
      %dma_start3A_1242 = arith.constant 0 : i32
      %dma_start3A_1243 = arith.constant 0 : i32
      %dma_start3A_1244 = arith.constant 0 : i32
      %dma_start3A_1245 = arith.constant 0 : i32
      %dma_start3A_1246 = tpu.memref_slice %arg8[%dma_start3A_1240, %dma_start3A_1243, %dma_start3A_1244, %dma_start3A_1245] : memref<4x2x100x64xf32, #tpu.memory_space<vmem>> -> memref<1x2x100x64xf32, #tpu.memory_space<vmem>>
      %dma_start3A_1247 = tpu.memref_squeeze %dma_start3A_1246 : memref<1x2x100x64xf32, #tpu.memory_space<vmem>> -> memref<2x100x64xf32, #tpu.memory_space<vmem>>
      %dma_start3A_1248 = arith.constant 0 : i32
      %dma_start3A_1249 = arith.constant 0 : i32
      %dma_start3A_1250 = tpu.memref_slice %dma_start3A_1247[%dma_start3A_1241, %dma_start3A_1248, %dma_start3A_1249] : memref<2x100x64xf32, #tpu.memory_space<vmem>> -> memref<1x100x64xf32, #tpu.memory_space<vmem>>
      %dma_start3A_1251 = tpu.memref_squeeze %dma_start3A_1250 : memref<1x100x64xf32, #tpu.memory_space<vmem>> -> memref<100x64xf32, #tpu.memory_space<vmem>>
      %dma_start3A_1252 = arith.constant 0 : i32
      %dma_start3A_1253 = tpu.memref_slice %arg7[%add3A_1239, %dma_start3A_1252] : memref<256x100xi32, #tpu.memory_space<vmem>> -> memref<1x100xi32, #tpu.memory_space<vmem>>
      %dma_start3A_1254 = tpu.memref_squeeze %dma_start3A_1253 : memref<1x100xi32, #tpu.memory_space<vmem>> -> memref<100xi32, #tpu.memory_space<vmem>>
      %dma_start3A_1255 = arith.constant 0 : i32
      %dma_start3A_1256 = arith.constant 0 : i32
      %dma_start3A_1257 = tpu.memref_slice %arg4[%dma_start3A_1255, %dma_start3A_1256] : memref<1000000x64xf32, #tpu.memory_space<hbm>> -> memref<1000000x64xf32, #tpu.memory_space<hbm>>
      %dma_start3A_1258 = tpu.memref_slice %arg10[%dma_start3A_1242] : memref<4x!tpu.dma_semaphore, #tpu.memory_space<semaphore_mem>> -> memref<1x!tpu.dma_semaphore, #tpu.memory_space<semaphore_mem>>
      %dma_start3A_1259 = tpu.memref_squeeze %dma_start3A_1258 : memref<1x!tpu.dma_semaphore, #tpu.memory_space<semaphore_mem>> -> memref<!tpu.dma_semaphore, #tpu.memory_space<semaphore_mem>>
      tpu.enqueue_indirect_dma source(%dma_start3A_1257 : memref<1000000x64xf32, #tpu.memory_space<hbm>>) target(%dma_start3A_1251 : memref<100x64xf32, #tpu.memory_space<vmem>>) offsets(%dma_start3A_1254 : memref<100xi32, #tpu.memory_space<vmem>>) semaphore(%dma_start3A_1259 : memref<!tpu.dma_semaphore, #tpu.memory_space<semaphore_mem>>) {add = true}
      %add3A_1260 = arith.constant 1 : i32
      %add3A_1261 = arith.addi %mul3A_1004, %add3A_1260 : i32
      %dma_wait3A_1262 = arith.constant 1 : i32
      %dma_wait3A_1263 = arith.constant 0 : i32
      %dma_wait3A_1264 = arith.constant 1 : i32
      %dma_wait3A_1265 = arith.constant 0 : i32
      %dma_wait3A_1266 = arith.constant 0 : i32
      %dma_wait3A_1267 = arith.constant 0 : i32
      %dma_wait3A_1268 = tpu.memref_slice %arg8[%dma_wait3A_1262, %dma_wait3A_1265, %dma_wait3A_1266, %dma_wait3A_1267] : memref<4x2x100x64xf32, #tpu.memory_space<vmem>> -> memref<1x2x100x64xf32, #tpu.memory_space<vmem>>
      %dma_wait3A_1269 = tpu.memref_squeeze %dma_wait3A_1268 : memref<1x2x100x64xf32, #tpu.memory_space<vmem>> -> memref<2x100x64xf32, #tpu.memory_space<vmem>>
      %dma_wait3A_1270 = arith.constant 0 : i32
      %dma_wait3A_1271 = arith.constant 0 : i32
      %dma_wait3A_1272 = tpu.memref_slice %dma_wait3A_1269[%dma_wait3A_1263, %dma_wait3A_1270, %dma_wait3A_1271] : memref<2x100x64xf32, #tpu.memory_space<vmem>> -> memref<1x100x64xf32, #tpu.memory_space<vmem>>
      %dma_wait3A_1273 = tpu.memref_squeeze %dma_wait3A_1272 : memref<1x100x64xf32, #tpu.memory_space<vmem>> -> memref<100x64xf32, #tpu.memory_space<vmem>>
      %dma_wait3A_1274 = arith.constant 0 : i32
      %dma_wait3A_1275 = arith.constant 0 : i32
      %dma_wait3A_1276 = tpu.memref_slice %arg5[%dma_wait3A_1274, %dma_wait3A_1275] : memref<409600x128xf32, #tpu.memory_space<hbm>> -> memref<100x64xf32, #tpu.memory_space<hbm>>
      %dma_wait3A_1277 = tpu.memref_slice %arg11[%dma_wait3A_1264] : memref<4x!tpu.dma_semaphore, #tpu.memory_space<semaphore_mem>> -> memref<1x!tpu.dma_semaphore, #tpu.memory_space<semaphore_mem>>
      %dma_wait3A_1278 = tpu.memref_squeeze %dma_wait3A_1277 : memref<1x!tpu.dma_semaphore, #tpu.memory_space<semaphore_mem>> -> memref<!tpu.dma_semaphore, #tpu.memory_space<semaphore_mem>>
      %dma_wait3A_1279 = arith.constant 0 : i32
      %dma_wait3A_1280 = arith.constant 0 : i32
      %dma_wait3A_1281 = tpu.memref_slice %arg5[%dma_wait3A_1279, %dma_wait3A_1280] : memref<409600x128xf32, #tpu.memory_space<hbm>> -> memref<100x64xf32, #tpu.memory_space<hbm>>
      %dma_wait3A_1282 = arith.constant 0 : i32
      %dma_wait3A_1283 = arith.constant 0 : i32
      %dma_wait3A_1284 = arith.constant 0 : i32
      %dma_wait3A_1285 = tpu.memref_slice %arg8[%dma_wait3A_1262, %dma_wait3A_1282, %dma_wait3A_1283, %dma_wait3A_1284] : memref<4x2x100x64xf32, #tpu.memory_space<vmem>> -> memref<1x2x100x64xf32, #tpu.memory_space<vmem>>
      %dma_wait3A_1286 = tpu.memref_squeeze %dma_wait3A_1285 : memref<1x2x100x64xf32, #tpu.memory_space<vmem>> -> memref<2x100x64xf32, #tpu.memory_space<vmem>>
      %dma_wait3A_1287 = arith.constant 0 : i32
      %dma_wait3A_1288 = arith.constant 0 : i32
      %dma_wait3A_1289 = tpu.memref_slice %dma_wait3A_1286[%dma_wait3A_1263, %dma_wait3A_1287, %dma_wait3A_1288] : memref<2x100x64xf32, #tpu.memory_space<vmem>> -> memref<1x100x64xf32, #tpu.memory_space<vmem>>
      %dma_wait3A_1290 = tpu.memref_squeeze %dma_wait3A_1289 : memref<1x100x64xf32, #tpu.memory_space<vmem>> -> memref<100x64xf32, #tpu.memory_space<vmem>>
      tpu.wait_dma2 semaphore(%dma_wait3A_1278 : memref<!tpu.dma_semaphore, #tpu.memory_space<semaphore_mem>>) src(%dma_wait3A_1290 : memref<100x64xf32, #tpu.memory_space<vmem>>) dst(%dma_wait3A_1281 : memref<100x64xf32, #tpu.memory_space<hbm>>)
      %dma_wait3A_1291 = arith.constant 1 : i32
      %dma_wait3A_1292 = arith.constant 1 : i32
      %dma_wait3A_1293 = arith.constant 1 : i32
      %dma_wait3A_1294 = arith.constant 0 : i32
      %dma_wait3A_1295 = arith.constant 0 : i32
      %dma_wait3A_1296 = arith.constant 0 : i32
      %dma_wait3A_1297 = tpu.memref_slice %arg8[%dma_wait3A_1291, %dma_wait3A_1294, %dma_wait3A_1295, %dma_wait3A_1296] : memref<4x2x100x64xf32, #tpu.memory_space<vmem>> -> memref<1x2x100x64xf32, #tpu.memory_space<vmem>>
      %dma_wait3A_1298 = tpu.memref_squeeze %dma_wait3A_1297 : memref<1x2x100x64xf32, #tpu.memory_space<vmem>> -> memref<2x100x64xf32, #tpu.memory_space<vmem>>
      %dma_wait3A_1299 = arith.constant 0 : i32
      %dma_wait3A_1300 = arith.constant 0 : i32
      %dma_wait3A_1301 = tpu.memref_slice %dma_wait3A_1298[%dma_wait3A_1292, %dma_wait3A_1299, %dma_wait3A_1300] : memref<2x100x64xf32, #tpu.memory_space<vmem>> -> memref<1x100x64xf32, #tpu.memory_space<vmem>>
      %dma_wait3A_1302 = tpu.memref_squeeze %dma_wait3A_1301 : memref<1x100x64xf32, #tpu.memory_space<vmem>> -> memref<100x64xf32, #tpu.memory_space<vmem>>
      %dma_wait3A_1303 = arith.constant 0 : i32
      %dma_wait3A_1304 = arith.constant 64 : i32
      %dma_wait3A_1305 = tpu.memref_slice %arg5[%dma_wait3A_1303, %dma_wait3A_1304] : memref<409600x128xf32, #tpu.memory_space<hbm>> -> memref<100x64xf32, #tpu.memory_space<hbm>>
      %dma_wait3A_1306 = tpu.memref_slice %arg11[%dma_wait3A_1293] : memref<4x!tpu.dma_semaphore, #tpu.memory_space<semaphore_mem>> -> memref<1x!tpu.dma_semaphore, #tpu.memory_space<semaphore_mem>>
      %dma_wait3A_1307 = tpu.memref_squeeze %dma_wait3A_1306 : memref<1x!tpu.dma_semaphore, #tpu.memory_space<semaphore_mem>> -> memref<!tpu.dma_semaphore, #tpu.memory_space<semaphore_mem>>
      %dma_wait3A_1308 = arith.constant 0 : i32
      %dma_wait3A_1309 = arith.constant 64 : i32
      %dma_wait3A_1310 = tpu.memref_slice %arg5[%dma_wait3A_1308, %dma_wait3A_1309] : memref<409600x128xf32, #tpu.memory_space<hbm>> -> memref<100x64xf32, #tpu.memory_space<hbm>>
      %dma_wait3A_1311 = arith.constant 0 : i32
      %dma_wait3A_1312 = arith.constant 0 : i32
      %dma_wait3A_1313 = arith.constant 0 : i32
      %dma_wait3A_1314 = tpu.memref_slice %arg8[%dma_wait3A_1291, %dma_wait3A_1311, %dma_wait3A_1312, %dma_wait3A_1313] : memref<4x2x100x64xf32, #tpu.memory_space<vmem>> -> memref<1x2x100x64xf32, #tpu.memory_space<vmem>>
      %dma_wait3A_1315 = tpu.memref_squeeze %dma_wait3A_1314 : memref<1x2x100x64xf32, #tpu.memory_space<vmem>> -> memref<2x100x64xf32, #tpu.memory_space<vmem>>
      %dma_wait3A_1316 = arith.constant 0 : i32
      %dma_wait3A_1317 = arith.constant 0 : i32
      %dma_wait3A_1318 = tpu.memref_slice %dma_wait3A_1315[%dma_wait3A_1292, %dma_wait3A_1316, %dma_wait3A_1317] : memref<2x100x64xf32, #tpu.memory_space<vmem>> -> memref<1x100x64xf32, #tpu.memory_space<vmem>>
      %dma_wait3A_1319 = tpu.memref_squeeze %dma_wait3A_1318 : memref<1x100x64xf32, #tpu.memory_space<vmem>> -> memref<100x64xf32, #tpu.memory_space<vmem>>
      tpu.wait_dma2 semaphore(%dma_wait3A_1307 : memref<!tpu.dma_semaphore, #tpu.memory_space<semaphore_mem>>) src(%dma_wait3A_1319 : memref<100x64xf32, #tpu.memory_space<vmem>>) dst(%dma_wait3A_1310 : memref<100x64xf32, #tpu.memory_space<hbm>>)
      %dma_start3A_1320 = arith.constant 1 : i32
      %dma_start3A_1321 = arith.constant 1 : i32
      %dma_start3A_1322 = arith.constant 0 : i32
      %dma_start3A_1323 = arith.constant 0 : i32
      %dma_start3A_1324 = arith.constant 0 : i32
      %dma_start3A_1325 = tpu.memref_slice %arg8[%dma_start3A_1320, %dma_start3A_1322, %dma_start3A_1323, %dma_start3A_1324] : memref<4x2x100x64xf32, #tpu.memory_space<vmem>> -> memref<1x2x100x64xf32, #tpu.memory_space<vmem>>
      %dma_start3A_1326 = tpu.memref_squeeze %dma_start3A_1325 : memref<1x2x100x64xf32, #tpu.memory_space<vmem>> -> memref<2x100x64xf32, #tpu.memory_space<vmem>>
      %dma_start3A_1327 = tpu.memref_slice %arg9[%dma_start3A_1321] : memref<4x!tpu.dma_semaphore, #tpu.memory_space<semaphore_mem>> -> memref<1x!tpu.dma_semaphore, #tpu.memory_space<semaphore_mem>>
      %dma_start3A_1328 = tpu.memref_squeeze %dma_start3A_1327 : memref<1x!tpu.dma_semaphore, #tpu.memory_space<semaphore_mem>> -> memref<!tpu.dma_semaphore, #tpu.memory_space<semaphore_mem>>
      %dma_start3A_1329 = arith.constant 0 : i32
      %dma_start3A_1330 = arith.constant 0 : i32
      %dma_start3A_1331 = arith.constant 0 : i32
      %dma_start3A_1332 = tpu.memref_slice %arg8[%dma_start3A_1320, %dma_start3A_1329, %dma_start3A_1330, %dma_start3A_1331] : memref<4x2x100x64xf32, #tpu.memory_space<vmem>> -> memref<1x2x100x64xf32, #tpu.memory_space<vmem>>
      %dma_start3A_1333 = tpu.memref_squeeze %dma_start3A_1332 : memref<1x2x100x64xf32, #tpu.memory_space<vmem>> -> memref<2x100x64xf32, #tpu.memory_space<vmem>>
      tpu.enqueue_dma source(%arg6 : memref<2x100x64xf32, #tpu.memory_space<vmem_shared>>) target(%dma_start3A_1333 : memref<2x100x64xf32, #tpu.memory_space<vmem>>) target_semaphore(%dma_start3A_1328 : memref<!tpu.dma_semaphore, #tpu.memory_space<semaphore_mem>>)
      %dma_wait3A_1334 = arith.constant 0 : i32
      %dma_wait3A_1335 = arith.constant 0 : i32
      %dma_wait3A_1336 = arith.constant 0 : i32
      %dma_wait3A_1337 = arith.constant 0 : i32
      %dma_wait3A_1338 = arith.constant 0 : i32
      %dma_wait3A_1339 = arith.constant 0 : i32
      %dma_wait3A_1340 = tpu.memref_slice %arg8[%dma_wait3A_1334, %dma_wait3A_1337, %dma_wait3A_1338, %dma_wait3A_1339] : memref<4x2x100x64xf32, #tpu.memory_space<vmem>> -> memref<1x2x100x64xf32, #tpu.memory_space<vmem>>
      %dma_wait3A_1341 = tpu.memref_squeeze %dma_wait3A_1340 : memref<1x2x100x64xf32, #tpu.memory_space<vmem>> -> memref<2x100x64xf32, #tpu.memory_space<vmem>>
      %dma_wait3A_1342 = arith.constant 0 : i32
      %dma_wait3A_1343 = arith.constant 0 : i32
      %dma_wait3A_1344 = tpu.memref_slice %dma_wait3A_1341[%dma_wait3A_1335, %dma_wait3A_1342, %dma_wait3A_1343] : memref<2x100x64xf32, #tpu.memory_space<vmem>> -> memref<1x100x64xf32, #tpu.memory_space<vmem>>
      %dma_wait3A_1345 = tpu.memref_squeeze %dma_wait3A_1344 : memref<1x100x64xf32, #tpu.memory_space<vmem>> -> memref<100x64xf32, #tpu.memory_space<vmem>>
      %dma_wait3A_1346 = arith.constant 0 : i32
      %dma_wait3A_1347 = arith.constant 0 : i32
      %dma_wait3A_1348 = tpu.memref_slice %arg4[%dma_wait3A_1346, %dma_wait3A_1347] : memref<1000000x64xf32, #tpu.memory_space<hbm>> -> memref<100x64xf32, #tpu.memory_space<hbm>>
      %dma_wait3A_1349 = tpu.memref_slice %arg10[%dma_wait3A_1336] : memref<4x!tpu.dma_semaphore, #tpu.memory_space<semaphore_mem>> -> memref<1x!tpu.dma_semaphore, #tpu.memory_space<semaphore_mem>>
      %dma_wait3A_1350 = tpu.memref_squeeze %dma_wait3A_1349 : memref<1x!tpu.dma_semaphore, #tpu.memory_space<semaphore_mem>> -> memref<!tpu.dma_semaphore, #tpu.memory_space<semaphore_mem>>
      %dma_wait3A_1351 = arith.constant 0 : i32
      %dma_wait3A_1352 = arith.constant 0 : i32
      %dma_wait3A_1353 = arith.constant 0 : i32
      %dma_wait3A_1354 = tpu.memref_slice %arg8[%dma_wait3A_1334, %dma_wait3A_1351, %dma_wait3A_1352, %dma_wait3A_1353] : memref<4x2x100x64xf32, #tpu.memory_space<vmem>> -> memref<1x2x100x64xf32, #tpu.memory_space<vmem>>
      %dma_wait3A_1355 = tpu.memref_squeeze %dma_wait3A_1354 : memref<1x2x100x64xf32, #tpu.memory_space<vmem>> -> memref<2x100x64xf32, #tpu.memory_space<vmem>>
      %dma_wait3A_1356 = arith.constant 0 : i32
      %dma_wait3A_1357 = arith.constant 0 : i32
      %dma_wait3A_1358 = tpu.memref_slice %dma_wait3A_1355[%dma_wait3A_1335, %dma_wait3A_1356, %dma_wait3A_1357] : memref<2x100x64xf32, #tpu.memory_space<vmem>> -> memref<1x100x64xf32, #tpu.memory_space<vmem>>
      %dma_wait3A_1359 = tpu.memref_squeeze %dma_wait3A_1358 : memref<1x100x64xf32, #tpu.memory_space<vmem>> -> memref<100x64xf32, #tpu.memory_space<vmem>>
      %dma_wait3A_1360 = arith.constant 0 : i32
      %dma_wait3A_1361 = arith.constant 0 : i32
      %dma_wait3A_1362 = tpu.memref_slice %arg4[%dma_wait3A_1360, %dma_wait3A_1361] : memref<1000000x64xf32, #tpu.memory_space<hbm>> -> memref<100x64xf32, #tpu.memory_space<hbm>>
      tpu.wait_dma2 semaphore(%dma_wait3A_1350 : memref<!tpu.dma_semaphore, #tpu.memory_space<semaphore_mem>>) src(%dma_wait3A_1362 : memref<100x64xf32, #tpu.memory_space<hbm>>) dst(%dma_wait3A_1359 : memref<100x64xf32, #tpu.memory_space<vmem>>)
      %dma_wait3A_1363 = arith.constant 0 : i32
      %dma_wait3A_1364 = arith.constant 1 : i32
      %dma_wait3A_1365 = arith.constant 0 : i32
      %dma_wait3A_1366 = arith.constant 0 : i32
      %dma_wait3A_1367 = arith.constant 0 : i32
      %dma_wait3A_1368 = arith.constant 0 : i32
      %dma_wait3A_1369 = tpu.memref_slice %arg8[%dma_wait3A_1363, %dma_wait3A_1366, %dma_wait3A_1367, %dma_wait3A_1368] : memref<4x2x100x64xf32, #tpu.memory_space<vmem>> -> memref<1x2x100x64xf32, #tpu.memory_space<vmem>>
      %dma_wait3A_1370 = tpu.memref_squeeze %dma_wait3A_1369 : memref<1x2x100x64xf32, #tpu.memory_space<vmem>> -> memref<2x100x64xf32, #tpu.memory_space<vmem>>
      %dma_wait3A_1371 = arith.constant 0 : i32
      %dma_wait3A_1372 = arith.constant 0 : i32
      %dma_wait3A_1373 = tpu.memref_slice %dma_wait3A_1370[%dma_wait3A_1364, %dma_wait3A_1371, %dma_wait3A_1372] : memref<2x100x64xf32, #tpu.memory_space<vmem>> -> memref<1x100x64xf32, #tpu.memory_space<vmem>>
      %dma_wait3A_1374 = tpu.memref_squeeze %dma_wait3A_1373 : memref<1x100x64xf32, #tpu.memory_space<vmem>> -> memref<100x64xf32, #tpu.memory_space<vmem>>
      %dma_wait3A_1375 = arith.constant 0 : i32
      %dma_wait3A_1376 = arith.constant 0 : i32
      %dma_wait3A_1377 = tpu.memref_slice %arg4[%dma_wait3A_1375, %dma_wait3A_1376] : memref<1000000x64xf32, #tpu.memory_space<hbm>> -> memref<100x64xf32, #tpu.memory_space<hbm>>
      %dma_wait3A_1378 = tpu.memref_slice %arg10[%dma_wait3A_1365] : memref<4x!tpu.dma_semaphore, #tpu.memory_space<semaphore_mem>> -> memref<1x!tpu.dma_semaphore, #tpu.memory_space<semaphore_mem>>
      %dma_wait3A_1379 = tpu.memref_squeeze %dma_wait3A_1378 : memref<1x!tpu.dma_semaphore, #tpu.memory_space<semaphore_mem>> -> memref<!tpu.dma_semaphore, #tpu.memory_space<semaphore_mem>>
      %dma_wait3A_1380 = arith.constant 0 : i32
      %dma_wait3A_1381 = arith.constant 0 : i32
      %dma_wait3A_1382 = arith.constant 0 : i32
      %dma_wait3A_1383 = tpu.memref_slice %arg8[%dma_wait3A_1363, %dma_wait3A_1380, %dma_wait3A_1381, %dma_wait3A_1382] : memref<4x2x100x64xf32, #tpu.memory_space<vmem>> -> memref<1x2x100x64xf32, #tpu.memory_space<vmem>>
      %dma_wait3A_1384 = tpu.memref_squeeze %dma_wait3A_1383 : memref<1x2x100x64xf32, #tpu.memory_space<vmem>> -> memref<2x100x64xf32, #tpu.memory_space<vmem>>
      %dma_wait3A_1385 = arith.constant 0 : i32
      %dma_wait3A_1386 = arith.constant 0 : i32
      %dma_wait3A_1387 = tpu.memref_slice %dma_wait3A_1384[%dma_wait3A_1364, %dma_wait3A_1385, %dma_wait3A_1386] : memref<2x100x64xf32, #tpu.memory_space<vmem>> -> memref<1x100x64xf32, #tpu.memory_space<vmem>>
      %dma_wait3A_1388 = tpu.memref_squeeze %dma_wait3A_1387 : memref<1x100x64xf32, #tpu.memory_space<vmem>> -> memref<100x64xf32, #tpu.memory_space<vmem>>
      %dma_wait3A_1389 = arith.constant 0 : i32
      %dma_wait3A_1390 = arith.constant 0 : i32
      %dma_wait3A_1391 = tpu.memref_slice %arg4[%dma_wait3A_1389, %dma_wait3A_1390] : memref<1000000x64xf32, #tpu.memory_space<hbm>> -> memref<100x64xf32, #tpu.memory_space<hbm>>
      tpu.wait_dma2 semaphore(%dma_wait3A_1379 : memref<!tpu.dma_semaphore, #tpu.memory_space<semaphore_mem>>) src(%dma_wait3A_1391 : memref<100x64xf32, #tpu.memory_space<hbm>>) dst(%dma_wait3A_1388 : memref<100x64xf32, #tpu.memory_space<vmem>>)
      %sub3A_1392 = arith.constant 1 : i32
      %sub3A_1393 = arith.subi %add3A_1261, %sub3A_1392 : i32
      %add3A_1394 = arith.addi %mul3A_2, %sub3A_1393 : i32
      %mul3A_1395 = arith.constant 100 : i32
      %mul3A_1396 = arith.muli %add3A_1394, %mul3A_1395 : i32
      %dma_start3A_1397 = arith.constant 0 : i32
      %dma_start3A_1398 = arith.constant 0 : i32
      %dma_start3A_1399 = arith.constant 0 : i32
      %dma_start3A_1400 = arith.constant 0 : i32
      %dma_start3A_1401 = arith.constant 0 : i32
      %dma_start3A_1402 = arith.constant 0 : i32
      %dma_start3A_1403 = tpu.memref_slice %arg8[%dma_start3A_1397, %dma_start3A_1400, %dma_start3A_1401, %dma_start3A_1402] : memref<4x2x100x64xf32, #tpu.memory_space<vmem>> -> memref<1x2x100x64xf32, #tpu.memory_space<vmem>>
      %dma_start3A_1404 = tpu.memref_squeeze %dma_start3A_1403 : memref<1x2x100x64xf32, #tpu.memory_space<vmem>> -> memref<2x100x64xf32, #tpu.memory_space<vmem>>
      %dma_start3A_1405 = arith.constant 0 : i32
      %dma_start3A_1406 = arith.constant 0 : i32
      %dma_start3A_1407 = tpu.memref_slice %dma_start3A_1404[%dma_start3A_1398, %dma_start3A_1405, %dma_start3A_1406] : memref<2x100x64xf32, #tpu.memory_space<vmem>> -> memref<1x100x64xf32, #tpu.memory_space<vmem>>
      %dma_start3A_1408 = tpu.memref_squeeze %dma_start3A_1407 : memref<1x100x64xf32, #tpu.memory_space<vmem>> -> memref<100x64xf32, #tpu.memory_space<vmem>>
      %dma_start3A_1409 = arith.constant 0 : i32
      %dma_start3A_1410 = tpu.memref_slice %arg5[%mul3A_1396, %dma_start3A_1409] : memref<409600x128xf32, #tpu.memory_space<hbm>> -> memref<100x64xf32, #tpu.memory_space<hbm>>
      %dma_start3A_1411 = tpu.memref_slice %arg11[%dma_start3A_1399] : memref<4x!tpu.dma_semaphore, #tpu.memory_space<semaphore_mem>> -> memref<1x!tpu.dma_semaphore, #tpu.memory_space<semaphore_mem>>
      %dma_start3A_1412 = tpu.memref_squeeze %dma_start3A_1411 : memref<1x!tpu.dma_semaphore, #tpu.memory_space<semaphore_mem>> -> memref<!tpu.dma_semaphore, #tpu.memory_space<semaphore_mem>>
      %dma_start3A_1413 = arith.constant 0 : i32
      %dma_start3A_1414 = tpu.memref_slice %arg5[%mul3A_1396, %dma_start3A_1413] : memref<409600x128xf32, #tpu.memory_space<hbm>> -> memref<100x64xf32, #tpu.memory_space<hbm>>
      %dma_start3A_1415 = arith.constant 0 : i32
      %dma_start3A_1416 = arith.constant 0 : i32
      %dma_start3A_1417 = arith.constant 0 : i32
      %dma_start3A_1418 = tpu.memref_slice %arg8[%dma_start3A_1397, %dma_start3A_1415, %dma_start3A_1416, %dma_start3A_1417] : memref<4x2x100x64xf32, #tpu.memory_space<vmem>> -> memref<1x2x100x64xf32, #tpu.memory_space<vmem>>
      %dma_start3A_1419 = tpu.memref_squeeze %dma_start3A_1418 : memref<1x2x100x64xf32, #tpu.memory_space<vmem>> -> memref<2x100x64xf32, #tpu.memory_space<vmem>>
      %dma_start3A_1420 = arith.constant 0 : i32
      %dma_start3A_1421 = arith.constant 0 : i32
      %dma_start3A_1422 = tpu.memref_slice %dma_start3A_1419[%dma_start3A_1398, %dma_start3A_1420, %dma_start3A_1421] : memref<2x100x64xf32, #tpu.memory_space<vmem>> -> memref<1x100x64xf32, #tpu.memory_space<vmem>>
      %dma_start3A_1423 = tpu.memref_squeeze %dma_start3A_1422 : memref<1x100x64xf32, #tpu.memory_space<vmem>> -> memref<100x64xf32, #tpu.memory_space<vmem>>
      tpu.enqueue_dma source(%dma_start3A_1423 : memref<100x64xf32, #tpu.memory_space<vmem>>) target(%dma_start3A_1414 : memref<100x64xf32, #tpu.memory_space<hbm>>) target_semaphore(%dma_start3A_1412 : memref<!tpu.dma_semaphore, #tpu.memory_space<semaphore_mem>>)
      %add3A_1424 = arith.addi %mul3A_2, %sub3A_1393 : i32
      %mul3A_1425 = arith.constant 100 : i32
      %mul3A_1426 = arith.muli %add3A_1424, %mul3A_1425 : i32
      %dma_start3A_1427 = arith.constant 0 : i32
      %dma_start3A_1428 = arith.constant 1 : i32
      %dma_start3A_1429 = arith.constant 0 : i32
      %dma_start3A_1430 = arith.constant 0 : i32
      %dma_start3A_1431 = arith.constant 0 : i32
      %dma_start3A_1432 = arith.constant 0 : i32
      %dma_start3A_1433 = tpu.memref_slice %arg8[%dma_start3A_1427, %dma_start3A_1430, %dma_start3A_1431, %dma_start3A_1432] : memref<4x2x100x64xf32, #tpu.memory_space<vmem>> -> memref<1x2x100x64xf32, #tpu.memory_space<vmem>>
      %dma_start3A_1434 = tpu.memref_squeeze %dma_start3A_1433 : memref<1x2x100x64xf32, #tpu.memory_space<vmem>> -> memref<2x100x64xf32, #tpu.memory_space<vmem>>
      %dma_start3A_1435 = arith.constant 0 : i32
      %dma_start3A_1436 = arith.constant 0 : i32
      %dma_start3A_1437 = tpu.memref_slice %dma_start3A_1434[%dma_start3A_1428, %dma_start3A_1435, %dma_start3A_1436] : memref<2x100x64xf32, #tpu.memory_space<vmem>> -> memref<1x100x64xf32, #tpu.memory_space<vmem>>
      %dma_start3A_1438 = tpu.memref_squeeze %dma_start3A_1437 : memref<1x100x64xf32, #tpu.memory_space<vmem>> -> memref<100x64xf32, #tpu.memory_space<vmem>>
      %dma_start3A_1439 = arith.constant 64 : i32
      %dma_start3A_1440 = tpu.memref_slice %arg5[%mul3A_1426, %dma_start3A_1439] : memref<409600x128xf32, #tpu.memory_space<hbm>> -> memref<100x64xf32, #tpu.memory_space<hbm>>
      %dma_start3A_1441 = tpu.memref_slice %arg11[%dma_start3A_1429] : memref<4x!tpu.dma_semaphore, #tpu.memory_space<semaphore_mem>> -> memref<1x!tpu.dma_semaphore, #tpu.memory_space<semaphore_mem>>
      %dma_start3A_1442 = tpu.memref_squeeze %dma_start3A_1441 : memref<1x!tpu.dma_semaphore, #tpu.memory_space<semaphore_mem>> -> memref<!tpu.dma_semaphore, #tpu.memory_space<semaphore_mem>>
      %dma_start3A_1443 = arith.constant 64 : i32
      %dma_start3A_1444 = tpu.memref_slice %arg5[%mul3A_1426, %dma_start3A_1443] : memref<409600x128xf32, #tpu.memory_space<hbm>> -> memref<100x64xf32, #tpu.memory_space<hbm>>
      %dma_start3A_1445 = arith.constant 0 : i32
      %dma_start3A_1446 = arith.constant 0 : i32
      %dma_start3A_1447 = arith.constant 0 : i32
      %dma_start3A_1448 = tpu.memref_slice %arg8[%dma_start3A_1427, %dma_start3A_1445, %dma_start3A_1446, %dma_start3A_1447] : memref<4x2x100x64xf32, #tpu.memory_space<vmem>> -> memref<1x2x100x64xf32, #tpu.memory_space<vmem>>
      %dma_start3A_1449 = tpu.memref_squeeze %dma_start3A_1448 : memref<1x2x100x64xf32, #tpu.memory_space<vmem>> -> memref<2x100x64xf32, #tpu.memory_space<vmem>>
      %dma_start3A_1450 = arith.constant 0 : i32
      %dma_start3A_1451 = arith.constant 0 : i32
      %dma_start3A_1452 = tpu.memref_slice %dma_start3A_1449[%dma_start3A_1428, %dma_start3A_1450, %dma_start3A_1451] : memref<2x100x64xf32, #tpu.memory_space<vmem>> -> memref<1x100x64xf32, #tpu.memory_space<vmem>>
      %dma_start3A_1453 = tpu.memref_squeeze %dma_start3A_1452 : memref<1x100x64xf32, #tpu.memory_space<vmem>> -> memref<100x64xf32, #tpu.memory_space<vmem>>
      tpu.enqueue_dma source(%dma_start3A_1453 : memref<100x64xf32, #tpu.memory_space<vmem>>) target(%dma_start3A_1444 : memref<100x64xf32, #tpu.memory_space<hbm>>) target_semaphore(%dma_start3A_1442 : memref<!tpu.dma_semaphore, #tpu.memory_space<semaphore_mem>>)
      %dma_wait3A_1454 = arith.constant 1 : i32
      %dma_wait3A_1455 = arith.constant 1 : i32
      %dma_wait3A_1456 = arith.constant 0 : i32
      %dma_wait3A_1457 = arith.constant 0 : i32
      %dma_wait3A_1458 = arith.constant 0 : i32
      %dma_wait3A_1459 = tpu.memref_slice %arg8[%dma_wait3A_1454, %dma_wait3A_1456, %dma_wait3A_1457, %dma_wait3A_1458] : memref<4x2x100x64xf32, #tpu.memory_space<vmem>> -> memref<1x2x100x64xf32, #tpu.memory_space<vmem>>
      %dma_wait3A_1460 = tpu.memref_squeeze %dma_wait3A_1459 : memref<1x2x100x64xf32, #tpu.memory_space<vmem>> -> memref<2x100x64xf32, #tpu.memory_space<vmem>>
      %dma_wait3A_1461 = tpu.memref_slice %arg9[%dma_wait3A_1455] : memref<4x!tpu.dma_semaphore, #tpu.memory_space<semaphore_mem>> -> memref<1x!tpu.dma_semaphore, #tpu.memory_space<semaphore_mem>>
      %dma_wait3A_1462 = tpu.memref_squeeze %dma_wait3A_1461 : memref<1x!tpu.dma_semaphore, #tpu.memory_space<semaphore_mem>> -> memref<!tpu.dma_semaphore, #tpu.memory_space<semaphore_mem>>
      %dma_wait3A_1463 = arith.constant 0 : i32
      %dma_wait3A_1464 = arith.constant 0 : i32
      %dma_wait3A_1465 = arith.constant 0 : i32
      %dma_wait3A_1466 = tpu.memref_slice %arg8[%dma_wait3A_1454, %dma_wait3A_1463, %dma_wait3A_1464, %dma_wait3A_1465] : memref<4x2x100x64xf32, #tpu.memory_space<vmem>> -> memref<1x2x100x64xf32, #tpu.memory_space<vmem>>
      %dma_wait3A_1467 = tpu.memref_squeeze %dma_wait3A_1466 : memref<1x2x100x64xf32, #tpu.memory_space<vmem>> -> memref<2x100x64xf32, #tpu.memory_space<vmem>>
      tpu.wait_dma2 semaphore(%dma_wait3A_1462 : memref<!tpu.dma_semaphore, #tpu.memory_space<semaphore_mem>>) src(%arg6 : memref<2x100x64xf32, #tpu.memory_space<vmem_shared>>) dst(%dma_wait3A_1467 : memref<2x100x64xf32, #tpu.memory_space<vmem>>)
      %mul3A_1468 = arith.constant 2 : i32
      %mul3A_1469 = arith.muli %add3A_1261, %mul3A_1468 : i32
      %add3A_1470 = arith.constant 0 : i32
      %add3A_1471 = arith.addi %mul3A_1469, %add3A_1470 : i32
      %dma_start3A_1472 = arith.constant 1 : i32
      %dma_start3A_1473 = arith.constant 0 : i32
      %dma_start3A_1474 = arith.constant 1 : i32
      %dma_start3A_1475 = arith.constant 0 : i32
      %dma_start3A_1476 = arith.constant 0 : i32
      %dma_start3A_1477 = arith.constant 0 : i32
      %dma_start3A_1478 = tpu.memref_slice %arg8[%dma_start3A_1472, %dma_start3A_1475, %dma_start3A_1476, %dma_start3A_1477] : memref<4x2x100x64xf32, #tpu.memory_space<vmem>> -> memref<1x2x100x64xf32, #tpu.memory_space<vmem>>
      %dma_start3A_1479 = tpu.memref_squeeze %dma_start3A_1478 : memref<1x2x100x64xf32, #tpu.memory_space<vmem>> -> memref<2x100x64xf32, #tpu.memory_space<vmem>>
      %dma_start3A_1480 = arith.constant 0 : i32
      %dma_start3A_1481 = arith.constant 0 : i32
      %dma_start3A_1482 = tpu.memref_slice %dma_start3A_1479[%dma_start3A_1473, %dma_start3A_1480, %dma_start3A_1481] : memref<2x100x64xf32, #tpu.memory_space<vmem>> -> memref<1x100x64xf32, #tpu.memory_space<vmem>>
      %dma_start3A_1483 = tpu.memref_squeeze %dma_start3A_1482 : memref<1x100x64xf32, #tpu.memory_space<vmem>> -> memref<100x64xf32, #tpu.memory_space<vmem>>
      %dma_start3A_1484 = arith.constant 0 : i32
      %dma_start3A_1485 = tpu.memref_slice %arg7[%add3A_1471, %dma_start3A_1484] : memref<256x100xi32, #tpu.memory_space<vmem>> -> memref<1x100xi32, #tpu.memory_space<vmem>>
      %dma_start3A_1486 = tpu.memref_squeeze %dma_start3A_1485 : memref<1x100xi32, #tpu.memory_space<vmem>> -> memref<100xi32, #tpu.memory_space<vmem>>
      %dma_start3A_1487 = arith.constant 0 : i32
      %dma_start3A_1488 = arith.constant 0 : i32
      %dma_start3A_1489 = tpu.memref_slice %arg4[%dma_start3A_1487, %dma_start3A_1488] : memref<1000000x64xf32, #tpu.memory_space<hbm>> -> memref<1000000x64xf32, #tpu.memory_space<hbm>>
      %dma_start3A_1490 = tpu.memref_slice %arg10[%dma_start3A_1474] : memref<4x!tpu.dma_semaphore, #tpu.memory_space<semaphore_mem>> -> memref<1x!tpu.dma_semaphore, #tpu.memory_space<semaphore_mem>>
      %dma_start3A_1491 = tpu.memref_squeeze %dma_start3A_1490 : memref<1x!tpu.dma_semaphore, #tpu.memory_space<semaphore_mem>> -> memref<!tpu.dma_semaphore, #tpu.memory_space<semaphore_mem>>
      tpu.enqueue_indirect_dma source(%dma_start3A_1489 : memref<1000000x64xf32, #tpu.memory_space<hbm>>) target(%dma_start3A_1483 : memref<100x64xf32, #tpu.memory_space<vmem>>) offsets(%dma_start3A_1486 : memref<100xi32, #tpu.memory_space<vmem>>) semaphore(%dma_start3A_1491 : memref<!tpu.dma_semaphore, #tpu.memory_space<semaphore_mem>>) {add = true}
      %mul3A_1492 = arith.constant 2 : i32
      %mul3A_1493 = arith.muli %add3A_1261, %mul3A_1492 : i32
      %add3A_1494 = arith.constant 1 : i32
      %add3A_1495 = arith.addi %mul3A_1493, %add3A_1494 : i32
      %dma_start3A_1496 = arith.constant 1 : i32
      %dma_start3A_1497 = arith.constant 1 : i32
      %dma_start3A_1498 = arith.constant 1 : i32
      %dma_start3A_1499 = arith.constant 0 : i32
      %dma_start3A_1500 = arith.constant 0 : i32
      %dma_start3A_1501 = arith.constant 0 : i32
      %dma_start3A_1502 = tpu.memref_slice %arg8[%dma_start3A_1496, %dma_start3A_1499, %dma_start3A_1500, %dma_start3A_1501] : memref<4x2x100x64xf32, #tpu.memory_space<vmem>> -> memref<1x2x100x64xf32, #tpu.memory_space<vmem>>
      %dma_start3A_1503 = tpu.memref_squeeze %dma_start3A_1502 : memref<1x2x100x64xf32, #tpu.memory_space<vmem>> -> memref<2x100x64xf32, #tpu.memory_space<vmem>>
      %dma_start3A_1504 = arith.constant 0 : i32
      %dma_start3A_1505 = arith.constant 0 : i32
      %dma_start3A_1506 = tpu.memref_slice %dma_start3A_1503[%dma_start3A_1497, %dma_start3A_1504, %dma_start3A_1505] : memref<2x100x64xf32, #tpu.memory_space<vmem>> -> memref<1x100x64xf32, #tpu.memory_space<vmem>>
      %dma_start3A_1507 = tpu.memref_squeeze %dma_start3A_1506 : memref<1x100x64xf32, #tpu.memory_space<vmem>> -> memref<100x64xf32, #tpu.memory_space<vmem>>
      %dma_start3A_1508 = arith.constant 0 : i32
      %dma_start3A_1509 = tpu.memref_slice %arg7[%add3A_1495, %dma_start3A_1508] : memref<256x100xi32, #tpu.memory_space<vmem>> -> memref<1x100xi32, #tpu.memory_space<vmem>>
      %dma_start3A_1510 = tpu.memref_squeeze %dma_start3A_1509 : memref<1x100xi32, #tpu.memory_space<vmem>> -> memref<100xi32, #tpu.memory_space<vmem>>
      %dma_start3A_1511 = arith.constant 0 : i32
      %dma_start3A_1512 = arith.constant 0 : i32
      %dma_start3A_1513 = tpu.memref_slice %arg4[%dma_start3A_1511, %dma_start3A_1512] : memref<1000000x64xf32, #tpu.memory_space<hbm>> -> memref<1000000x64xf32, #tpu.memory_space<hbm>>
      %dma_start3A_1514 = tpu.memref_slice %arg10[%dma_start3A_1498] : memref<4x!tpu.dma_semaphore, #tpu.memory_space<semaphore_mem>> -> memref<1x!tpu.dma_semaphore, #tpu.memory_space<semaphore_mem>>
      %dma_start3A_1515 = tpu.memref_squeeze %dma_start3A_1514 : memref<1x!tpu.dma_semaphore, #tpu.memory_space<semaphore_mem>> -> memref<!tpu.dma_semaphore, #tpu.memory_space<semaphore_mem>>
      tpu.enqueue_indirect_dma source(%dma_start3A_1513 : memref<1000000x64xf32, #tpu.memory_space<hbm>>) target(%dma_start3A_1507 : memref<100x64xf32, #tpu.memory_space<vmem>>) offsets(%dma_start3A_1510 : memref<100xi32, #tpu.memory_space<vmem>>) semaphore(%dma_start3A_1515 : memref<!tpu.dma_semaphore, #tpu.memory_space<semaphore_mem>>) {add = true}
      %add3A_1516 = arith.constant 2 : i32
      %add3A_1517 = arith.addi %mul3A_1004, %add3A_1516 : i32
      %dma_wait3A_1518 = arith.constant 2 : i32
      %dma_wait3A_1519 = arith.constant 0 : i32
      %dma_wait3A_1520 = arith.constant 2 : i32
      %dma_wait3A_1521 = arith.constant 0 : i32
      %dma_wait3A_1522 = arith.constant 0 : i32
      %dma_wait3A_1523 = arith.constant 0 : i32
      %dma_wait3A_1524 = tpu.memref_slice %arg8[%dma_wait3A_1518, %dma_wait3A_1521, %dma_wait3A_1522, %dma_wait3A_1523] : memref<4x2x100x64xf32, #tpu.memory_space<vmem>> -> memref<1x2x100x64xf32, #tpu.memory_space<vmem>>
      %dma_wait3A_1525 = tpu.memref_squeeze %dma_wait3A_1524 : memref<1x2x100x64xf32, #tpu.memory_space<vmem>> -> memref<2x100x64xf32, #tpu.memory_space<vmem>>
      %dma_wait3A_1526 = arith.constant 0 : i32
      %dma_wait3A_1527 = arith.constant 0 : i32
      %dma_wait3A_1528 = tpu.memref_slice %dma_wait3A_1525[%dma_wait3A_1519, %dma_wait3A_1526, %dma_wait3A_1527] : memref<2x100x64xf32, #tpu.memory_space<vmem>> -> memref<1x100x64xf32, #tpu.memory_space<vmem>>
      %dma_wait3A_1529 = tpu.memref_squeeze %dma_wait3A_1528 : memref<1x100x64xf32, #tpu.memory_space<vmem>> -> memref<100x64xf32, #tpu.memory_space<vmem>>
      %dma_wait3A_1530 = arith.constant 0 : i32
      %dma_wait3A_1531 = arith.constant 0 : i32
      %dma_wait3A_1532 = tpu.memref_slice %arg5[%dma_wait3A_1530, %dma_wait3A_1531] : memref<409600x128xf32, #tpu.memory_space<hbm>> -> memref<100x64xf32, #tpu.memory_space<hbm>>
      %dma_wait3A_1533 = tpu.memref_slice %arg11[%dma_wait3A_1520] : memref<4x!tpu.dma_semaphore, #tpu.memory_space<semaphore_mem>> -> memref<1x!tpu.dma_semaphore, #tpu.memory_space<semaphore_mem>>
      %dma_wait3A_1534 = tpu.memref_squeeze %dma_wait3A_1533 : memref<1x!tpu.dma_semaphore, #tpu.memory_space<semaphore_mem>> -> memref<!tpu.dma_semaphore, #tpu.memory_space<semaphore_mem>>
      %dma_wait3A_1535 = arith.constant 0 : i32
      %dma_wait3A_1536 = arith.constant 0 : i32
      %dma_wait3A_1537 = tpu.memref_slice %arg5[%dma_wait3A_1535, %dma_wait3A_1536] : memref<409600x128xf32, #tpu.memory_space<hbm>> -> memref<100x64xf32, #tpu.memory_space<hbm>>
      %dma_wait3A_1538 = arith.constant 0 : i32
      %dma_wait3A_1539 = arith.constant 0 : i32
      %dma_wait3A_1540 = arith.constant 0 : i32
      %dma_wait3A_1541 = tpu.memref_slice %arg8[%dma_wait3A_1518, %dma_wait3A_1538, %dma_wait3A_1539, %dma_wait3A_1540] : memref<4x2x100x64xf32, #tpu.memory_space<vmem>> -> memref<1x2x100x64xf32, #tpu.memory_space<vmem>>
      %dma_wait3A_1542 = tpu.memref_squeeze %dma_wait3A_1541 : memref<1x2x100x64xf32, #tpu.memory_space<vmem>> -> memref<2x100x64xf32, #tpu.memory_space<vmem>>
      %dma_wait3A_1543 = arith.constant 0 : i32
      %dma_wait3A_1544 = arith.constant 0 : i32
      %dma_wait3A_1545 = tpu.memref_slice %dma_wait3A_1542[%dma_wait3A_1519, %dma_wait3A_1543, %dma_wait3A_1544] : memref<2x100x64xf32, #tpu.memory_space<vmem>> -> memref<1x100x64xf32, #tpu.memory_space<vmem>>
      %dma_wait3A_1546 = tpu.memref_squeeze %dma_wait3A_1545 : memref<1x100x64xf32, #tpu.memory_space<vmem>> -> memref<100x64xf32, #tpu.memory_space<vmem>>
      tpu.wait_dma2 semaphore(%dma_wait3A_1534 : memref<!tpu.dma_semaphore, #tpu.memory_space<semaphore_mem>>) src(%dma_wait3A_1546 : memref<100x64xf32, #tpu.memory_space<vmem>>) dst(%dma_wait3A_1537 : memref<100x64xf32, #tpu.memory_space<hbm>>)
      %dma_wait3A_1547 = arith.constant 2 : i32
      %dma_wait3A_1548 = arith.constant 1 : i32
      %dma_wait3A_1549 = arith.constant 2 : i32
      %dma_wait3A_1550 = arith.constant 0 : i32
      %dma_wait3A_1551 = arith.constant 0 : i32
      %dma_wait3A_1552 = arith.constant 0 : i32
      %dma_wait3A_1553 = tpu.memref_slice %arg8[%dma_wait3A_1547, %dma_wait3A_1550, %dma_wait3A_1551, %dma_wait3A_1552] : memref<4x2x100x64xf32, #tpu.memory_space<vmem>> -> memref<1x2x100x64xf32, #tpu.memory_space<vmem>>
      %dma_wait3A_1554 = tpu.memref_squeeze %dma_wait3A_1553 : memref<1x2x100x64xf32, #tpu.memory_space<vmem>> -> memref<2x100x64xf32, #tpu.memory_space<vmem>>
      %dma_wait3A_1555 = arith.constant 0 : i32
      %dma_wait3A_1556 = arith.constant 0 : i32
      %dma_wait3A_1557 = tpu.memref_slice %dma_wait3A_1554[%dma_wait3A_1548, %dma_wait3A_1555, %dma_wait3A_1556] : memref<2x100x64xf32, #tpu.memory_space<vmem>> -> memref<1x100x64xf32, #tpu.memory_space<vmem>>
      %dma_wait3A_1558 = tpu.memref_squeeze %dma_wait3A_1557 : memref<1x100x64xf32, #tpu.memory_space<vmem>> -> memref<100x64xf32, #tpu.memory_space<vmem>>
      %dma_wait3A_1559 = arith.constant 0 : i32
      %dma_wait3A_1560 = arith.constant 64 : i32
      %dma_wait3A_1561 = tpu.memref_slice %arg5[%dma_wait3A_1559, %dma_wait3A_1560] : memref<409600x128xf32, #tpu.memory_space<hbm>> -> memref<100x64xf32, #tpu.memory_space<hbm>>
      %dma_wait3A_1562 = tpu.memref_slice %arg11[%dma_wait3A_1549] : memref<4x!tpu.dma_semaphore, #tpu.memory_space<semaphore_mem>> -> memref<1x!tpu.dma_semaphore, #tpu.memory_space<semaphore_mem>>
      %dma_wait3A_1563 = tpu.memref_squeeze %dma_wait3A_1562 : memref<1x!tpu.dma_semaphore, #tpu.memory_space<semaphore_mem>> -> memref<!tpu.dma_semaphore, #tpu.memory_space<semaphore_mem>>
      %dma_wait3A_1564 = arith.constant 0 : i32
      %dma_wait3A_1565 = arith.constant 64 : i32
      %dma_wait3A_1566 = tpu.memref_slice %arg5[%dma_wait3A_1564, %dma_wait3A_1565] : memref<409600x128xf32, #tpu.memory_space<hbm>> -> memref<100x64xf32, #tpu.memory_space<hbm>>
      %dma_wait3A_1567 = arith.constant 0 : i32
      %dma_wait3A_1568 = arith.constant 0 : i32
      %dma_wait3A_1569 = arith.constant 0 : i32
      %dma_wait3A_1570 = tpu.memref_slice %arg8[%dma_wait3A_1547, %dma_wait3A_1567, %dma_wait3A_1568, %dma_wait3A_1569] : memref<4x2x100x64xf32, #tpu.memory_space<vmem>> -> memref<1x2x100x64xf32, #tpu.memory_space<vmem>>
      %dma_wait3A_1571 = tpu.memref_squeeze %dma_wait3A_1570 : memref<1x2x100x64xf32, #tpu.memory_space<vmem>> -> memref<2x100x64xf32, #tpu.memory_space<vmem>>
      %dma_wait3A_1572 = arith.constant 0 : i32
      %dma_wait3A_1573 = arith.constant 0 : i32
      %dma_wait3A_1574 = tpu.memref_slice %dma_wait3A_1571[%dma_wait3A_1548, %dma_wait3A_1572, %dma_wait3A_1573] : memref<2x100x64xf32, #tpu.memory_space<vmem>> -> memref<1x100x64xf32, #tpu.memory_space<vmem>>
      %dma_wait3A_1575 = tpu.memref_squeeze %dma_wait3A_1574 : memref<1x100x64xf32, #tpu.memory_space<vmem>> -> memref<100x64xf32, #tpu.memory_space<vmem>>
      tpu.wait_dma2 semaphore(%dma_wait3A_1563 : memref<!tpu.dma_semaphore, #tpu.memory_space<semaphore_mem>>) src(%dma_wait3A_1575 : memref<100x64xf32, #tpu.memory_space<vmem>>) dst(%dma_wait3A_1566 : memref<100x64xf32, #tpu.memory_space<hbm>>)
      %dma_start3A_1576 = arith.constant 2 : i32
      %dma_start3A_1577 = arith.constant 2 : i32
      %dma_start3A_1578 = arith.constant 0 : i32
      %dma_start3A_1579 = arith.constant 0 : i32
      %dma_start3A_1580 = arith.constant 0 : i32
      %dma_start3A_1581 = tpu.memref_slice %arg8[%dma_start3A_1576, %dma_start3A_1578, %dma_start3A_1579, %dma_start3A_1580] : memref<4x2x100x64xf32, #tpu.memory_space<vmem>> -> memref<1x2x100x64xf32, #tpu.memory_space<vmem>>
      %dma_start3A_1582 = tpu.memref_squeeze %dma_start3A_1581 : memref<1x2x100x64xf32, #tpu.memory_space<vmem>> -> memref<2x100x64xf32, #tpu.memory_space<vmem>>
      %dma_start3A_1583 = tpu.memref_slice %arg9[%dma_start3A_1577] : memref<4x!tpu.dma_semaphore, #tpu.memory_space<semaphore_mem>> -> memref<1x!tpu.dma_semaphore, #tpu.memory_space<semaphore_mem>>
      %dma_start3A_1584 = tpu.memref_squeeze %dma_start3A_1583 : memref<1x!tpu.dma_semaphore, #tpu.memory_space<semaphore_mem>> -> memref<!tpu.dma_semaphore, #tpu.memory_space<semaphore_mem>>
      %dma_start3A_1585 = arith.constant 0 : i32
      %dma_start3A_1586 = arith.constant 0 : i32
      %dma_start3A_1587 = arith.constant 0 : i32
      %dma_start3A_1588 = tpu.memref_slice %arg8[%dma_start3A_1576, %dma_start3A_1585, %dma_start3A_1586, %dma_start3A_1587] : memref<4x2x100x64xf32, #tpu.memory_space<vmem>> -> memref<1x2x100x64xf32, #tpu.memory_space<vmem>>
      %dma_start3A_1589 = tpu.memref_squeeze %dma_start3A_1588 : memref<1x2x100x64xf32, #tpu.memory_space<vmem>> -> memref<2x100x64xf32, #tpu.memory_space<vmem>>
      tpu.enqueue_dma source(%arg6 : memref<2x100x64xf32, #tpu.memory_space<vmem_shared>>) target(%dma_start3A_1589 : memref<2x100x64xf32, #tpu.memory_space<vmem>>) target_semaphore(%dma_start3A_1584 : memref<!tpu.dma_semaphore, #tpu.memory_space<semaphore_mem>>)
      %dma_wait3A_1590 = arith.constant 1 : i32
      %dma_wait3A_1591 = arith.constant 0 : i32
      %dma_wait3A_1592 = arith.constant 1 : i32
      %dma_wait3A_1593 = arith.constant 0 : i32
      %dma_wait3A_1594 = arith.constant 0 : i32
      %dma_wait3A_1595 = arith.constant 0 : i32
      %dma_wait3A_1596 = tpu.memref_slice %arg8[%dma_wait3A_1590, %dma_wait3A_1593, %dma_wait3A_1594, %dma_wait3A_1595] : memref<4x2x100x64xf32, #tpu.memory_space<vmem>> -> memref<1x2x100x64xf32, #tpu.memory_space<vmem>>
      %dma_wait3A_1597 = tpu.memref_squeeze %dma_wait3A_1596 : memref<1x2x100x64xf32, #tpu.memory_space<vmem>> -> memref<2x100x64xf32, #tpu.memory_space<vmem>>
      %dma_wait3A_1598 = arith.constant 0 : i32
      %dma_wait3A_1599 = arith.constant 0 : i32
      %dma_wait3A_1600 = tpu.memref_slice %dma_wait3A_1597[%dma_wait3A_1591, %dma_wait3A_1598, %dma_wait3A_1599] : memref<2x100x64xf32, #tpu.memory_space<vmem>> -> memref<1x100x64xf32, #tpu.memory_space<vmem>>
      %dma_wait3A_1601 = tpu.memref_squeeze %dma_wait3A_1600 : memref<1x100x64xf32, #tpu.memory_space<vmem>> -> memref<100x64xf32, #tpu.memory_space<vmem>>
      %dma_wait3A_1602 = arith.constant 0 : i32
      %dma_wait3A_1603 = arith.constant 0 : i32
      %dma_wait3A_1604 = tpu.memref_slice %arg4[%dma_wait3A_1602, %dma_wait3A_1603] : memref<1000000x64xf32, #tpu.memory_space<hbm>> -> memref<100x64xf32, #tpu.memory_space<hbm>>
      %dma_wait3A_1605 = tpu.memref_slice %arg10[%dma_wait3A_1592] : memref<4x!tpu.dma_semaphore, #tpu.memory_space<semaphore_mem>> -> memref<1x!tpu.dma_semaphore, #tpu.memory_space<semaphore_mem>>
      %dma_wait3A_1606 = tpu.memref_squeeze %dma_wait3A_1605 : memref<1x!tpu.dma_semaphore, #tpu.memory_space<semaphore_mem>> -> memref<!tpu.dma_semaphore, #tpu.memory_space<semaphore_mem>>
      %dma_wait3A_1607 = arith.constant 0 : i32
      %dma_wait3A_1608 = arith.constant 0 : i32
      %dma_wait3A_1609 = arith.constant 0 : i32
      %dma_wait3A_1610 = tpu.memref_slice %arg8[%dma_wait3A_1590, %dma_wait3A_1607, %dma_wait3A_1608, %dma_wait3A_1609] : memref<4x2x100x64xf32, #tpu.memory_space<vmem>> -> memref<1x2x100x64xf32, #tpu.memory_space<vmem>>
      %dma_wait3A_1611 = tpu.memref_squeeze %dma_wait3A_1610 : memref<1x2x100x64xf32, #tpu.memory_space<vmem>> -> memref<2x100x64xf32, #tpu.memory_space<vmem>>
      %dma_wait3A_1612 = arith.constant 0 : i32
      %dma_wait3A_1613 = arith.constant 0 : i32
      %dma_wait3A_1614 = tpu.memref_slice %dma_wait3A_1611[%dma_wait3A_1591, %dma_wait3A_1612, %dma_wait3A_1613] : memref<2x100x64xf32, #tpu.memory_space<vmem>> -> memref<1x100x64xf32, #tpu.memory_space<vmem>>
      %dma_wait3A_1615 = tpu.memref_squeeze %dma_wait3A_1614 : memref<1x100x64xf32, #tpu.memory_space<vmem>> -> memref<100x64xf32, #tpu.memory_space<vmem>>
      %dma_wait3A_1616 = arith.constant 0 : i32
      %dma_wait3A_1617 = arith.constant 0 : i32
      %dma_wait3A_1618 = tpu.memref_slice %arg4[%dma_wait3A_1616, %dma_wait3A_1617] : memref<1000000x64xf32, #tpu.memory_space<hbm>> -> memref<100x64xf32, #tpu.memory_space<hbm>>
      tpu.wait_dma2 semaphore(%dma_wait3A_1606 : memref<!tpu.dma_semaphore, #tpu.memory_space<semaphore_mem>>) src(%dma_wait3A_1618 : memref<100x64xf32, #tpu.memory_space<hbm>>) dst(%dma_wait3A_1615 : memref<100x64xf32, #tpu.memory_space<vmem>>)
      %dma_wait3A_1619 = arith.constant 1 : i32
      %dma_wait3A_1620 = arith.constant 1 : i32
      %dma_wait3A_1621 = arith.constant 1 : i32
      %dma_wait3A_1622 = arith.constant 0 : i32
      %dma_wait3A_1623 = arith.constant 0 : i32
      %dma_wait3A_1624 = arith.constant 0 : i32
      %dma_wait3A_1625 = tpu.memref_slice %arg8[%dma_wait3A_1619, %dma_wait3A_1622, %dma_wait3A_1623, %dma_wait3A_1624] : memref<4x2x100x64xf32, #tpu.memory_space<vmem>> -> memref<1x2x100x64xf32, #tpu.memory_space<vmem>>
      %dma_wait3A_1626 = tpu.memref_squeeze %dma_wait3A_1625 : memref<1x2x100x64xf32, #tpu.memory_space<vmem>> -> memref<2x100x64xf32, #tpu.memory_space<vmem>>
      %dma_wait3A_1627 = arith.constant 0 : i32
      %dma_wait3A_1628 = arith.constant 0 : i32
      %dma_wait3A_1629 = tpu.memref_slice %dma_wait3A_1626[%dma_wait3A_1620, %dma_wait3A_1627, %dma_wait3A_1628] : memref<2x100x64xf32, #tpu.memory_space<vmem>> -> memref<1x100x64xf32, #tpu.memory_space<vmem>>
      %dma_wait3A_1630 = tpu.memref_squeeze %dma_wait3A_1629 : memref<1x100x64xf32, #tpu.memory_space<vmem>> -> memref<100x64xf32, #tpu.memory_space<vmem>>
      %dma_wait3A_1631 = arith.constant 0 : i32
      %dma_wait3A_1632 = arith.constant 0 : i32
      %dma_wait3A_1633 = tpu.memref_slice %arg4[%dma_wait3A_1631, %dma_wait3A_1632] : memref<1000000x64xf32, #tpu.memory_space<hbm>> -> memref<100x64xf32, #tpu.memory_space<hbm>>
      %dma_wait3A_1634 = tpu.memref_slice %arg10[%dma_wait3A_1621] : memref<4x!tpu.dma_semaphore, #tpu.memory_space<semaphore_mem>> -> memref<1x!tpu.dma_semaphore, #tpu.memory_space<semaphore_mem>>
      %dma_wait3A_1635 = tpu.memref_squeeze %dma_wait3A_1634 : memref<1x!tpu.dma_semaphore, #tpu.memory_space<semaphore_mem>> -> memref<!tpu.dma_semaphore, #tpu.memory_space<semaphore_mem>>
      %dma_wait3A_1636 = arith.constant 0 : i32
      %dma_wait3A_1637 = arith.constant 0 : i32
      %dma_wait3A_1638 = arith.constant 0 : i32
      %dma_wait3A_1639 = tpu.memref_slice %arg8[%dma_wait3A_1619, %dma_wait3A_1636, %dma_wait3A_1637, %dma_wait3A_1638] : memref<4x2x100x64xf32, #tpu.memory_space<vmem>> -> memref<1x2x100x64xf32, #tpu.memory_space<vmem>>
      %dma_wait3A_1640 = tpu.memref_squeeze %dma_wait3A_1639 : memref<1x2x100x64xf32, #tpu.memory_space<vmem>> -> memref<2x100x64xf32, #tpu.memory_space<vmem>>
      %dma_wait3A_1641 = arith.constant 0 : i32
      %dma_wait3A_1642 = arith.constant 0 : i32
      %dma_wait3A_1643 = tpu.memref_slice %dma_wait3A_1640[%dma_wait3A_1620, %dma_wait3A_1641, %dma_wait3A_1642] : memref<2x100x64xf32, #tpu.memory_space<vmem>> -> memref<1x100x64xf32, #tpu.memory_space<vmem>>
      %dma_wait3A_1644 = tpu.memref_squeeze %dma_wait3A_1643 : memref<1x100x64xf32, #tpu.memory_space<vmem>> -> memref<100x64xf32, #tpu.memory_space<vmem>>
      %dma_wait3A_1645 = arith.constant 0 : i32
      %dma_wait3A_1646 = arith.constant 0 : i32
      %dma_wait3A_1647 = tpu.memref_slice %arg4[%dma_wait3A_1645, %dma_wait3A_1646] : memref<1000000x64xf32, #tpu.memory_space<hbm>> -> memref<100x64xf32, #tpu.memory_space<hbm>>
      tpu.wait_dma2 semaphore(%dma_wait3A_1635 : memref<!tpu.dma_semaphore, #tpu.memory_space<semaphore_mem>>) src(%dma_wait3A_1647 : memref<100x64xf32, #tpu.memory_space<hbm>>) dst(%dma_wait3A_1644 : memref<100x64xf32, #tpu.memory_space<vmem>>)
      %sub3A_1648 = arith.constant 1 : i32
      %sub3A_1649 = arith.subi %add3A_1517, %sub3A_1648 : i32
      %add3A_1650 = arith.addi %mul3A_2, %sub3A_1649 : i32
      %mul3A_1651 = arith.constant 100 : i32
      %mul3A_1652 = arith.muli %add3A_1650, %mul3A_1651 : i32
      %dma_start3A_1653 = arith.constant 1 : i32
      %dma_start3A_1654 = arith.constant 0 : i32
      %dma_start3A_1655 = arith.constant 1 : i32
      %dma_start3A_1656 = arith.constant 0 : i32
      %dma_start3A_1657 = arith.constant 0 : i32
      %dma_start3A_1658 = arith.constant 0 : i32
      %dma_start3A_1659 = tpu.memref_slice %arg8[%dma_start3A_1653, %dma_start3A_1656, %dma_start3A_1657, %dma_start3A_1658] : memref<4x2x100x64xf32, #tpu.memory_space<vmem>> -> memref<1x2x100x64xf32, #tpu.memory_space<vmem>>
      %dma_start3A_1660 = tpu.memref_squeeze %dma_start3A_1659 : memref<1x2x100x64xf32, #tpu.memory_space<vmem>> -> memref<2x100x64xf32, #tpu.memory_space<vmem>>
      %dma_start3A_1661 = arith.constant 0 : i32
      %dma_start3A_1662 = arith.constant 0 : i32
      %dma_start3A_1663 = tpu.memref_slice %dma_start3A_1660[%dma_start3A_1654, %dma_start3A_1661, %dma_start3A_1662] : memref<2x100x64xf32, #tpu.memory_space<vmem>> -> memref<1x100x64xf32, #tpu.memory_space<vmem>>
      %dma_start3A_1664 = tpu.memref_squeeze %dma_start3A_1663 : memref<1x100x64xf32, #tpu.memory_space<vmem>> -> memref<100x64xf32, #tpu.memory_space<vmem>>
      %dma_start3A_1665 = arith.constant 0 : i32
      %dma_start3A_1666 = tpu.memref_slice %arg5[%mul3A_1652, %dma_start3A_1665] : memref<409600x128xf32, #tpu.memory_space<hbm>> -> memref<100x64xf32, #tpu.memory_space<hbm>>
      %dma_start3A_1667 = tpu.memref_slice %arg11[%dma_start3A_1655] : memref<4x!tpu.dma_semaphore, #tpu.memory_space<semaphore_mem>> -> memref<1x!tpu.dma_semaphore, #tpu.memory_space<semaphore_mem>>
      %dma_start3A_1668 = tpu.memref_squeeze %dma_start3A_1667 : memref<1x!tpu.dma_semaphore, #tpu.memory_space<semaphore_mem>> -> memref<!tpu.dma_semaphore, #tpu.memory_space<semaphore_mem>>
      %dma_start3A_1669 = arith.constant 0 : i32
      %dma_start3A_1670 = tpu.memref_slice %arg5[%mul3A_1652, %dma_start3A_1669] : memref<409600x128xf32, #tpu.memory_space<hbm>> -> memref<100x64xf32, #tpu.memory_space<hbm>>
      %dma_start3A_1671 = arith.constant 0 : i32
      %dma_start3A_1672 = arith.constant 0 : i32
      %dma_start3A_1673 = arith.constant 0 : i32
      %dma_start3A_1674 = tpu.memref_slice %arg8[%dma_start3A_1653, %dma_start3A_1671, %dma_start3A_1672, %dma_start3A_1673] : memref<4x2x100x64xf32, #tpu.memory_space<vmem>> -> memref<1x2x100x64xf32, #tpu.memory_space<vmem>>
      %dma_start3A_1675 = tpu.memref_squeeze %dma_start3A_1674 : memref<1x2x100x64xf32, #tpu.memory_space<vmem>> -> memref<2x100x64xf32, #tpu.memory_space<vmem>>
      %dma_start3A_1676 = arith.constant 0 : i32
      %dma_start3A_1677 = arith.constant 0 : i32
      %dma_start3A_1678 = tpu.memref_slice %dma_start3A_1675[%dma_start3A_1654, %dma_start3A_1676, %dma_start3A_1677] : memref<2x100x64xf32, #tpu.memory_space<vmem>> -> memref<1x100x64xf32, #tpu.memory_space<vmem>>
      %dma_start3A_1679 = tpu.memref_squeeze %dma_start3A_1678 : memref<1x100x64xf32, #tpu.memory_space<vmem>> -> memref<100x64xf32, #tpu.memory_space<vmem>>
      tpu.enqueue_dma source(%dma_start3A_1679 : memref<100x64xf32, #tpu.memory_space<vmem>>) target(%dma_start3A_1670 : memref<100x64xf32, #tpu.memory_space<hbm>>) target_semaphore(%dma_start3A_1668 : memref<!tpu.dma_semaphore, #tpu.memory_space<semaphore_mem>>)
      %add3A_1680 = arith.addi %mul3A_2, %sub3A_1649 : i32
      %mul3A_1681 = arith.constant 100 : i32
      %mul3A_1682 = arith.muli %add3A_1680, %mul3A_1681 : i32
      %dma_start3A_1683 = arith.constant 1 : i32
      %dma_start3A_1684 = arith.constant 1 : i32
      %dma_start3A_1685 = arith.constant 1 : i32
      %dma_start3A_1686 = arith.constant 0 : i32
      %dma_start3A_1687 = arith.constant 0 : i32
      %dma_start3A_1688 = arith.constant 0 : i32
      %dma_start3A_1689 = tpu.memref_slice %arg8[%dma_start3A_1683, %dma_start3A_1686, %dma_start3A_1687, %dma_start3A_1688] : memref<4x2x100x64xf32, #tpu.memory_space<vmem>> -> memref<1x2x100x64xf32, #tpu.memory_space<vmem>>
      %dma_start3A_1690 = tpu.memref_squeeze %dma_start3A_1689 : memref<1x2x100x64xf32, #tpu.memory_space<vmem>> -> memref<2x100x64xf32, #tpu.memory_space<vmem>>
      %dma_start3A_1691 = arith.constant 0 : i32
      %dma_start3A_1692 = arith.constant 0 : i32
      %dma_start3A_1693 = tpu.memref_slice %dma_start3A_1690[%dma_start3A_1684, %dma_start3A_1691, %dma_start3A_1692] : memref<2x100x64xf32, #tpu.memory_space<vmem>> -> memref<1x100x64xf32, #tpu.memory_space<vmem>>
      %dma_start3A_1694 = tpu.memref_squeeze %dma_start3A_1693 : memref<1x100x64xf32, #tpu.memory_space<vmem>> -> memref<100x64xf32, #tpu.memory_space<vmem>>
      %dma_start3A_1695 = arith.constant 64 : i32
      %dma_start3A_1696 = tpu.memref_slice %arg5[%mul3A_1682, %dma_start3A_1695] : memref<409600x128xf32, #tpu.memory_space<hbm>> -> memref<100x64xf32, #tpu.memory_space<hbm>>
      %dma_start3A_1697 = tpu.memref_slice %arg11[%dma_start3A_1685] : memref<4x!tpu.dma_semaphore, #tpu.memory_space<semaphore_mem>> -> memref<1x!tpu.dma_semaphore, #tpu.memory_space<semaphore_mem>>
      %dma_start3A_1698 = tpu.memref_squeeze %dma_start3A_1697 : memref<1x!tpu.dma_semaphore, #tpu.memory_space<semaphore_mem>> -> memref<!tpu.dma_semaphore, #tpu.memory_space<semaphore_mem>>
      %dma_start3A_1699 = arith.constant 64 : i32
      %dma_start3A_1700 = tpu.memref_slice %arg5[%mul3A_1682, %dma_start3A_1699] : memref<409600x128xf32, #tpu.memory_space<hbm>> -> memref<100x64xf32, #tpu.memory_space<hbm>>
      %dma_start3A_1701 = arith.constant 0 : i32
      %dma_start3A_1702 = arith.constant 0 : i32
      %dma_start3A_1703 = arith.constant 0 : i32
      %dma_start3A_1704 = tpu.memref_slice %arg8[%dma_start3A_1683, %dma_start3A_1701, %dma_start3A_1702, %dma_start3A_1703] : memref<4x2x100x64xf32, #tpu.memory_space<vmem>> -> memref<1x2x100x64xf32, #tpu.memory_space<vmem>>
      %dma_start3A_1705 = tpu.memref_squeeze %dma_start3A_1704 : memref<1x2x100x64xf32, #tpu.memory_space<vmem>> -> memref<2x100x64xf32, #tpu.memory_space<vmem>>
      %dma_start3A_1706 = arith.constant 0 : i32
      %dma_start3A_1707 = arith.constant 0 : i32
      %dma_start3A_1708 = tpu.memref_slice %dma_start3A_1705[%dma_start3A_1684, %dma_start3A_1706, %dma_start3A_1707] : memref<2x100x64xf32, #tpu.memory_space<vmem>> -> memref<1x100x64xf32, #tpu.memory_space<vmem>>
      %dma_start3A_1709 = tpu.memref_squeeze %dma_start3A_1708 : memref<1x100x64xf32, #tpu.memory_space<vmem>> -> memref<100x64xf32, #tpu.memory_space<vmem>>
      tpu.enqueue_dma source(%dma_start3A_1709 : memref<100x64xf32, #tpu.memory_space<vmem>>) target(%dma_start3A_1700 : memref<100x64xf32, #tpu.memory_space<hbm>>) target_semaphore(%dma_start3A_1698 : memref<!tpu.dma_semaphore, #tpu.memory_space<semaphore_mem>>)
      %dma_wait3A_1710 = arith.constant 2 : i32
      %dma_wait3A_1711 = arith.constant 2 : i32
      %dma_wait3A_1712 = arith.constant 0 : i32
      %dma_wait3A_1713 = arith.constant 0 : i32
      %dma_wait3A_1714 = arith.constant 0 : i32
      %dma_wait3A_1715 = tpu.memref_slice %arg8[%dma_wait3A_1710, %dma_wait3A_1712, %dma_wait3A_1713, %dma_wait3A_1714] : memref<4x2x100x64xf32, #tpu.memory_space<vmem>> -> memref<1x2x100x64xf32, #tpu.memory_space<vmem>>
      %dma_wait3A_1716 = tpu.memref_squeeze %dma_wait3A_1715 : memref<1x2x100x64xf32, #tpu.memory_space<vmem>> -> memref<2x100x64xf32, #tpu.memory_space<vmem>>
      %dma_wait3A_1717 = tpu.memref_slice %arg9[%dma_wait3A_1711] : memref<4x!tpu.dma_semaphore, #tpu.memory_space<semaphore_mem>> -> memref<1x!tpu.dma_semaphore, #tpu.memory_space<semaphore_mem>>
      %dma_wait3A_1718 = tpu.memref_squeeze %dma_wait3A_1717 : memref<1x!tpu.dma_semaphore, #tpu.memory_space<semaphore_mem>> -> memref<!tpu.dma_semaphore, #tpu.memory_space<semaphore_mem>>
      %dma_wait3A_1719 = arith.constant 0 : i32
      %dma_wait3A_1720 = arith.constant 0 : i32
      %dma_wait3A_1721 = arith.constant 0 : i32
      %dma_wait3A_1722 = tpu.memref_slice %arg8[%dma_wait3A_1710, %dma_wait3A_1719, %dma_wait3A_1720, %dma_wait3A_1721] : memref<4x2x100x64xf32, #tpu.memory_space<vmem>> -> memref<1x2x100x64xf32, #tpu.memory_space<vmem>>
      %dma_wait3A_1723 = tpu.memref_squeeze %dma_wait3A_1722 : memref<1x2x100x64xf32, #tpu.memory_space<vmem>> -> memref<2x100x64xf32, #tpu.memory_space<vmem>>
      tpu.wait_dma2 semaphore(%dma_wait3A_1718 : memref<!tpu.dma_semaphore, #tpu.memory_space<semaphore_mem>>) src(%arg6 : memref<2x100x64xf32, #tpu.memory_space<vmem_shared>>) dst(%dma_wait3A_1723 : memref<2x100x64xf32, #tpu.memory_space<vmem>>)
      %mul3A_1724 = arith.constant 2 : i32
      %mul3A_1725 = arith.muli %add3A_1517, %mul3A_1724 : i32
      %add3A_1726 = arith.constant 0 : i32
      %add3A_1727 = arith.addi %mul3A_1725, %add3A_1726 : i32
      %dma_start3A_1728 = arith.constant 2 : i32
      %dma_start3A_1729 = arith.constant 0 : i32
      %dma_start3A_1730 = arith.constant 2 : i32
      %dma_start3A_1731 = arith.constant 0 : i32
      %dma_start3A_1732 = arith.constant 0 : i32
      %dma_start3A_1733 = arith.constant 0 : i32
      %dma_start3A_1734 = tpu.memref_slice %arg8[%dma_start3A_1728, %dma_start3A_1731, %dma_start3A_1732, %dma_start3A_1733] : memref<4x2x100x64xf32, #tpu.memory_space<vmem>> -> memref<1x2x100x64xf32, #tpu.memory_space<vmem>>
      %dma_start3A_1735 = tpu.memref_squeeze %dma_start3A_1734 : memref<1x2x100x64xf32, #tpu.memory_space<vmem>> -> memref<2x100x64xf32, #tpu.memory_space<vmem>>
      %dma_start3A_1736 = arith.constant 0 : i32
      %dma_start3A_1737 = arith.constant 0 : i32
      %dma_start3A_1738 = tpu.memref_slice %dma_start3A_1735[%dma_start3A_1729, %dma_start3A_1736, %dma_start3A_1737] : memref<2x100x64xf32, #tpu.memory_space<vmem>> -> memref<1x100x64xf32, #tpu.memory_space<vmem>>
      %dma_start3A_1739 = tpu.memref_squeeze %dma_start3A_1738 : memref<1x100x64xf32, #tpu.memory_space<vmem>> -> memref<100x64xf32, #tpu.memory_space<vmem>>
      %dma_start3A_1740 = arith.constant 0 : i32
      %dma_start3A_1741 = tpu.memref_slice %arg7[%add3A_1727, %dma_start3A_1740] : memref<256x100xi32, #tpu.memory_space<vmem>> -> memref<1x100xi32, #tpu.memory_space<vmem>>
      %dma_start3A_1742 = tpu.memref_squeeze %dma_start3A_1741 : memref<1x100xi32, #tpu.memory_space<vmem>> -> memref<100xi32, #tpu.memory_space<vmem>>
      %dma_start3A_1743 = arith.constant 0 : i32
      %dma_start3A_1744 = arith.constant 0 : i32
      %dma_start3A_1745 = tpu.memref_slice %arg4[%dma_start3A_1743, %dma_start3A_1744] : memref<1000000x64xf32, #tpu.memory_space<hbm>> -> memref<1000000x64xf32, #tpu.memory_space<hbm>>
      %dma_start3A_1746 = tpu.memref_slice %arg10[%dma_start3A_1730] : memref<4x!tpu.dma_semaphore, #tpu.memory_space<semaphore_mem>> -> memref<1x!tpu.dma_semaphore, #tpu.memory_space<semaphore_mem>>
      %dma_start3A_1747 = tpu.memref_squeeze %dma_start3A_1746 : memref<1x!tpu.dma_semaphore, #tpu.memory_space<semaphore_mem>> -> memref<!tpu.dma_semaphore, #tpu.memory_space<semaphore_mem>>
      tpu.enqueue_indirect_dma source(%dma_start3A_1745 : memref<1000000x64xf32, #tpu.memory_space<hbm>>) target(%dma_start3A_1739 : memref<100x64xf32, #tpu.memory_space<vmem>>) offsets(%dma_start3A_1742 : memref<100xi32, #tpu.memory_space<vmem>>) semaphore(%dma_start3A_1747 : memref<!tpu.dma_semaphore, #tpu.memory_space<semaphore_mem>>) {add = true}
      %mul3A_1748 = arith.constant 2 : i32
      %mul3A_1749 = arith.muli %add3A_1517, %mul3A_1748 : i32
      %add3A_1750 = arith.constant 1 : i32
      %add3A_1751 = arith.addi %mul3A_1749, %add3A_1750 : i32
      %dma_start3A_1752 = arith.constant 2 : i32
      %dma_start3A_1753 = arith.constant 1 : i32
      %dma_start3A_1754 = arith.constant 2 : i32
      %dma_start3A_1755 = arith.constant 0 : i32
      %dma_start3A_1756 = arith.constant 0 : i32
      %dma_start3A_1757 = arith.constant 0 : i32
      %dma_start3A_1758 = tpu.memref_slice %arg8[%dma_start3A_1752, %dma_start3A_1755, %dma_start3A_1756, %dma_start3A_1757] : memref<4x2x100x64xf32, #tpu.memory_space<vmem>> -> memref<1x2x100x64xf32, #tpu.memory_space<vmem>>
      %dma_start3A_1759 = tpu.memref_squeeze %dma_start3A_1758 : memref<1x2x100x64xf32, #tpu.memory_space<vmem>> -> memref<2x100x64xf32, #tpu.memory_space<vmem>>
      %dma_start3A_1760 = arith.constant 0 : i32
      %dma_start3A_1761 = arith.constant 0 : i32
      %dma_start3A_1762 = tpu.memref_slice %dma_start3A_1759[%dma_start3A_1753, %dma_start3A_1760, %dma_start3A_1761] : memref<2x100x64xf32, #tpu.memory_space<vmem>> -> memref<1x100x64xf32, #tpu.memory_space<vmem>>
      %dma_start3A_1763 = tpu.memref_squeeze %dma_start3A_1762 : memref<1x100x64xf32, #tpu.memory_space<vmem>> -> memref<100x64xf32, #tpu.memory_space<vmem>>
      %dma_start3A_1764 = arith.constant 0 : i32
      %dma_start3A_1765 = tpu.memref_slice %arg7[%add3A_1751, %dma_start3A_1764] : memref<256x100xi32, #tpu.memory_space<vmem>> -> memref<1x100xi32, #tpu.memory_space<vmem>>
      %dma_start3A_1766 = tpu.memref_squeeze %dma_start3A_1765 : memref<1x100xi32, #tpu.memory_space<vmem>> -> memref<100xi32, #tpu.memory_space<vmem>>
      %dma_start3A_1767 = arith.constant 0 : i32
      %dma_start3A_1768 = arith.constant 0 : i32
      %dma_start3A_1769 = tpu.memref_slice %arg4[%dma_start3A_1767, %dma_start3A_1768] : memref<1000000x64xf32, #tpu.memory_space<hbm>> -> memref<1000000x64xf32, #tpu.memory_space<hbm>>
      %dma_start3A_1770 = tpu.memref_slice %arg10[%dma_start3A_1754] : memref<4x!tpu.dma_semaphore, #tpu.memory_space<semaphore_mem>> -> memref<1x!tpu.dma_semaphore, #tpu.memory_space<semaphore_mem>>
      %dma_start3A_1771 = tpu.memref_squeeze %dma_start3A_1770 : memref<1x!tpu.dma_semaphore, #tpu.memory_space<semaphore_mem>> -> memref<!tpu.dma_semaphore, #tpu.memory_space<semaphore_mem>>
      tpu.enqueue_indirect_dma source(%dma_start3A_1769 : memref<1000000x64xf32, #tpu.memory_space<hbm>>) target(%dma_start3A_1763 : memref<100x64xf32, #tpu.memory_space<vmem>>) offsets(%dma_start3A_1766 : memref<100xi32, #tpu.memory_space<vmem>>) semaphore(%dma_start3A_1771 : memref<!tpu.dma_semaphore, #tpu.memory_space<semaphore_mem>>) {add = true}
      %add3A_1772 = arith.constant 3 : i32
      %add3A_1773 = arith.addi %mul3A_1004, %add3A_1772 : i32
      %dma_wait3A_1774 = arith.constant 3 : i32
      %dma_wait3A_1775 = arith.constant 0 : i32
      %dma_wait3A_1776 = arith.constant 3 : i32
      %dma_wait3A_1777 = arith.constant 0 : i32
      %dma_wait3A_1778 = arith.constant 0 : i32
      %dma_wait3A_1779 = arith.constant 0 : i32
      %dma_wait3A_1780 = tpu.memref_slice %arg8[%dma_wait3A_1774, %dma_wait3A_1777, %dma_wait3A_1778, %dma_wait3A_1779] : memref<4x2x100x64xf32, #tpu.memory_space<vmem>> -> memref<1x2x100x64xf32, #tpu.memory_space<vmem>>
      %dma_wait3A_1781 = tpu.memref_squeeze %dma_wait3A_1780 : memref<1x2x100x64xf32, #tpu.memory_space<vmem>> -> memref<2x100x64xf32, #tpu.memory_space<vmem>>
      %dma_wait3A_1782 = arith.constant 0 : i32
      %dma_wait3A_1783 = arith.constant 0 : i32
      %dma_wait3A_1784 = tpu.memref_slice %dma_wait3A_1781[%dma_wait3A_1775, %dma_wait3A_1782, %dma_wait3A_1783] : memref<2x100x64xf32, #tpu.memory_space<vmem>> -> memref<1x100x64xf32, #tpu.memory_space<vmem>>
      %dma_wait3A_1785 = tpu.memref_squeeze %dma_wait3A_1784 : memref<1x100x64xf32, #tpu.memory_space<vmem>> -> memref<100x64xf32, #tpu.memory_space<vmem>>
      %dma_wait3A_1786 = arith.constant 0 : i32
      %dma_wait3A_1787 = arith.constant 0 : i32
      %dma_wait3A_1788 = tpu.memref_slice %arg5[%dma_wait3A_1786, %dma_wait3A_1787] : memref<409600x128xf32, #tpu.memory_space<hbm>> -> memref<100x64xf32, #tpu.memory_space<hbm>>
      %dma_wait3A_1789 = tpu.memref_slice %arg11[%dma_wait3A_1776] : memref<4x!tpu.dma_semaphore, #tpu.memory_space<semaphore_mem>> -> memref<1x!tpu.dma_semaphore, #tpu.memory_space<semaphore_mem>>
      %dma_wait3A_1790 = tpu.memref_squeeze %dma_wait3A_1789 : memref<1x!tpu.dma_semaphore, #tpu.memory_space<semaphore_mem>> -> memref<!tpu.dma_semaphore, #tpu.memory_space<semaphore_mem>>
      %dma_wait3A_1791 = arith.constant 0 : i32
      %dma_wait3A_1792 = arith.constant 0 : i32
      %dma_wait3A_1793 = tpu.memref_slice %arg5[%dma_wait3A_1791, %dma_wait3A_1792] : memref<409600x128xf32, #tpu.memory_space<hbm>> -> memref<100x64xf32, #tpu.memory_space<hbm>>
      %dma_wait3A_1794 = arith.constant 0 : i32
      %dma_wait3A_1795 = arith.constant 0 : i32
      %dma_wait3A_1796 = arith.constant 0 : i32
      %dma_wait3A_1797 = tpu.memref_slice %arg8[%dma_wait3A_1774, %dma_wait3A_1794, %dma_wait3A_1795, %dma_wait3A_1796] : memref<4x2x100x64xf32, #tpu.memory_space<vmem>> -> memref<1x2x100x64xf32, #tpu.memory_space<vmem>>
      %dma_wait3A_1798 = tpu.memref_squeeze %dma_wait3A_1797 : memref<1x2x100x64xf32, #tpu.memory_space<vmem>> -> memref<2x100x64xf32, #tpu.memory_space<vmem>>
      %dma_wait3A_1799 = arith.constant 0 : i32
      %dma_wait3A_1800 = arith.constant 0 : i32
      %dma_wait3A_1801 = tpu.memref_slice %dma_wait3A_1798[%dma_wait3A_1775, %dma_wait3A_1799, %dma_wait3A_1800] : memref<2x100x64xf32, #tpu.memory_space<vmem>> -> memref<1x100x64xf32, #tpu.memory_space<vmem>>
      %dma_wait3A_1802 = tpu.memref_squeeze %dma_wait3A_1801 : memref<1x100x64xf32, #tpu.memory_space<vmem>> -> memref<100x64xf32, #tpu.memory_space<vmem>>
      tpu.wait_dma2 semaphore(%dma_wait3A_1790 : memref<!tpu.dma_semaphore, #tpu.memory_space<semaphore_mem>>) src(%dma_wait3A_1802 : memref<100x64xf32, #tpu.memory_space<vmem>>) dst(%dma_wait3A_1793 : memref<100x64xf32, #tpu.memory_space<hbm>>)
      %dma_wait3A_1803 = arith.constant 3 : i32
      %dma_wait3A_1804 = arith.constant 1 : i32
      %dma_wait3A_1805 = arith.constant 3 : i32
      %dma_wait3A_1806 = arith.constant 0 : i32
      %dma_wait3A_1807 = arith.constant 0 : i32
      %dma_wait3A_1808 = arith.constant 0 : i32
      %dma_wait3A_1809 = tpu.memref_slice %arg8[%dma_wait3A_1803, %dma_wait3A_1806, %dma_wait3A_1807, %dma_wait3A_1808] : memref<4x2x100x64xf32, #tpu.memory_space<vmem>> -> memref<1x2x100x64xf32, #tpu.memory_space<vmem>>
      %dma_wait3A_1810 = tpu.memref_squeeze %dma_wait3A_1809 : memref<1x2x100x64xf32, #tpu.memory_space<vmem>> -> memref<2x100x64xf32, #tpu.memory_space<vmem>>
      %dma_wait3A_1811 = arith.constant 0 : i32
      %dma_wait3A_1812 = arith.constant 0 : i32
      %dma_wait3A_1813 = tpu.memref_slice %dma_wait3A_1810[%dma_wait3A_1804, %dma_wait3A_1811, %dma_wait3A_1812] : memref<2x100x64xf32, #tpu.memory_space<vmem>> -> memref<1x100x64xf32, #tpu.memory_space<vmem>>
      %dma_wait3A_1814 = tpu.memref_squeeze %dma_wait3A_1813 : memref<1x100x64xf32, #tpu.memory_space<vmem>> -> memref<100x64xf32, #tpu.memory_space<vmem>>
      %dma_wait3A_1815 = arith.constant 0 : i32
      %dma_wait3A_1816 = arith.constant 64 : i32
      %dma_wait3A_1817 = tpu.memref_slice %arg5[%dma_wait3A_1815, %dma_wait3A_1816] : memref<409600x128xf32, #tpu.memory_space<hbm>> -> memref<100x64xf32, #tpu.memory_space<hbm>>
      %dma_wait3A_1818 = tpu.memref_slice %arg11[%dma_wait3A_1805] : memref<4x!tpu.dma_semaphore, #tpu.memory_space<semaphore_mem>> -> memref<1x!tpu.dma_semaphore, #tpu.memory_space<semaphore_mem>>
      %dma_wait3A_1819 = tpu.memref_squeeze %dma_wait3A_1818 : memref<1x!tpu.dma_semaphore, #tpu.memory_space<semaphore_mem>> -> memref<!tpu.dma_semaphore, #tpu.memory_space<semaphore_mem>>
      %dma_wait3A_1820 = arith.constant 0 : i32
      %dma_wait3A_1821 = arith.constant 64 : i32
      %dma_wait3A_1822 = tpu.memref_slice %arg5[%dma_wait3A_1820, %dma_wait3A_1821] : memref<409600x128xf32, #tpu.memory_space<hbm>> -> memref<100x64xf32, #tpu.memory_space<hbm>>
      %dma_wait3A_1823 = arith.constant 0 : i32
      %dma_wait3A_1824 = arith.constant 0 : i32
      %dma_wait3A_1825 = arith.constant 0 : i32
      %dma_wait3A_1826 = tpu.memref_slice %arg8[%dma_wait3A_1803, %dma_wait3A_1823, %dma_wait3A_1824, %dma_wait3A_1825] : memref<4x2x100x64xf32, #tpu.memory_space<vmem>> -> memref<1x2x100x64xf32, #tpu.memory_space<vmem>>
      %dma_wait3A_1827 = tpu.memref_squeeze %dma_wait3A_1826 : memref<1x2x100x64xf32, #tpu.memory_space<vmem>> -> memref<2x100x64xf32, #tpu.memory_space<vmem>>
      %dma_wait3A_1828 = arith.constant 0 : i32
      %dma_wait3A_1829 = arith.constant 0 : i32
      %dma_wait3A_1830 = tpu.memref_slice %dma_wait3A_1827[%dma_wait3A_1804, %dma_wait3A_1828, %dma_wait3A_1829] : memref<2x100x64xf32, #tpu.memory_space<vmem>> -> memref<1x100x64xf32, #tpu.memory_space<vmem>>
      %dma_wait3A_1831 = tpu.memref_squeeze %dma_wait3A_1830 : memref<1x100x64xf32, #tpu.memory_space<vmem>> -> memref<100x64xf32, #tpu.memory_space<vmem>>
      tpu.wait_dma2 semaphore(%dma_wait3A_1819 : memref<!tpu.dma_semaphore, #tpu.memory_space<semaphore_mem>>) src(%dma_wait3A_1831 : memref<100x64xf32, #tpu.memory_space<vmem>>) dst(%dma_wait3A_1822 : memref<100x64xf32, #tpu.memory_space<hbm>>)
      %dma_start3A_1832 = arith.constant 3 : i32
      %dma_start3A_1833 = arith.constant 3 : i32
      %dma_start3A_1834 = arith.constant 0 : i32
      %dma_start3A_1835 = arith.constant 0 : i32
      %dma_start3A_1836 = arith.constant 0 : i32
      %dma_start3A_1837 = tpu.memref_slice %arg8[%dma_start3A_1832, %dma_start3A_1834, %dma_start3A_1835, %dma_start3A_1836] : memref<4x2x100x64xf32, #tpu.memory_space<vmem>> -> memref<1x2x100x64xf32, #tpu.memory_space<vmem>>
      %dma_start3A_1838 = tpu.memref_squeeze %dma_start3A_1837 : memref<1x2x100x64xf32, #tpu.memory_space<vmem>> -> memref<2x100x64xf32, #tpu.memory_space<vmem>>
      %dma_start3A_1839 = tpu.memref_slice %arg9[%dma_start3A_1833] : memref<4x!tpu.dma_semaphore, #tpu.memory_space<semaphore_mem>> -> memref<1x!tpu.dma_semaphore, #tpu.memory_space<semaphore_mem>>
      %dma_start3A_1840 = tpu.memref_squeeze %dma_start3A_1839 : memref<1x!tpu.dma_semaphore, #tpu.memory_space<semaphore_mem>> -> memref<!tpu.dma_semaphore, #tpu.memory_space<semaphore_mem>>
      %dma_start3A_1841 = arith.constant 0 : i32
      %dma_start3A_1842 = arith.constant 0 : i32
      %dma_start3A_1843 = arith.constant 0 : i32
      %dma_start3A_1844 = tpu.memref_slice %arg8[%dma_start3A_1832, %dma_start3A_1841, %dma_start3A_1842, %dma_start3A_1843] : memref<4x2x100x64xf32, #tpu.memory_space<vmem>> -> memref<1x2x100x64xf32, #tpu.memory_space<vmem>>
      %dma_start3A_1845 = tpu.memref_squeeze %dma_start3A_1844 : memref<1x2x100x64xf32, #tpu.memory_space<vmem>> -> memref<2x100x64xf32, #tpu.memory_space<vmem>>
      tpu.enqueue_dma source(%arg6 : memref<2x100x64xf32, #tpu.memory_space<vmem_shared>>) target(%dma_start3A_1845 : memref<2x100x64xf32, #tpu.memory_space<vmem>>) target_semaphore(%dma_start3A_1840 : memref<!tpu.dma_semaphore, #tpu.memory_space<semaphore_mem>>)
      %dma_wait3A_1846 = arith.constant 2 : i32
      %dma_wait3A_1847 = arith.constant 0 : i32
      %dma_wait3A_1848 = arith.constant 2 : i32
      %dma_wait3A_1849 = arith.constant 0 : i32
      %dma_wait3A_1850 = arith.constant 0 : i32
      %dma_wait3A_1851 = arith.constant 0 : i32
      %dma_wait3A_1852 = tpu.memref_slice %arg8[%dma_wait3A_1846, %dma_wait3A_1849, %dma_wait3A_1850, %dma_wait3A_1851] : memref<4x2x100x64xf32, #tpu.memory_space<vmem>> -> memref<1x2x100x64xf32, #tpu.memory_space<vmem>>
      %dma_wait3A_1853 = tpu.memref_squeeze %dma_wait3A_1852 : memref<1x2x100x64xf32, #tpu.memory_space<vmem>> -> memref<2x100x64xf32, #tpu.memory_space<vmem>>
      %dma_wait3A_1854 = arith.constant 0 : i32
      %dma_wait3A_1855 = arith.constant 0 : i32
      %dma_wait3A_1856 = tpu.memref_slice %dma_wait3A_1853[%dma_wait3A_1847, %dma_wait3A_1854, %dma_wait3A_1855] : memref<2x100x64xf32, #tpu.memory_space<vmem>> -> memref<1x100x64xf32, #tpu.memory_space<vmem>>
      %dma_wait3A_1857 = tpu.memref_squeeze %dma_wait3A_1856 : memref<1x100x64xf32, #tpu.memory_space<vmem>> -> memref<100x64xf32, #tpu.memory_space<vmem>>
      %dma_wait3A_1858 = arith.constant 0 : i32
      %dma_wait3A_1859 = arith.constant 0 : i32
      %dma_wait3A_1860 = tpu.memref_slice %arg4[%dma_wait3A_1858, %dma_wait3A_1859] : memref<1000000x64xf32, #tpu.memory_space<hbm>> -> memref<100x64xf32, #tpu.memory_space<hbm>>
      %dma_wait3A_1861 = tpu.memref_slice %arg10[%dma_wait3A_1848] : memref<4x!tpu.dma_semaphore, #tpu.memory_space<semaphore_mem>> -> memref<1x!tpu.dma_semaphore, #tpu.memory_space<semaphore_mem>>
      %dma_wait3A_1862 = tpu.memref_squeeze %dma_wait3A_1861 : memref<1x!tpu.dma_semaphore, #tpu.memory_space<semaphore_mem>> -> memref<!tpu.dma_semaphore, #tpu.memory_space<semaphore_mem>>
      %dma_wait3A_1863 = arith.constant 0 : i32
      %dma_wait3A_1864 = arith.constant 0 : i32
      %dma_wait3A_1865 = arith.constant 0 : i32
      %dma_wait3A_1866 = tpu.memref_slice %arg8[%dma_wait3A_1846, %dma_wait3A_1863, %dma_wait3A_1864, %dma_wait3A_1865] : memref<4x2x100x64xf32, #tpu.memory_space<vmem>> -> memref<1x2x100x64xf32, #tpu.memory_space<vmem>>
      %dma_wait3A_1867 = tpu.memref_squeeze %dma_wait3A_1866 : memref<1x2x100x64xf32, #tpu.memory_space<vmem>> -> memref<2x100x64xf32, #tpu.memory_space<vmem>>
      %dma_wait3A_1868 = arith.constant 0 : i32
      %dma_wait3A_1869 = arith.constant 0 : i32
      %dma_wait3A_1870 = tpu.memref_slice %dma_wait3A_1867[%dma_wait3A_1847, %dma_wait3A_1868, %dma_wait3A_1869] : memref<2x100x64xf32, #tpu.memory_space<vmem>> -> memref<1x100x64xf32, #tpu.memory_space<vmem>>
      %dma_wait3A_1871 = tpu.memref_squeeze %dma_wait3A_1870 : memref<1x100x64xf32, #tpu.memory_space<vmem>> -> memref<100x64xf32, #tpu.memory_space<vmem>>
      %dma_wait3A_1872 = arith.constant 0 : i32
      %dma_wait3A_1873 = arith.constant 0 : i32
      %dma_wait3A_1874 = tpu.memref_slice %arg4[%dma_wait3A_1872, %dma_wait3A_1873] : memref<1000000x64xf32, #tpu.memory_space<hbm>> -> memref<100x64xf32, #tpu.memory_space<hbm>>
      tpu.wait_dma2 semaphore(%dma_wait3A_1862 : memref<!tpu.dma_semaphore, #tpu.memory_space<semaphore_mem>>) src(%dma_wait3A_1874 : memref<100x64xf32, #tpu.memory_space<hbm>>) dst(%dma_wait3A_1871 : memref<100x64xf32, #tpu.memory_space<vmem>>)
      %dma_wait3A_1875 = arith.constant 2 : i32
      %dma_wait3A_1876 = arith.constant 1 : i32
      %dma_wait3A_1877 = arith.constant 2 : i32
      %dma_wait3A_1878 = arith.constant 0 : i32
      %dma_wait3A_1879 = arith.constant 0 : i32
      %dma_wait3A_1880 = arith.constant 0 : i32
      %dma_wait3A_1881 = tpu.memref_slice %arg8[%dma_wait3A_1875, %dma_wait3A_1878, %dma_wait3A_1879, %dma_wait3A_1880] : memref<4x2x100x64xf32, #tpu.memory_space<vmem>> -> memref<1x2x100x64xf32, #tpu.memory_space<vmem>>
      %dma_wait3A_1882 = tpu.memref_squeeze %dma_wait3A_1881 : memref<1x2x100x64xf32, #tpu.memory_space<vmem>> -> memref<2x100x64xf32, #tpu.memory_space<vmem>>
      %dma_wait3A_1883 = arith.constant 0 : i32
      %dma_wait3A_1884 = arith.constant 0 : i32
      %dma_wait3A_1885 = tpu.memref_slice %dma_wait3A_1882[%dma_wait3A_1876, %dma_wait3A_1883, %dma_wait3A_1884] : memref<2x100x64xf32, #tpu.memory_space<vmem>> -> memref<1x100x64xf32, #tpu.memory_space<vmem>>
      %dma_wait3A_1886 = tpu.memref_squeeze %dma_wait3A_1885 : memref<1x100x64xf32, #tpu.memory_space<vmem>> -> memref<100x64xf32, #tpu.memory_space<vmem>>
      %dma_wait3A_1887 = arith.constant 0 : i32
      %dma_wait3A_1888 = arith.constant 0 : i32
      %dma_wait3A_1889 = tpu.memref_slice %arg4[%dma_wait3A_1887, %dma_wait3A_1888] : memref<1000000x64xf32, #tpu.memory_space<hbm>> -> memref<100x64xf32, #tpu.memory_space<hbm>>
      %dma_wait3A_1890 = tpu.memref_slice %arg10[%dma_wait3A_1877] : memref<4x!tpu.dma_semaphore, #tpu.memory_space<semaphore_mem>> -> memref<1x!tpu.dma_semaphore, #tpu.memory_space<semaphore_mem>>
      %dma_wait3A_1891 = tpu.memref_squeeze %dma_wait3A_1890 : memref<1x!tpu.dma_semaphore, #tpu.memory_space<semaphore_mem>> -> memref<!tpu.dma_semaphore, #tpu.memory_space<semaphore_mem>>
      %dma_wait3A_1892 = arith.constant 0 : i32
      %dma_wait3A_1893 = arith.constant 0 : i32
      %dma_wait3A_1894 = arith.constant 0 : i32
      %dma_wait3A_1895 = tpu.memref_slice %arg8[%dma_wait3A_1875, %dma_wait3A_1892, %dma_wait3A_1893, %dma_wait3A_1894] : memref<4x2x100x64xf32, #tpu.memory_space<vmem>> -> memref<1x2x100x64xf32, #tpu.memory_space<vmem>>
      %dma_wait3A_1896 = tpu.memref_squeeze %dma_wait3A_1895 : memref<1x2x100x64xf32, #tpu.memory_space<vmem>> -> memref<2x100x64xf32, #tpu.memory_space<vmem>>
      %dma_wait3A_1897 = arith.constant 0 : i32
      %dma_wait3A_1898 = arith.constant 0 : i32
      %dma_wait3A_1899 = tpu.memref_slice %dma_wait3A_1896[%dma_wait3A_1876, %dma_wait3A_1897, %dma_wait3A_1898] : memref<2x100x64xf32, #tpu.memory_space<vmem>> -> memref<1x100x64xf32, #tpu.memory_space<vmem>>
      %dma_wait3A_1900 = tpu.memref_squeeze %dma_wait3A_1899 : memref<1x100x64xf32, #tpu.memory_space<vmem>> -> memref<100x64xf32, #tpu.memory_space<vmem>>
      %dma_wait3A_1901 = arith.constant 0 : i32
      %dma_wait3A_1902 = arith.constant 0 : i32
      %dma_wait3A_1903 = tpu.memref_slice %arg4[%dma_wait3A_1901, %dma_wait3A_1902] : memref<1000000x64xf32, #tpu.memory_space<hbm>> -> memref<100x64xf32, #tpu.memory_space<hbm>>
      tpu.wait_dma2 semaphore(%dma_wait3A_1891 : memref<!tpu.dma_semaphore, #tpu.memory_space<semaphore_mem>>) src(%dma_wait3A_1903 : memref<100x64xf32, #tpu.memory_space<hbm>>) dst(%dma_wait3A_1900 : memref<100x64xf32, #tpu.memory_space<vmem>>)
      %sub3A_1904 = arith.constant 1 : i32
      %sub3A_1905 = arith.subi %add3A_1773, %sub3A_1904 : i32
      %add3A_1906 = arith.addi %mul3A_2, %sub3A_1905 : i32
      %mul3A_1907 = arith.constant 100 : i32
      %mul3A_1908 = arith.muli %add3A_1906, %mul3A_1907 : i32
      %dma_start3A_1909 = arith.constant 2 : i32
      %dma_start3A_1910 = arith.constant 0 : i32
      %dma_start3A_1911 = arith.constant 2 : i32
      %dma_start3A_1912 = arith.constant 0 : i32
      %dma_start3A_1913 = arith.constant 0 : i32
      %dma_start3A_1914 = arith.constant 0 : i32
      %dma_start3A_1915 = tpu.memref_slice %arg8[%dma_start3A_1909, %dma_start3A_1912, %dma_start3A_1913, %dma_start3A_1914] : memref<4x2x100x64xf32, #tpu.memory_space<vmem>> -> memref<1x2x100x64xf32, #tpu.memory_space<vmem>>
      %dma_start3A_1916 = tpu.memref_squeeze %dma_start3A_1915 : memref<1x2x100x64xf32, #tpu.memory_space<vmem>> -> memref<2x100x64xf32, #tpu.memory_space<vmem>>
      %dma_start3A_1917 = arith.constant 0 : i32
      %dma_start3A_1918 = arith.constant 0 : i32
      %dma_start3A_1919 = tpu.memref_slice %dma_start3A_1916[%dma_start3A_1910, %dma_start3A_1917, %dma_start3A_1918] : memref<2x100x64xf32, #tpu.memory_space<vmem>> -> memref<1x100x64xf32, #tpu.memory_space<vmem>>
      %dma_start3A_1920 = tpu.memref_squeeze %dma_start3A_1919 : memref<1x100x64xf32, #tpu.memory_space<vmem>> -> memref<100x64xf32, #tpu.memory_space<vmem>>
      %dma_start3A_1921 = arith.constant 0 : i32
      %dma_start3A_1922 = tpu.memref_slice %arg5[%mul3A_1908, %dma_start3A_1921] : memref<409600x128xf32, #tpu.memory_space<hbm>> -> memref<100x64xf32, #tpu.memory_space<hbm>>
      %dma_start3A_1923 = tpu.memref_slice %arg11[%dma_start3A_1911] : memref<4x!tpu.dma_semaphore, #tpu.memory_space<semaphore_mem>> -> memref<1x!tpu.dma_semaphore, #tpu.memory_space<semaphore_mem>>
      %dma_start3A_1924 = tpu.memref_squeeze %dma_start3A_1923 : memref<1x!tpu.dma_semaphore, #tpu.memory_space<semaphore_mem>> -> memref<!tpu.dma_semaphore, #tpu.memory_space<semaphore_mem>>
      %dma_start3A_1925 = arith.constant 0 : i32
      %dma_start3A_1926 = tpu.memref_slice %arg5[%mul3A_1908, %dma_start3A_1925] : memref<409600x128xf32, #tpu.memory_space<hbm>> -> memref<100x64xf32, #tpu.memory_space<hbm>>
      %dma_start3A_1927 = arith.constant 0 : i32
      %dma_start3A_1928 = arith.constant 0 : i32
      %dma_start3A_1929 = arith.constant 0 : i32
      %dma_start3A_1930 = tpu.memref_slice %arg8[%dma_start3A_1909, %dma_start3A_1927, %dma_start3A_1928, %dma_start3A_1929] : memref<4x2x100x64xf32, #tpu.memory_space<vmem>> -> memref<1x2x100x64xf32, #tpu.memory_space<vmem>>
      %dma_start3A_1931 = tpu.memref_squeeze %dma_start3A_1930 : memref<1x2x100x64xf32, #tpu.memory_space<vmem>> -> memref<2x100x64xf32, #tpu.memory_space<vmem>>
      %dma_start3A_1932 = arith.constant 0 : i32
      %dma_start3A_1933 = arith.constant 0 : i32
      %dma_start3A_1934 = tpu.memref_slice %dma_start3A_1931[%dma_start3A_1910, %dma_start3A_1932, %dma_start3A_1933] : memref<2x100x64xf32, #tpu.memory_space<vmem>> -> memref<1x100x64xf32, #tpu.memory_space<vmem>>
      %dma_start3A_1935 = tpu.memref_squeeze %dma_start3A_1934 : memref<1x100x64xf32, #tpu.memory_space<vmem>> -> memref<100x64xf32, #tpu.memory_space<vmem>>
      tpu.enqueue_dma source(%dma_start3A_1935 : memref<100x64xf32, #tpu.memory_space<vmem>>) target(%dma_start3A_1926 : memref<100x64xf32, #tpu.memory_space<hbm>>) target_semaphore(%dma_start3A_1924 : memref<!tpu.dma_semaphore, #tpu.memory_space<semaphore_mem>>)
      %add3A_1936 = arith.addi %mul3A_2, %sub3A_1905 : i32
      %mul3A_1937 = arith.constant 100 : i32
      %mul3A_1938 = arith.muli %add3A_1936, %mul3A_1937 : i32
      %dma_start3A_1939 = arith.constant 2 : i32
      %dma_start3A_1940 = arith.constant 1 : i32
      %dma_start3A_1941 = arith.constant 2 : i32
      %dma_start3A_1942 = arith.constant 0 : i32
      %dma_start3A_1943 = arith.constant 0 : i32
      %dma_start3A_1944 = arith.constant 0 : i32
      %dma_start3A_1945 = tpu.memref_slice %arg8[%dma_start3A_1939, %dma_start3A_1942, %dma_start3A_1943, %dma_start3A_1944] : memref<4x2x100x64xf32, #tpu.memory_space<vmem>> -> memref<1x2x100x64xf32, #tpu.memory_space<vmem>>
      %dma_start3A_1946 = tpu.memref_squeeze %dma_start3A_1945 : memref<1x2x100x64xf32, #tpu.memory_space<vmem>> -> memref<2x100x64xf32, #tpu.memory_space<vmem>>
      %dma_start3A_1947 = arith.constant 0 : i32
      %dma_start3A_1948 = arith.constant 0 : i32
      %dma_start3A_1949 = tpu.memref_slice %dma_start3A_1946[%dma_start3A_1940, %dma_start3A_1947, %dma_start3A_1948] : memref<2x100x64xf32, #tpu.memory_space<vmem>> -> memref<1x100x64xf32, #tpu.memory_space<vmem>>
      %dma_start3A_1950 = tpu.memref_squeeze %dma_start3A_1949 : memref<1x100x64xf32, #tpu.memory_space<vmem>> -> memref<100x64xf32, #tpu.memory_space<vmem>>
      %dma_start3A_1951 = arith.constant 64 : i32
      %dma_start3A_1952 = tpu.memref_slice %arg5[%mul3A_1938, %dma_start3A_1951] : memref<409600x128xf32, #tpu.memory_space<hbm>> -> memref<100x64xf32, #tpu.memory_space<hbm>>
      %dma_start3A_1953 = tpu.memref_slice %arg11[%dma_start3A_1941] : memref<4x!tpu.dma_semaphore, #tpu.memory_space<semaphore_mem>> -> memref<1x!tpu.dma_semaphore, #tpu.memory_space<semaphore_mem>>
      %dma_start3A_1954 = tpu.memref_squeeze %dma_start3A_1953 : memref<1x!tpu.dma_semaphore, #tpu.memory_space<semaphore_mem>> -> memref<!tpu.dma_semaphore, #tpu.memory_space<semaphore_mem>>
      %dma_start3A_1955 = arith.constant 64 : i32
      %dma_start3A_1956 = tpu.memref_slice %arg5[%mul3A_1938, %dma_start3A_1955] : memref<409600x128xf32, #tpu.memory_space<hbm>> -> memref<100x64xf32, #tpu.memory_space<hbm>>
      %dma_start3A_1957 = arith.constant 0 : i32
      %dma_start3A_1958 = arith.constant 0 : i32
      %dma_start3A_1959 = arith.constant 0 : i32
      %dma_start3A_1960 = tpu.memref_slice %arg8[%dma_start3A_1939, %dma_start3A_1957, %dma_start3A_1958, %dma_start3A_1959] : memref<4x2x100x64xf32, #tpu.memory_space<vmem>> -> memref<1x2x100x64xf32, #tpu.memory_space<vmem>>
      %dma_start3A_1961 = tpu.memref_squeeze %dma_start3A_1960 : memref<1x2x100x64xf32, #tpu.memory_space<vmem>> -> memref<2x100x64xf32, #tpu.memory_space<vmem>>
      %dma_start3A_1962 = arith.constant 0 : i32
      %dma_start3A_1963 = arith.constant 0 : i32
      %dma_start3A_1964 = tpu.memref_slice %dma_start3A_1961[%dma_start3A_1940, %dma_start3A_1962, %dma_start3A_1963] : memref<2x100x64xf32, #tpu.memory_space<vmem>> -> memref<1x100x64xf32, #tpu.memory_space<vmem>>
      %dma_start3A_1965 = tpu.memref_squeeze %dma_start3A_1964 : memref<1x100x64xf32, #tpu.memory_space<vmem>> -> memref<100x64xf32, #tpu.memory_space<vmem>>
      tpu.enqueue_dma source(%dma_start3A_1965 : memref<100x64xf32, #tpu.memory_space<vmem>>) target(%dma_start3A_1956 : memref<100x64xf32, #tpu.memory_space<hbm>>) target_semaphore(%dma_start3A_1954 : memref<!tpu.dma_semaphore, #tpu.memory_space<semaphore_mem>>)
      %dma_wait3A_1966 = arith.constant 3 : i32
      %dma_wait3A_1967 = arith.constant 3 : i32
      %dma_wait3A_1968 = arith.constant 0 : i32
      %dma_wait3A_1969 = arith.constant 0 : i32
      %dma_wait3A_1970 = arith.constant 0 : i32
      %dma_wait3A_1971 = tpu.memref_slice %arg8[%dma_wait3A_1966, %dma_wait3A_1968, %dma_wait3A_1969, %dma_wait3A_1970] : memref<4x2x100x64xf32, #tpu.memory_space<vmem>> -> memref<1x2x100x64xf32, #tpu.memory_space<vmem>>
      %dma_wait3A_1972 = tpu.memref_squeeze %dma_wait3A_1971 : memref<1x2x100x64xf32, #tpu.memory_space<vmem>> -> memref<2x100x64xf32, #tpu.memory_space<vmem>>
      %dma_wait3A_1973 = tpu.memref_slice %arg9[%dma_wait3A_1967] : memref<4x!tpu.dma_semaphore, #tpu.memory_space<semaphore_mem>> -> memref<1x!tpu.dma_semaphore, #tpu.memory_space<semaphore_mem>>
      %dma_wait3A_1974 = tpu.memref_squeeze %dma_wait3A_1973 : memref<1x!tpu.dma_semaphore, #tpu.memory_space<semaphore_mem>> -> memref<!tpu.dma_semaphore, #tpu.memory_space<semaphore_mem>>
      %dma_wait3A_1975 = arith.constant 0 : i32
      %dma_wait3A_1976 = arith.constant 0 : i32
      %dma_wait3A_1977 = arith.constant 0 : i32
      %dma_wait3A_1978 = tpu.memref_slice %arg8[%dma_wait3A_1966, %dma_wait3A_1975, %dma_wait3A_1976, %dma_wait3A_1977] : memref<4x2x100x64xf32, #tpu.memory_space<vmem>> -> memref<1x2x100x64xf32, #tpu.memory_space<vmem>>
      %dma_wait3A_1979 = tpu.memref_squeeze %dma_wait3A_1978 : memref<1x2x100x64xf32, #tpu.memory_space<vmem>> -> memref<2x100x64xf32, #tpu.memory_space<vmem>>
      tpu.wait_dma2 semaphore(%dma_wait3A_1974 : memref<!tpu.dma_semaphore, #tpu.memory_space<semaphore_mem>>) src(%arg6 : memref<2x100x64xf32, #tpu.memory_space<vmem_shared>>) dst(%dma_wait3A_1979 : memref<2x100x64xf32, #tpu.memory_space<vmem>>)
      %mul3A_1980 = arith.constant 2 : i32
      %mul3A_1981 = arith.muli %add3A_1773, %mul3A_1980 : i32
      %add3A_1982 = arith.constant 0 : i32
      %add3A_1983 = arith.addi %mul3A_1981, %add3A_1982 : i32
      %dma_start3A_1984 = arith.constant 3 : i32
      %dma_start3A_1985 = arith.constant 0 : i32
      %dma_start3A_1986 = arith.constant 3 : i32
      %dma_start3A_1987 = arith.constant 0 : i32
      %dma_start3A_1988 = arith.constant 0 : i32
      %dma_start3A_1989 = arith.constant 0 : i32
      %dma_start3A_1990 = tpu.memref_slice %arg8[%dma_start3A_1984, %dma_start3A_1987, %dma_start3A_1988, %dma_start3A_1989] : memref<4x2x100x64xf32, #tpu.memory_space<vmem>> -> memref<1x2x100x64xf32, #tpu.memory_space<vmem>>
      %dma_start3A_1991 = tpu.memref_squeeze %dma_start3A_1990 : memref<1x2x100x64xf32, #tpu.memory_space<vmem>> -> memref<2x100x64xf32, #tpu.memory_space<vmem>>
      %dma_start3A_1992 = arith.constant 0 : i32
      %dma_start3A_1993 = arith.constant 0 : i32
      %dma_start3A_1994 = tpu.memref_slice %dma_start3A_1991[%dma_start3A_1985, %dma_start3A_1992, %dma_start3A_1993] : memref<2x100x64xf32, #tpu.memory_space<vmem>> -> memref<1x100x64xf32, #tpu.memory_space<vmem>>
      %dma_start3A_1995 = tpu.memref_squeeze %dma_start3A_1994 : memref<1x100x64xf32, #tpu.memory_space<vmem>> -> memref<100x64xf32, #tpu.memory_space<vmem>>
      %dma_start3A_1996 = arith.constant 0 : i32
      %dma_start3A_1997 = tpu.memref_slice %arg7[%add3A_1983, %dma_start3A_1996] : memref<256x100xi32, #tpu.memory_space<vmem>> -> memref<1x100xi32, #tpu.memory_space<vmem>>
      %dma_start3A_1998 = tpu.memref_squeeze %dma_start3A_1997 : memref<1x100xi32, #tpu.memory_space<vmem>> -> memref<100xi32, #tpu.memory_space<vmem>>
      %dma_start3A_1999 = arith.constant 0 : i32
      %dma_start3A_2000 = arith.constant 0 : i32
      %dma_start3A_2001 = tpu.memref_slice %arg4[%dma_start3A_1999, %dma_start3A_2000] : memref<1000000x64xf32, #tpu.memory_space<hbm>> -> memref<1000000x64xf32, #tpu.memory_space<hbm>>
      %dma_start3A_2002 = tpu.memref_slice %arg10[%dma_start3A_1986] : memref<4x!tpu.dma_semaphore, #tpu.memory_space<semaphore_mem>> -> memref<1x!tpu.dma_semaphore, #tpu.memory_space<semaphore_mem>>
      %dma_start3A_2003 = tpu.memref_squeeze %dma_start3A_2002 : memref<1x!tpu.dma_semaphore, #tpu.memory_space<semaphore_mem>> -> memref<!tpu.dma_semaphore, #tpu.memory_space<semaphore_mem>>
      tpu.enqueue_indirect_dma source(%dma_start3A_2001 : memref<1000000x64xf32, #tpu.memory_space<hbm>>) target(%dma_start3A_1995 : memref<100x64xf32, #tpu.memory_space<vmem>>) offsets(%dma_start3A_1998 : memref<100xi32, #tpu.memory_space<vmem>>) semaphore(%dma_start3A_2003 : memref<!tpu.dma_semaphore, #tpu.memory_space<semaphore_mem>>) {add = true}
      %mul3A_2004 = arith.constant 2 : i32
      %mul3A_2005 = arith.muli %add3A_1773, %mul3A_2004 : i32
      %add3A_2006 = arith.constant 1 : i32
      %add3A_2007 = arith.addi %mul3A_2005, %add3A_2006 : i32
      %dma_start3A_2008 = arith.constant 3 : i32
      %dma_start3A_2009 = arith.constant 1 : i32
      %dma_start3A_2010 = arith.constant 3 : i32
      %dma_start3A_2011 = arith.constant 0 : i32
      %dma_start3A_2012 = arith.constant 0 : i32
      %dma_start3A_2013 = arith.constant 0 : i32
      %dma_start3A_2014 = tpu.memref_slice %arg8[%dma_start3A_2008, %dma_start3A_2011, %dma_start3A_2012, %dma_start3A_2013] : memref<4x2x100x64xf32, #tpu.memory_space<vmem>> -> memref<1x2x100x64xf32, #tpu.memory_space<vmem>>
      %dma_start3A_2015 = tpu.memref_squeeze %dma_start3A_2014 : memref<1x2x100x64xf32, #tpu.memory_space<vmem>> -> memref<2x100x64xf32, #tpu.memory_space<vmem>>
      %dma_start3A_2016 = arith.constant 0 : i32
      %dma_start3A_2017 = arith.constant 0 : i32
      %dma_start3A_2018 = tpu.memref_slice %dma_start3A_2015[%dma_start3A_2009, %dma_start3A_2016, %dma_start3A_2017] : memref<2x100x64xf32, #tpu.memory_space<vmem>> -> memref<1x100x64xf32, #tpu.memory_space<vmem>>
      %dma_start3A_2019 = tpu.memref_squeeze %dma_start3A_2018 : memref<1x100x64xf32, #tpu.memory_space<vmem>> -> memref<100x64xf32, #tpu.memory_space<vmem>>
      %dma_start3A_2020 = arith.constant 0 : i32
      %dma_start3A_2021 = tpu.memref_slice %arg7[%add3A_2007, %dma_start3A_2020] : memref<256x100xi32, #tpu.memory_space<vmem>> -> memref<1x100xi32, #tpu.memory_space<vmem>>
      %dma_start3A_2022 = tpu.memref_squeeze %dma_start3A_2021 : memref<1x100xi32, #tpu.memory_space<vmem>> -> memref<100xi32, #tpu.memory_space<vmem>>
      %dma_start3A_2023 = arith.constant 0 : i32
      %dma_start3A_2024 = arith.constant 0 : i32
      %dma_start3A_2025 = tpu.memref_slice %arg4[%dma_start3A_2023, %dma_start3A_2024] : memref<1000000x64xf32, #tpu.memory_space<hbm>> -> memref<1000000x64xf32, #tpu.memory_space<hbm>>
      %dma_start3A_2026 = tpu.memref_slice %arg10[%dma_start3A_2010] : memref<4x!tpu.dma_semaphore, #tpu.memory_space<semaphore_mem>> -> memref<1x!tpu.dma_semaphore, #tpu.memory_space<semaphore_mem>>
      %dma_start3A_2027 = tpu.memref_squeeze %dma_start3A_2026 : memref<1x!tpu.dma_semaphore, #tpu.memory_space<semaphore_mem>> -> memref<!tpu.dma_semaphore, #tpu.memory_space<semaphore_mem>>
      tpu.enqueue_indirect_dma source(%dma_start3A_2025 : memref<1000000x64xf32, #tpu.memory_space<hbm>>) target(%dma_start3A_2019 : memref<100x64xf32, #tpu.memory_space<vmem>>) offsets(%dma_start3A_2022 : memref<100xi32, #tpu.memory_space<vmem>>) semaphore(%dma_start3A_2027 : memref<!tpu.dma_semaphore, #tpu.memory_space<semaphore_mem>>) {add = true}
    }
    %scan3A_649 = arith.constant 31 : i32
    %dma_wait3A_650 = arith.constant 3 : i32
    %dma_wait3A_651 = arith.constant 0 : i32
    %dma_wait3A_652 = arith.constant 3 : i32
    %dma_wait3A_653 = arith.constant 0 : i32
    %dma_wait3A_654 = arith.constant 0 : i32
    %dma_wait3A_655 = arith.constant 0 : i32
    %dma_wait3A_656 = tpu.memref_slice %arg8[%dma_wait3A_650, %dma_wait3A_653, %dma_wait3A_654, %dma_wait3A_655] : memref<4x2x100x64xf32, #tpu.memory_space<vmem>> -> memref<1x2x100x64xf32, #tpu.memory_space<vmem>>
    %dma_wait3A_657 = tpu.memref_squeeze %dma_wait3A_656 : memref<1x2x100x64xf32, #tpu.memory_space<vmem>> -> memref<2x100x64xf32, #tpu.memory_space<vmem>>
    %dma_wait3A_658 = arith.constant 0 : i32
    %dma_wait3A_659 = arith.constant 0 : i32
    %dma_wait3A_660 = tpu.memref_slice %dma_wait3A_657[%dma_wait3A_651, %dma_wait3A_658, %dma_wait3A_659] : memref<2x100x64xf32, #tpu.memory_space<vmem>> -> memref<1x100x64xf32, #tpu.memory_space<vmem>>
    %dma_wait3A_661 = tpu.memref_squeeze %dma_wait3A_660 : memref<1x100x64xf32, #tpu.memory_space<vmem>> -> memref<100x64xf32, #tpu.memory_space<vmem>>
    %dma_wait3A_662 = arith.constant 0 : i32
    %dma_wait3A_663 = arith.constant 0 : i32
    %dma_wait3A_664 = tpu.memref_slice %arg4[%dma_wait3A_662, %dma_wait3A_663] : memref<1000000x64xf32, #tpu.memory_space<hbm>> -> memref<100x64xf32, #tpu.memory_space<hbm>>
    %dma_wait3A_665 = tpu.memref_slice %arg10[%dma_wait3A_652] : memref<4x!tpu.dma_semaphore, #tpu.memory_space<semaphore_mem>> -> memref<1x!tpu.dma_semaphore, #tpu.memory_space<semaphore_mem>>
    %dma_wait3A_666 = tpu.memref_squeeze %dma_wait3A_665 : memref<1x!tpu.dma_semaphore, #tpu.memory_space<semaphore_mem>> -> memref<!tpu.dma_semaphore, #tpu.memory_space<semaphore_mem>>
    %dma_wait3A_667 = arith.constant 0 : i32
    %dma_wait3A_668 = arith.constant 0 : i32
    %dma_wait3A_669 = arith.constant 0 : i32
    %dma_wait3A_670 = tpu.memref_slice %arg8[%dma_wait3A_650, %dma_wait3A_667, %dma_wait3A_668, %dma_wait3A_669] : memref<4x2x100x64xf32, #tpu.memory_space<vmem>> -> memref<1x2x100x64xf32, #tpu.memory_space<vmem>>
    %dma_wait3A_671 = tpu.memref_squeeze %dma_wait3A_670 : memref<1x2x100x64xf32, #tpu.memory_space<vmem>> -> memref<2x100x64xf32, #tpu.memory_space<vmem>>
    %dma_wait3A_672 = arith.constant 0 : i32
    %dma_wait3A_673 = arith.constant 0 : i32
    %dma_wait3A_674 = tpu.memref_slice %dma_wait3A_671[%dma_wait3A_651, %dma_wait3A_672, %dma_wait3A_673] : memref<2x100x64xf32, #tpu.memory_space<vmem>> -> memref<1x100x64xf32, #tpu.memory_space<vmem>>
    %dma_wait3A_675 = tpu.memref_squeeze %dma_wait3A_674 : memref<1x100x64xf32, #tpu.memory_space<vmem>> -> memref<100x64xf32, #tpu.memory_space<vmem>>
    %dma_wait3A_676 = arith.constant 0 : i32
    %dma_wait3A_677 = arith.constant 0 : i32
    %dma_wait3A_678 = tpu.memref_slice %arg4[%dma_wait3A_676, %dma_wait3A_677] : memref<1000000x64xf32, #tpu.memory_space<hbm>> -> memref<100x64xf32, #tpu.memory_space<hbm>>
    tpu.wait_dma2 semaphore(%dma_wait3A_666 : memref<!tpu.dma_semaphore, #tpu.memory_space<semaphore_mem>>) src(%dma_wait3A_678 : memref<100x64xf32, #tpu.memory_space<hbm>>) dst(%dma_wait3A_675 : memref<100x64xf32, #tpu.memory_space<vmem>>)
    %dma_wait3A_679 = arith.constant 3 : i32
    %dma_wait3A_680 = arith.constant 1 : i32
    %dma_wait3A_681 = arith.constant 3 : i32
    %dma_wait3A_682 = arith.constant 0 : i32
    %dma_wait3A_683 = arith.constant 0 : i32
    %dma_wait3A_684 = arith.constant 0 : i32
    %dma_wait3A_685 = tpu.memref_slice %arg8[%dma_wait3A_679, %dma_wait3A_682, %dma_wait3A_683, %dma_wait3A_684] : memref<4x2x100x64xf32, #tpu.memory_space<vmem>> -> memref<1x2x100x64xf32, #tpu.memory_space<vmem>>
    %dma_wait3A_686 = tpu.memref_squeeze %dma_wait3A_685 : memref<1x2x100x64xf32, #tpu.memory_space<vmem>> -> memref<2x100x64xf32, #tpu.memory_space<vmem>>
    %dma_wait3A_687 = arith.constant 0 : i32
    %dma_wait3A_688 = arith.constant 0 : i32
    %dma_wait3A_689 = tpu.memref_slice %dma_wait3A_686[%dma_wait3A_680, %dma_wait3A_687, %dma_wait3A_688] : memref<2x100x64xf32, #tpu.memory_space<vmem>> -> memref<1x100x64xf32, #tpu.memory_space<vmem>>
    %dma_wait3A_690 = tpu.memref_squeeze %dma_wait3A_689 : memref<1x100x64xf32, #tpu.memory_space<vmem>> -> memref<100x64xf32, #tpu.memory_space<vmem>>
    %dma_wait3A_691 = arith.constant 0 : i32
    %dma_wait3A_692 = arith.constant 0 : i32
    %dma_wait3A_693 = tpu.memref_slice %arg4[%dma_wait3A_691, %dma_wait3A_692] : memref<1000000x64xf32, #tpu.memory_space<hbm>> -> memref<100x64xf32, #tpu.memory_space<hbm>>
    %dma_wait3A_694 = tpu.memref_slice %arg10[%dma_wait3A_681] : memref<4x!tpu.dma_semaphore, #tpu.memory_space<semaphore_mem>> -> memref<1x!tpu.dma_semaphore, #tpu.memory_space<semaphore_mem>>
    %dma_wait3A_695 = tpu.memref_squeeze %dma_wait3A_694 : memref<1x!tpu.dma_semaphore, #tpu.memory_space<semaphore_mem>> -> memref<!tpu.dma_semaphore, #tpu.memory_space<semaphore_mem>>
    %dma_wait3A_696 = arith.constant 0 : i32
    %dma_wait3A_697 = arith.constant 0 : i32
    %dma_wait3A_698 = arith.constant 0 : i32
    %dma_wait3A_699 = tpu.memref_slice %arg8[%dma_wait3A_679, %dma_wait3A_696, %dma_wait3A_697, %dma_wait3A_698] : memref<4x2x100x64xf32, #tpu.memory_space<vmem>> -> memref<1x2x100x64xf32, #tpu.memory_space<vmem>>
    %dma_wait3A_700 = tpu.memref_squeeze %dma_wait3A_699 : memref<1x2x100x64xf32, #tpu.memory_space<vmem>> -> memref<2x100x64xf32, #tpu.memory_space<vmem>>
    %dma_wait3A_701 = arith.constant 0 : i32
    %dma_wait3A_702 = arith.constant 0 : i32
    %dma_wait3A_703 = tpu.memref_slice %dma_wait3A_700[%dma_wait3A_680, %dma_wait3A_701, %dma_wait3A_702] : memref<2x100x64xf32, #tpu.memory_space<vmem>> -> memref<1x100x64xf32, #tpu.memory_space<vmem>>
    %dma_wait3A_704 = tpu.memref_squeeze %dma_wait3A_703 : memref<1x100x64xf32, #tpu.memory_space<vmem>> -> memref<100x64xf32, #tpu.memory_space<vmem>>
    %dma_wait3A_705 = arith.constant 0 : i32
    %dma_wait3A_706 = arith.constant 0 : i32
    %dma_wait3A_707 = tpu.memref_slice %arg4[%dma_wait3A_705, %dma_wait3A_706] : memref<1000000x64xf32, #tpu.memory_space<hbm>> -> memref<100x64xf32, #tpu.memory_space<hbm>>
    tpu.wait_dma2 semaphore(%dma_wait3A_695 : memref<!tpu.dma_semaphore, #tpu.memory_space<semaphore_mem>>) src(%dma_wait3A_707 : memref<100x64xf32, #tpu.memory_space<hbm>>) dst(%dma_wait3A_704 : memref<100x64xf32, #tpu.memory_space<vmem>>)
    %add3A_708 = arith.constant 127 : i32
    %add3A_709 = arith.addi %mul3A_2, %add3A_708 : i32
    %mul3A_710 = arith.constant 100 : i32
    %mul3A_711 = arith.muli %add3A_709, %mul3A_710 : i32
    %dma_start3A_712 = arith.constant 3 : i32
    %dma_start3A_713 = arith.constant 0 : i32
    %dma_start3A_714 = arith.constant 3 : i32
    %dma_start3A_715 = arith.constant 0 : i32
    %dma_start3A_716 = arith.constant 0 : i32
    %dma_start3A_717 = arith.constant 0 : i32
    %dma_start3A_718 = tpu.memref_slice %arg8[%dma_start3A_712, %dma_start3A_715, %dma_start3A_716, %dma_start3A_717] : memref<4x2x100x64xf32, #tpu.memory_space<vmem>> -> memref<1x2x100x64xf32, #tpu.memory_space<vmem>>
    %dma_start3A_719 = tpu.memref_squeeze %dma_start3A_718 : memref<1x2x100x64xf32, #tpu.memory_space<vmem>> -> memref<2x100x64xf32, #tpu.memory_space<vmem>>
    %dma_start3A_720 = arith.constant 0 : i32
    %dma_start3A_721 = arith.constant 0 : i32
    %dma_start3A_722 = tpu.memref_slice %dma_start3A_719[%dma_start3A_713, %dma_start3A_720, %dma_start3A_721] : memref<2x100x64xf32, #tpu.memory_space<vmem>> -> memref<1x100x64xf32, #tpu.memory_space<vmem>>
    %dma_start3A_723 = tpu.memref_squeeze %dma_start3A_722 : memref<1x100x64xf32, #tpu.memory_space<vmem>> -> memref<100x64xf32, #tpu.memory_space<vmem>>
    %dma_start3A_724 = arith.constant 0 : i32
    %dma_start3A_725 = tpu.memref_slice %arg5[%mul3A_711, %dma_start3A_724] : memref<409600x128xf32, #tpu.memory_space<hbm>> -> memref<100x64xf32, #tpu.memory_space<hbm>>
    %dma_start3A_726 = tpu.memref_slice %arg11[%dma_start3A_714] : memref<4x!tpu.dma_semaphore, #tpu.memory_space<semaphore_mem>> -> memref<1x!tpu.dma_semaphore, #tpu.memory_space<semaphore_mem>>
    %dma_start3A_727 = tpu.memref_squeeze %dma_start3A_726 : memref<1x!tpu.dma_semaphore, #tpu.memory_space<semaphore_mem>> -> memref<!tpu.dma_semaphore, #tpu.memory_space<semaphore_mem>>
    %dma_start3A_728 = arith.constant 0 : i32
    %dma_start3A_729 = tpu.memref_slice %arg5[%mul3A_711, %dma_start3A_728] : memref<409600x128xf32, #tpu.memory_space<hbm>> -> memref<100x64xf32, #tpu.memory_space<hbm>>
    %dma_start3A_730 = arith.constant 0 : i32
    %dma_start3A_731 = arith.constant 0 : i32
    %dma_start3A_732 = arith.constant 0 : i32
    %dma_start3A_733 = tpu.memref_slice %arg8[%dma_start3A_712, %dma_start3A_730, %dma_start3A_731, %dma_start3A_732] : memref<4x2x100x64xf32, #tpu.memory_space<vmem>> -> memref<1x2x100x64xf32, #tpu.memory_space<vmem>>
    %dma_start3A_734 = tpu.memref_squeeze %dma_start3A_733 : memref<1x2x100x64xf32, #tpu.memory_space<vmem>> -> memref<2x100x64xf32, #tpu.memory_space<vmem>>
    %dma_start3A_735 = arith.constant 0 : i32
    %dma_start3A_736 = arith.constant 0 : i32
    %dma_start3A_737 = tpu.memref_slice %dma_start3A_734[%dma_start3A_713, %dma_start3A_735, %dma_start3A_736] : memref<2x100x64xf32, #tpu.memory_space<vmem>> -> memref<1x100x64xf32, #tpu.memory_space<vmem>>
    %dma_start3A_738 = tpu.memref_squeeze %dma_start3A_737 : memref<1x100x64xf32, #tpu.memory_space<vmem>> -> memref<100x64xf32, #tpu.memory_space<vmem>>
    tpu.enqueue_dma source(%dma_start3A_738 : memref<100x64xf32, #tpu.memory_space<vmem>>) target(%dma_start3A_729 : memref<100x64xf32, #tpu.memory_space<hbm>>) target_semaphore(%dma_start3A_727 : memref<!tpu.dma_semaphore, #tpu.memory_space<semaphore_mem>>)
    %add3A_739 = arith.constant 127 : i32
    %add3A_740 = arith.addi %mul3A_2, %add3A_739 : i32
    %mul3A_741 = arith.constant 100 : i32
    %mul3A_742 = arith.muli %add3A_740, %mul3A_741 : i32
    %dma_start3A_743 = arith.constant 3 : i32
    %dma_start3A_744 = arith.constant 1 : i32
    %dma_start3A_745 = arith.constant 3 : i32
    %dma_start3A_746 = arith.constant 0 : i32
    %dma_start3A_747 = arith.constant 0 : i32
    %dma_start3A_748 = arith.constant 0 : i32
    %dma_start3A_749 = tpu.memref_slice %arg8[%dma_start3A_743, %dma_start3A_746, %dma_start3A_747, %dma_start3A_748] : memref<4x2x100x64xf32, #tpu.memory_space<vmem>> -> memref<1x2x100x64xf32, #tpu.memory_space<vmem>>
    %dma_start3A_750 = tpu.memref_squeeze %dma_start3A_749 : memref<1x2x100x64xf32, #tpu.memory_space<vmem>> -> memref<2x100x64xf32, #tpu.memory_space<vmem>>
    %dma_start3A_751 = arith.constant 0 : i32
    %dma_start3A_752 = arith.constant 0 : i32
    %dma_start3A_753 = tpu.memref_slice %dma_start3A_750[%dma_start3A_744, %dma_start3A_751, %dma_start3A_752] : memref<2x100x64xf32, #tpu.memory_space<vmem>> -> memref<1x100x64xf32, #tpu.memory_space<vmem>>
    %dma_start3A_754 = tpu.memref_squeeze %dma_start3A_753 : memref<1x100x64xf32, #tpu.memory_space<vmem>> -> memref<100x64xf32, #tpu.memory_space<vmem>>
    %dma_start3A_755 = arith.constant 64 : i32
    %dma_start3A_756 = tpu.memref_slice %arg5[%mul3A_742, %dma_start3A_755] : memref<409600x128xf32, #tpu.memory_space<hbm>> -> memref<100x64xf32, #tpu.memory_space<hbm>>
    %dma_start3A_757 = tpu.memref_slice %arg11[%dma_start3A_745] : memref<4x!tpu.dma_semaphore, #tpu.memory_space<semaphore_mem>> -> memref<1x!tpu.dma_semaphore, #tpu.memory_space<semaphore_mem>>
    %dma_start3A_758 = tpu.memref_squeeze %dma_start3A_757 : memref<1x!tpu.dma_semaphore, #tpu.memory_space<semaphore_mem>> -> memref<!tpu.dma_semaphore, #tpu.memory_space<semaphore_mem>>
    %dma_start3A_759 = arith.constant 64 : i32
    %dma_start3A_760 = tpu.memref_slice %arg5[%mul3A_742, %dma_start3A_759] : memref<409600x128xf32, #tpu.memory_space<hbm>> -> memref<100x64xf32, #tpu.memory_space<hbm>>
    %dma_start3A_761 = arith.constant 0 : i32
    %dma_start3A_762 = arith.constant 0 : i32
    %dma_start3A_763 = arith.constant 0 : i32
    %dma_start3A_764 = tpu.memref_slice %arg8[%dma_start3A_743, %dma_start3A_761, %dma_start3A_762, %dma_start3A_763] : memref<4x2x100x64xf32, #tpu.memory_space<vmem>> -> memref<1x2x100x64xf32, #tpu.memory_space<vmem>>
    %dma_start3A_765 = tpu.memref_squeeze %dma_start3A_764 : memref<1x2x100x64xf32, #tpu.memory_space<vmem>> -> memref<2x100x64xf32, #tpu.memory_space<vmem>>
    %dma_start3A_766 = arith.constant 0 : i32
    %dma_start3A_767 = arith.constant 0 : i32
    %dma_start3A_768 = tpu.memref_slice %dma_start3A_765[%dma_start3A_744, %dma_start3A_766, %dma_start3A_767] : memref<2x100x64xf32, #tpu.memory_space<vmem>> -> memref<1x100x64xf32, #tpu.memory_space<vmem>>
    %dma_start3A_769 = tpu.memref_squeeze %dma_start3A_768 : memref<1x100x64xf32, #tpu.memory_space<vmem>> -> memref<100x64xf32, #tpu.memory_space<vmem>>
    tpu.enqueue_dma source(%dma_start3A_769 : memref<100x64xf32, #tpu.memory_space<vmem>>) target(%dma_start3A_760 : memref<100x64xf32, #tpu.memory_space<hbm>>) target_semaphore(%dma_start3A_758 : memref<!tpu.dma_semaphore, #tpu.memory_space<semaphore_mem>>)
    %dma_wait3A_770 = arith.constant 0 : i32
    %dma_wait3A_771 = arith.constant 0 : i32
    %dma_wait3A_772 = arith.constant 0 : i32
    %dma_wait3A_773 = arith.constant 0 : i32
    %dma_wait3A_774 = arith.constant 0 : i32
    %dma_wait3A_775 = arith.constant 0 : i32
    %dma_wait3A_776 = tpu.memref_slice %arg8[%dma_wait3A_770, %dma_wait3A_773, %dma_wait3A_774, %dma_wait3A_775] : memref<4x2x100x64xf32, #tpu.memory_space<vmem>> -> memref<1x2x100x64xf32, #tpu.memory_space<vmem>>
    %dma_wait3A_777 = tpu.memref_squeeze %dma_wait3A_776 : memref<1x2x100x64xf32, #tpu.memory_space<vmem>> -> memref<2x100x64xf32, #tpu.memory_space<vmem>>
    %dma_wait3A_778 = arith.constant 0 : i32
    %dma_wait3A_779 = arith.constant 0 : i32
    %dma_wait3A_780 = tpu.memref_slice %dma_wait3A_777[%dma_wait3A_771, %dma_wait3A_778, %dma_wait3A_779] : memref<2x100x64xf32, #tpu.memory_space<vmem>> -> memref<1x100x64xf32, #tpu.memory_space<vmem>>
    %dma_wait3A_781 = tpu.memref_squeeze %dma_wait3A_780 : memref<1x100x64xf32, #tpu.memory_space<vmem>> -> memref<100x64xf32, #tpu.memory_space<vmem>>
    %dma_wait3A_782 = arith.constant 0 : i32
    %dma_wait3A_783 = arith.constant 0 : i32
    %dma_wait3A_784 = tpu.memref_slice %arg5[%dma_wait3A_782, %dma_wait3A_783] : memref<409600x128xf32, #tpu.memory_space<hbm>> -> memref<100x64xf32, #tpu.memory_space<hbm>>
    %dma_wait3A_785 = tpu.memref_slice %arg11[%dma_wait3A_772] : memref<4x!tpu.dma_semaphore, #tpu.memory_space<semaphore_mem>> -> memref<1x!tpu.dma_semaphore, #tpu.memory_space<semaphore_mem>>
    %dma_wait3A_786 = tpu.memref_squeeze %dma_wait3A_785 : memref<1x!tpu.dma_semaphore, #tpu.memory_space<semaphore_mem>> -> memref<!tpu.dma_semaphore, #tpu.memory_space<semaphore_mem>>
    %dma_wait3A_787 = arith.constant 0 : i32
    %dma_wait3A_788 = arith.constant 0 : i32
    %dma_wait3A_789 = tpu.memref_slice %arg5[%dma_wait3A_787, %dma_wait3A_788] : memref<409600x128xf32, #tpu.memory_space<hbm>> -> memref<100x64xf32, #tpu.memory_space<hbm>>
    %dma_wait3A_790 = arith.constant 0 : i32
    %dma_wait3A_791 = arith.constant 0 : i32
    %dma_wait3A_792 = arith.constant 0 : i32
    %dma_wait3A_793 = tpu.memref_slice %arg8[%dma_wait3A_770, %dma_wait3A_790, %dma_wait3A_791, %dma_wait3A_792] : memref<4x2x100x64xf32, #tpu.memory_space<vmem>> -> memref<1x2x100x64xf32, #tpu.memory_space<vmem>>
    %dma_wait3A_794 = tpu.memref_squeeze %dma_wait3A_793 : memref<1x2x100x64xf32, #tpu.memory_space<vmem>> -> memref<2x100x64xf32, #tpu.memory_space<vmem>>
    %dma_wait3A_795 = arith.constant 0 : i32
    %dma_wait3A_796 = arith.constant 0 : i32
    %dma_wait3A_797 = tpu.memref_slice %dma_wait3A_794[%dma_wait3A_771, %dma_wait3A_795, %dma_wait3A_796] : memref<2x100x64xf32, #tpu.memory_space<vmem>> -> memref<1x100x64xf32, #tpu.memory_space<vmem>>
    %dma_wait3A_798 = tpu.memref_squeeze %dma_wait3A_797 : memref<1x100x64xf32, #tpu.memory_space<vmem>> -> memref<100x64xf32, #tpu.memory_space<vmem>>
    tpu.wait_dma2 semaphore(%dma_wait3A_786 : memref<!tpu.dma_semaphore, #tpu.memory_space<semaphore_mem>>) src(%dma_wait3A_798 : memref<100x64xf32, #tpu.memory_space<vmem>>) dst(%dma_wait3A_789 : memref<100x64xf32, #tpu.memory_space<hbm>>)
    %dma_wait3A_799 = arith.constant 0 : i32
    %dma_wait3A_800 = arith.constant 1 : i32
    %dma_wait3A_801 = arith.constant 0 : i32
    %dma_wait3A_802 = arith.constant 0 : i32
    %dma_wait3A_803 = arith.constant 0 : i32
    %dma_wait3A_804 = arith.constant 0 : i32
    %dma_wait3A_805 = tpu.memref_slice %arg8[%dma_wait3A_799, %dma_wait3A_802, %dma_wait3A_803, %dma_wait3A_804] : memref<4x2x100x64xf32, #tpu.memory_space<vmem>> -> memref<1x2x100x64xf32, #tpu.memory_space<vmem>>
    %dma_wait3A_806 = tpu.memref_squeeze %dma_wait3A_805 : memref<1x2x100x64xf32, #tpu.memory_space<vmem>> -> memref<2x100x64xf32, #tpu.memory_space<vmem>>
    %dma_wait3A_807 = arith.constant 0 : i32
    %dma_wait3A_808 = arith.constant 0 : i32
    %dma_wait3A_809 = tpu.memref_slice %dma_wait3A_806[%dma_wait3A_800, %dma_wait3A_807, %dma_wait3A_808] : memref<2x100x64xf32, #tpu.memory_space<vmem>> -> memref<1x100x64xf32, #tpu.memory_space<vmem>>
    %dma_wait3A_810 = tpu.memref_squeeze %dma_wait3A_809 : memref<1x100x64xf32, #tpu.memory_space<vmem>> -> memref<100x64xf32, #tpu.memory_space<vmem>>
    %dma_wait3A_811 = arith.constant 0 : i32
    %dma_wait3A_812 = arith.constant 64 : i32
    %dma_wait3A_813 = tpu.memref_slice %arg5[%dma_wait3A_811, %dma_wait3A_812] : memref<409600x128xf32, #tpu.memory_space<hbm>> -> memref<100x64xf32, #tpu.memory_space<hbm>>
    %dma_wait3A_814 = tpu.memref_slice %arg11[%dma_wait3A_801] : memref<4x!tpu.dma_semaphore, #tpu.memory_space<semaphore_mem>> -> memref<1x!tpu.dma_semaphore, #tpu.memory_space<semaphore_mem>>
    %dma_wait3A_815 = tpu.memref_squeeze %dma_wait3A_814 : memref<1x!tpu.dma_semaphore, #tpu.memory_space<semaphore_mem>> -> memref<!tpu.dma_semaphore, #tpu.memory_space<semaphore_mem>>
    %dma_wait3A_816 = arith.constant 0 : i32
    %dma_wait3A_817 = arith.constant 64 : i32
    %dma_wait3A_818 = tpu.memref_slice %arg5[%dma_wait3A_816, %dma_wait3A_817] : memref<409600x128xf32, #tpu.memory_space<hbm>> -> memref<100x64xf32, #tpu.memory_space<hbm>>
    %dma_wait3A_819 = arith.constant 0 : i32
    %dma_wait3A_820 = arith.constant 0 : i32
    %dma_wait3A_821 = arith.constant 0 : i32
    %dma_wait3A_822 = tpu.memref_slice %arg8[%dma_wait3A_799, %dma_wait3A_819, %dma_wait3A_820, %dma_wait3A_821] : memref<4x2x100x64xf32, #tpu.memory_space<vmem>> -> memref<1x2x100x64xf32, #tpu.memory_space<vmem>>
    %dma_wait3A_823 = tpu.memref_squeeze %dma_wait3A_822 : memref<1x2x100x64xf32, #tpu.memory_space<vmem>> -> memref<2x100x64xf32, #tpu.memory_space<vmem>>
    %dma_wait3A_824 = arith.constant 0 : i32
    %dma_wait3A_825 = arith.constant 0 : i32
    %dma_wait3A_826 = tpu.memref_slice %dma_wait3A_823[%dma_wait3A_800, %dma_wait3A_824, %dma_wait3A_825] : memref<2x100x64xf32, #tpu.memory_space<vmem>> -> memref<1x100x64xf32, #tpu.memory_space<vmem>>
    %dma_wait3A_827 = tpu.memref_squeeze %dma_wait3A_826 : memref<1x100x64xf32, #tpu.memory_space<vmem>> -> memref<100x64xf32, #tpu.memory_space<vmem>>
    tpu.wait_dma2 semaphore(%dma_wait3A_815 : memref<!tpu.dma_semaphore, #tpu.memory_space<semaphore_mem>>) src(%dma_wait3A_827 : memref<100x64xf32, #tpu.memory_space<vmem>>) dst(%dma_wait3A_818 : memref<100x64xf32, #tpu.memory_space<hbm>>)
    %dma_wait3A_828 = arith.constant 1 : i32
    %dma_wait3A_829 = arith.constant 0 : i32
    %dma_wait3A_830 = arith.constant 1 : i32
    %dma_wait3A_831 = arith.constant 0 : i32
    %dma_wait3A_832 = arith.constant 0 : i32
    %dma_wait3A_833 = arith.constant 0 : i32
    %dma_wait3A_834 = tpu.memref_slice %arg8[%dma_wait3A_828, %dma_wait3A_831, %dma_wait3A_832, %dma_wait3A_833] : memref<4x2x100x64xf32, #tpu.memory_space<vmem>> -> memref<1x2x100x64xf32, #tpu.memory_space<vmem>>
    %dma_wait3A_835 = tpu.memref_squeeze %dma_wait3A_834 : memref<1x2x100x64xf32, #tpu.memory_space<vmem>> -> memref<2x100x64xf32, #tpu.memory_space<vmem>>
    %dma_wait3A_836 = arith.constant 0 : i32
    %dma_wait3A_837 = arith.constant 0 : i32
    %dma_wait3A_838 = tpu.memref_slice %dma_wait3A_835[%dma_wait3A_829, %dma_wait3A_836, %dma_wait3A_837] : memref<2x100x64xf32, #tpu.memory_space<vmem>> -> memref<1x100x64xf32, #tpu.memory_space<vmem>>
    %dma_wait3A_839 = tpu.memref_squeeze %dma_wait3A_838 : memref<1x100x64xf32, #tpu.memory_space<vmem>> -> memref<100x64xf32, #tpu.memory_space<vmem>>
    %dma_wait3A_840 = arith.constant 0 : i32
    %dma_wait3A_841 = arith.constant 0 : i32
    %dma_wait3A_842 = tpu.memref_slice %arg5[%dma_wait3A_840, %dma_wait3A_841] : memref<409600x128xf32, #tpu.memory_space<hbm>> -> memref<100x64xf32, #tpu.memory_space<hbm>>
    %dma_wait3A_843 = tpu.memref_slice %arg11[%dma_wait3A_830] : memref<4x!tpu.dma_semaphore, #tpu.memory_space<semaphore_mem>> -> memref<1x!tpu.dma_semaphore, #tpu.memory_space<semaphore_mem>>
    %dma_wait3A_844 = tpu.memref_squeeze %dma_wait3A_843 : memref<1x!tpu.dma_semaphore, #tpu.memory_space<semaphore_mem>> -> memref<!tpu.dma_semaphore, #tpu.memory_space<semaphore_mem>>
    %dma_wait3A_845 = arith.constant 0 : i32
    %dma_wait3A_846 = arith.constant 0 : i32
    %dma_wait3A_847 = tpu.memref_slice %arg5[%dma_wait3A_845, %dma_wait3A_846] : memref<409600x128xf32, #tpu.memory_space<hbm>> -> memref<100x64xf32, #tpu.memory_space<hbm>>
    %dma_wait3A_848 = arith.constant 0 : i32
    %dma_wait3A_849 = arith.constant 0 : i32
    %dma_wait3A_850 = arith.constant 0 : i32
    %dma_wait3A_851 = tpu.memref_slice %arg8[%dma_wait3A_828, %dma_wait3A_848, %dma_wait3A_849, %dma_wait3A_850] : memref<4x2x100x64xf32, #tpu.memory_space<vmem>> -> memref<1x2x100x64xf32, #tpu.memory_space<vmem>>
    %dma_wait3A_852 = tpu.memref_squeeze %dma_wait3A_851 : memref<1x2x100x64xf32, #tpu.memory_space<vmem>> -> memref<2x100x64xf32, #tpu.memory_space<vmem>>
    %dma_wait3A_853 = arith.constant 0 : i32
    %dma_wait3A_854 = arith.constant 0 : i32
    %dma_wait3A_855 = tpu.memref_slice %dma_wait3A_852[%dma_wait3A_829, %dma_wait3A_853, %dma_wait3A_854] : memref<2x100x64xf32, #tpu.memory_space<vmem>> -> memref<1x100x64xf32, #tpu.memory_space<vmem>>
    %dma_wait3A_856 = tpu.memref_squeeze %dma_wait3A_855 : memref<1x100x64xf32, #tpu.memory_space<vmem>> -> memref<100x64xf32, #tpu.memory_space<vmem>>
    tpu.wait_dma2 semaphore(%dma_wait3A_844 : memref<!tpu.dma_semaphore, #tpu.memory_space<semaphore_mem>>) src(%dma_wait3A_856 : memref<100x64xf32, #tpu.memory_space<vmem>>) dst(%dma_wait3A_847 : memref<100x64xf32, #tpu.memory_space<hbm>>)
    %dma_wait3A_857 = arith.constant 1 : i32
    %dma_wait3A_858 = arith.constant 1 : i32
    %dma_wait3A_859 = arith.constant 1 : i32
    %dma_wait3A_860 = arith.constant 0 : i32
    %dma_wait3A_861 = arith.constant 0 : i32
    %dma_wait3A_862 = arith.constant 0 : i32
    %dma_wait3A_863 = tpu.memref_slice %arg8[%dma_wait3A_857, %dma_wait3A_860, %dma_wait3A_861, %dma_wait3A_862] : memref<4x2x100x64xf32, #tpu.memory_space<vmem>> -> memref<1x2x100x64xf32, #tpu.memory_space<vmem>>
    %dma_wait3A_864 = tpu.memref_squeeze %dma_wait3A_863 : memref<1x2x100x64xf32, #tpu.memory_space<vmem>> -> memref<2x100x64xf32, #tpu.memory_space<vmem>>
    %dma_wait3A_865 = arith.constant 0 : i32
    %dma_wait3A_866 = arith.constant 0 : i32
    %dma_wait3A_867 = tpu.memref_slice %dma_wait3A_864[%dma_wait3A_858, %dma_wait3A_865, %dma_wait3A_866] : memref<2x100x64xf32, #tpu.memory_space<vmem>> -> memref<1x100x64xf32, #tpu.memory_space<vmem>>
    %dma_wait3A_868 = tpu.memref_squeeze %dma_wait3A_867 : memref<1x100x64xf32, #tpu.memory_space<vmem>> -> memref<100x64xf32, #tpu.memory_space<vmem>>
    %dma_wait3A_869 = arith.constant 0 : i32
    %dma_wait3A_870 = arith.constant 64 : i32
    %dma_wait3A_871 = tpu.memref_slice %arg5[%dma_wait3A_869, %dma_wait3A_870] : memref<409600x128xf32, #tpu.memory_space<hbm>> -> memref<100x64xf32, #tpu.memory_space<hbm>>
    %dma_wait3A_872 = tpu.memref_slice %arg11[%dma_wait3A_859] : memref<4x!tpu.dma_semaphore, #tpu.memory_space<semaphore_mem>> -> memref<1x!tpu.dma_semaphore, #tpu.memory_space<semaphore_mem>>
    %dma_wait3A_873 = tpu.memref_squeeze %dma_wait3A_872 : memref<1x!tpu.dma_semaphore, #tpu.memory_space<semaphore_mem>> -> memref<!tpu.dma_semaphore, #tpu.memory_space<semaphore_mem>>
    %dma_wait3A_874 = arith.constant 0 : i32
    %dma_wait3A_875 = arith.constant 64 : i32
    %dma_wait3A_876 = tpu.memref_slice %arg5[%dma_wait3A_874, %dma_wait3A_875] : memref<409600x128xf32, #tpu.memory_space<hbm>> -> memref<100x64xf32, #tpu.memory_space<hbm>>
    %dma_wait3A_877 = arith.constant 0 : i32
    %dma_wait3A_878 = arith.constant 0 : i32
    %dma_wait3A_879 = arith.constant 0 : i32
    %dma_wait3A_880 = tpu.memref_slice %arg8[%dma_wait3A_857, %dma_wait3A_877, %dma_wait3A_878, %dma_wait3A_879] : memref<4x2x100x64xf32, #tpu.memory_space<vmem>> -> memref<1x2x100x64xf32, #tpu.memory_space<vmem>>
    %dma_wait3A_881 = tpu.memref_squeeze %dma_wait3A_880 : memref<1x2x100x64xf32, #tpu.memory_space<vmem>> -> memref<2x100x64xf32, #tpu.memory_space<vmem>>
    %dma_wait3A_882 = arith.constant 0 : i32
    %dma_wait3A_883 = arith.constant 0 : i32
    %dma_wait3A_884 = tpu.memref_slice %dma_wait3A_881[%dma_wait3A_858, %dma_wait3A_882, %dma_wait3A_883] : memref<2x100x64xf32, #tpu.memory_space<vmem>> -> memref<1x100x64xf32, #tpu.memory_space<vmem>>
    %dma_wait3A_885 = tpu.memref_squeeze %dma_wait3A_884 : memref<1x100x64xf32, #tpu.memory_space<vmem>> -> memref<100x64xf32, #tpu.memory_space<vmem>>
    tpu.wait_dma2 semaphore(%dma_wait3A_873 : memref<!tpu.dma_semaphore, #tpu.memory_space<semaphore_mem>>) src(%dma_wait3A_885 : memref<100x64xf32, #tpu.memory_space<vmem>>) dst(%dma_wait3A_876 : memref<100x64xf32, #tpu.memory_space<hbm>>)
    %dma_wait3A_886 = arith.constant 2 : i32
    %dma_wait3A_887 = arith.constant 0 : i32
    %dma_wait3A_888 = arith.constant 2 : i32
    %dma_wait3A_889 = arith.constant 0 : i32
    %dma_wait3A_890 = arith.constant 0 : i32
    %dma_wait3A_891 = arith.constant 0 : i32
    %dma_wait3A_892 = tpu.memref_slice %arg8[%dma_wait3A_886, %dma_wait3A_889, %dma_wait3A_890, %dma_wait3A_891] : memref<4x2x100x64xf32, #tpu.memory_space<vmem>> -> memref<1x2x100x64xf32, #tpu.memory_space<vmem>>
    %dma_wait3A_893 = tpu.memref_squeeze %dma_wait3A_892 : memref<1x2x100x64xf32, #tpu.memory_space<vmem>> -> memref<2x100x64xf32, #tpu.memory_space<vmem>>
    %dma_wait3A_894 = arith.constant 0 : i32
    %dma_wait3A_895 = arith.constant 0 : i32
    %dma_wait3A_896 = tpu.memref_slice %dma_wait3A_893[%dma_wait3A_887, %dma_wait3A_894, %dma_wait3A_895] : memref<2x100x64xf32, #tpu.memory_space<vmem>> -> memref<1x100x64xf32, #tpu.memory_space<vmem>>
    %dma_wait3A_897 = tpu.memref_squeeze %dma_wait3A_896 : memref<1x100x64xf32, #tpu.memory_space<vmem>> -> memref<100x64xf32, #tpu.memory_space<vmem>>
    %dma_wait3A_898 = arith.constant 0 : i32
    %dma_wait3A_899 = arith.constant 0 : i32
    %dma_wait3A_900 = tpu.memref_slice %arg5[%dma_wait3A_898, %dma_wait3A_899] : memref<409600x128xf32, #tpu.memory_space<hbm>> -> memref<100x64xf32, #tpu.memory_space<hbm>>
    %dma_wait3A_901 = tpu.memref_slice %arg11[%dma_wait3A_888] : memref<4x!tpu.dma_semaphore, #tpu.memory_space<semaphore_mem>> -> memref<1x!tpu.dma_semaphore, #tpu.memory_space<semaphore_mem>>
    %dma_wait3A_902 = tpu.memref_squeeze %dma_wait3A_901 : memref<1x!tpu.dma_semaphore, #tpu.memory_space<semaphore_mem>> -> memref<!tpu.dma_semaphore, #tpu.memory_space<semaphore_mem>>
    %dma_wait3A_903 = arith.constant 0 : i32
    %dma_wait3A_904 = arith.constant 0 : i32
    %dma_wait3A_905 = tpu.memref_slice %arg5[%dma_wait3A_903, %dma_wait3A_904] : memref<409600x128xf32, #tpu.memory_space<hbm>> -> memref<100x64xf32, #tpu.memory_space<hbm>>
    %dma_wait3A_906 = arith.constant 0 : i32
    %dma_wait3A_907 = arith.constant 0 : i32
    %dma_wait3A_908 = arith.constant 0 : i32
    %dma_wait3A_909 = tpu.memref_slice %arg8[%dma_wait3A_886, %dma_wait3A_906, %dma_wait3A_907, %dma_wait3A_908] : memref<4x2x100x64xf32, #tpu.memory_space<vmem>> -> memref<1x2x100x64xf32, #tpu.memory_space<vmem>>
    %dma_wait3A_910 = tpu.memref_squeeze %dma_wait3A_909 : memref<1x2x100x64xf32, #tpu.memory_space<vmem>> -> memref<2x100x64xf32, #tpu.memory_space<vmem>>
    %dma_wait3A_911 = arith.constant 0 : i32
    %dma_wait3A_912 = arith.constant 0 : i32
    %dma_wait3A_913 = tpu.memref_slice %dma_wait3A_910[%dma_wait3A_887, %dma_wait3A_911, %dma_wait3A_912] : memref<2x100x64xf32, #tpu.memory_space<vmem>> -> memref<1x100x64xf32, #tpu.memory_space<vmem>>
    %dma_wait3A_914 = tpu.memref_squeeze %dma_wait3A_913 : memref<1x100x64xf32, #tpu.memory_space<vmem>> -> memref<100x64xf32, #tpu.memory_space<vmem>>
    tpu.wait_dma2 semaphore(%dma_wait3A_902 : memref<!tpu.dma_semaphore, #tpu.memory_space<semaphore_mem>>) src(%dma_wait3A_914 : memref<100x64xf32, #tpu.memory_space<vmem>>) dst(%dma_wait3A_905 : memref<100x64xf32, #tpu.memory_space<hbm>>)
    %dma_wait3A_915 = arith.constant 2 : i32
    %dma_wait3A_916 = arith.constant 1 : i32
    %dma_wait3A_917 = arith.constant 2 : i32
    %dma_wait3A_918 = arith.constant 0 : i32
    %dma_wait3A_919 = arith.constant 0 : i32
    %dma_wait3A_920 = arith.constant 0 : i32
    %dma_wait3A_921 = tpu.memref_slice %arg8[%dma_wait3A_915, %dma_wait3A_918, %dma_wait3A_919, %dma_wait3A_920] : memref<4x2x100x64xf32, #tpu.memory_space<vmem>> -> memref<1x2x100x64xf32, #tpu.memory_space<vmem>>
    %dma_wait3A_922 = tpu.memref_squeeze %dma_wait3A_921 : memref<1x2x100x64xf32, #tpu.memory_space<vmem>> -> memref<2x100x64xf32, #tpu.memory_space<vmem>>
    %dma_wait3A_923 = arith.constant 0 : i32
    %dma_wait3A_924 = arith.constant 0 : i32
    %dma_wait3A_925 = tpu.memref_slice %dma_wait3A_922[%dma_wait3A_916, %dma_wait3A_923, %dma_wait3A_924] : memref<2x100x64xf32, #tpu.memory_space<vmem>> -> memref<1x100x64xf32, #tpu.memory_space<vmem>>
    %dma_wait3A_926 = tpu.memref_squeeze %dma_wait3A_925 : memref<1x100x64xf32, #tpu.memory_space<vmem>> -> memref<100x64xf32, #tpu.memory_space<vmem>>
    %dma_wait3A_927 = arith.constant 0 : i32
    %dma_wait3A_928 = arith.constant 64 : i32
    %dma_wait3A_929 = tpu.memref_slice %arg5[%dma_wait3A_927, %dma_wait3A_928] : memref<409600x128xf32, #tpu.memory_space<hbm>> -> memref<100x64xf32, #tpu.memory_space<hbm>>
    %dma_wait3A_930 = tpu.memref_slice %arg11[%dma_wait3A_917] : memref<4x!tpu.dma_semaphore, #tpu.memory_space<semaphore_mem>> -> memref<1x!tpu.dma_semaphore, #tpu.memory_space<semaphore_mem>>
    %dma_wait3A_931 = tpu.memref_squeeze %dma_wait3A_930 : memref<1x!tpu.dma_semaphore, #tpu.memory_space<semaphore_mem>> -> memref<!tpu.dma_semaphore, #tpu.memory_space<semaphore_mem>>
    %dma_wait3A_932 = arith.constant 0 : i32
    %dma_wait3A_933 = arith.constant 64 : i32
    %dma_wait3A_934 = tpu.memref_slice %arg5[%dma_wait3A_932, %dma_wait3A_933] : memref<409600x128xf32, #tpu.memory_space<hbm>> -> memref<100x64xf32, #tpu.memory_space<hbm>>
    %dma_wait3A_935 = arith.constant 0 : i32
    %dma_wait3A_936 = arith.constant 0 : i32
    %dma_wait3A_937 = arith.constant 0 : i32
    %dma_wait3A_938 = tpu.memref_slice %arg8[%dma_wait3A_915, %dma_wait3A_935, %dma_wait3A_936, %dma_wait3A_937] : memref<4x2x100x64xf32, #tpu.memory_space<vmem>> -> memref<1x2x100x64xf32, #tpu.memory_space<vmem>>
    %dma_wait3A_939 = tpu.memref_squeeze %dma_wait3A_938 : memref<1x2x100x64xf32, #tpu.memory_space<vmem>> -> memref<2x100x64xf32, #tpu.memory_space<vmem>>
    %dma_wait3A_940 = arith.constant 0 : i32
    %dma_wait3A_941 = arith.constant 0 : i32
    %dma_wait3A_942 = tpu.memref_slice %dma_wait3A_939[%dma_wait3A_916, %dma_wait3A_940, %dma_wait3A_941] : memref<2x100x64xf32, #tpu.memory_space<vmem>> -> memref<1x100x64xf32, #tpu.memory_space<vmem>>
    %dma_wait3A_943 = tpu.memref_squeeze %dma_wait3A_942 : memref<1x100x64xf32, #tpu.memory_space<vmem>> -> memref<100x64xf32, #tpu.memory_space<vmem>>
    tpu.wait_dma2 semaphore(%dma_wait3A_931 : memref<!tpu.dma_semaphore, #tpu.memory_space<semaphore_mem>>) src(%dma_wait3A_943 : memref<100x64xf32, #tpu.memory_space<vmem>>) dst(%dma_wait3A_934 : memref<100x64xf32, #tpu.memory_space<hbm>>)
    %dma_wait3A_944 = arith.constant 3 : i32
    %dma_wait3A_945 = arith.constant 0 : i32
    %dma_wait3A_946 = arith.constant 3 : i32
    %dma_wait3A_947 = arith.constant 0 : i32
    %dma_wait3A_948 = arith.constant 0 : i32
    %dma_wait3A_949 = arith.constant 0 : i32
    %dma_wait3A_950 = tpu.memref_slice %arg8[%dma_wait3A_944, %dma_wait3A_947, %dma_wait3A_948, %dma_wait3A_949] : memref<4x2x100x64xf32, #tpu.memory_space<vmem>> -> memref<1x2x100x64xf32, #tpu.memory_space<vmem>>
    %dma_wait3A_951 = tpu.memref_squeeze %dma_wait3A_950 : memref<1x2x100x64xf32, #tpu.memory_space<vmem>> -> memref<2x100x64xf32, #tpu.memory_space<vmem>>
    %dma_wait3A_952 = arith.constant 0 : i32
    %dma_wait3A_953 = arith.constant 0 : i32
    %dma_wait3A_954 = tpu.memref_slice %dma_wait3A_951[%dma_wait3A_945, %dma_wait3A_952, %dma_wait3A_953] : memref<2x100x64xf32, #tpu.memory_space<vmem>> -> memref<1x100x64xf32, #tpu.memory_space<vmem>>
    %dma_wait3A_955 = tpu.memref_squeeze %dma_wait3A_954 : memref<1x100x64xf32, #tpu.memory_space<vmem>> -> memref<100x64xf32, #tpu.memory_space<vmem>>
    %dma_wait3A_956 = arith.constant 0 : i32
    %dma_wait3A_957 = arith.constant 0 : i32
    %dma_wait3A_958 = tpu.memref_slice %arg5[%dma_wait3A_956, %dma_wait3A_957] : memref<409600x128xf32, #tpu.memory_space<hbm>> -> memref<100x64xf32, #tpu.memory_space<hbm>>
    %dma_wait3A_959 = tpu.memref_slice %arg11[%dma_wait3A_946] : memref<4x!tpu.dma_semaphore, #tpu.memory_space<semaphore_mem>> -> memref<1x!tpu.dma_semaphore, #tpu.memory_space<semaphore_mem>>
    %dma_wait3A_960 = tpu.memref_squeeze %dma_wait3A_959 : memref<1x!tpu.dma_semaphore, #tpu.memory_space<semaphore_mem>> -> memref<!tpu.dma_semaphore, #tpu.memory_space<semaphore_mem>>
    %dma_wait3A_961 = arith.constant 0 : i32
    %dma_wait3A_962 = arith.constant 0 : i32
    %dma_wait3A_963 = tpu.memref_slice %arg5[%dma_wait3A_961, %dma_wait3A_962] : memref<409600x128xf32, #tpu.memory_space<hbm>> -> memref<100x64xf32, #tpu.memory_space<hbm>>
    %dma_wait3A_964 = arith.constant 0 : i32
    %dma_wait3A_965 = arith.constant 0 : i32
    %dma_wait3A_966 = arith.constant 0 : i32
    %dma_wait3A_967 = tpu.memref_slice %arg8[%dma_wait3A_944, %dma_wait3A_964, %dma_wait3A_965, %dma_wait3A_966] : memref<4x2x100x64xf32, #tpu.memory_space<vmem>> -> memref<1x2x100x64xf32, #tpu.memory_space<vmem>>
    %dma_wait3A_968 = tpu.memref_squeeze %dma_wait3A_967 : memref<1x2x100x64xf32, #tpu.memory_space<vmem>> -> memref<2x100x64xf32, #tpu.memory_space<vmem>>
    %dma_wait3A_969 = arith.constant 0 : i32
    %dma_wait3A_970 = arith.constant 0 : i32
    %dma_wait3A_971 = tpu.memref_slice %dma_wait3A_968[%dma_wait3A_945, %dma_wait3A_969, %dma_wait3A_970] : memref<2x100x64xf32, #tpu.memory_space<vmem>> -> memref<1x100x64xf32, #tpu.memory_space<vmem>>
    %dma_wait3A_972 = tpu.memref_squeeze %dma_wait3A_971 : memref<1x100x64xf32, #tpu.memory_space<vmem>> -> memref<100x64xf32, #tpu.memory_space<vmem>>
    tpu.wait_dma2 semaphore(%dma_wait3A_960 : memref<!tpu.dma_semaphore, #tpu.memory_space<semaphore_mem>>) src(%dma_wait3A_972 : memref<100x64xf32, #tpu.memory_space<vmem>>) dst(%dma_wait3A_963 : memref<100x64xf32, #tpu.memory_space<hbm>>)
    %dma_wait3A_973 = arith.constant 3 : i32
    %dma_wait3A_974 = arith.constant 1 : i32
    %dma_wait3A_975 = arith.constant 3 : i32
    %dma_wait3A_976 = arith.constant 0 : i32
    %dma_wait3A_977 = arith.constant 0 : i32
    %dma_wait3A_978 = arith.constant 0 : i32
    %dma_wait3A_979 = tpu.memref_slice %arg8[%dma_wait3A_973, %dma_wait3A_976, %dma_wait3A_977, %dma_wait3A_978] : memref<4x2x100x64xf32, #tpu.memory_space<vmem>> -> memref<1x2x100x64xf32, #tpu.memory_space<vmem>>
    %dma_wait3A_980 = tpu.memref_squeeze %dma_wait3A_979 : memref<1x2x100x64xf32, #tpu.memory_space<vmem>> -> memref<2x100x64xf32, #tpu.memory_space<vmem>>
    %dma_wait3A_981 = arith.constant 0 : i32
    %dma_wait3A_982 = arith.constant 0 : i32
    %dma_wait3A_983 = tpu.memref_slice %dma_wait3A_980[%dma_wait3A_974, %dma_wait3A_981, %dma_wait3A_982] : memref<2x100x64xf32, #tpu.memory_space<vmem>> -> memref<1x100x64xf32, #tpu.memory_space<vmem>>
    %dma_wait3A_984 = tpu.memref_squeeze %dma_wait3A_983 : memref<1x100x64xf32, #tpu.memory_space<vmem>> -> memref<100x64xf32, #tpu.memory_space<vmem>>
    %dma_wait3A_985 = arith.constant 0 : i32
    %dma_wait3A_986 = arith.constant 64 : i32
    %dma_wait3A_987 = tpu.memref_slice %arg5[%dma_wait3A_985, %dma_wait3A_986] : memref<409600x128xf32, #tpu.memory_space<hbm>> -> memref<100x64xf32, #tpu.memory_space<hbm>>
    %dma_wait3A_988 = tpu.memref_slice %arg11[%dma_wait3A_975] : memref<4x!tpu.dma_semaphore, #tpu.memory_space<semaphore_mem>> -> memref<1x!tpu.dma_semaphore, #tpu.memory_space<semaphore_mem>>
    %dma_wait3A_989 = tpu.memref_squeeze %dma_wait3A_988 : memref<1x!tpu.dma_semaphore, #tpu.memory_space<semaphore_mem>> -> memref<!tpu.dma_semaphore, #tpu.memory_space<semaphore_mem>>
    %dma_wait3A_990 = arith.constant 0 : i32
    %dma_wait3A_991 = arith.constant 64 : i32
    %dma_wait3A_992 = tpu.memref_slice %arg5[%dma_wait3A_990, %dma_wait3A_991] : memref<409600x128xf32, #tpu.memory_space<hbm>> -> memref<100x64xf32, #tpu.memory_space<hbm>>
    %dma_wait3A_993 = arith.constant 0 : i32
    %dma_wait3A_994 = arith.constant 0 : i32
    %dma_wait3A_995 = arith.constant 0 : i32
    %dma_wait3A_996 = tpu.memref_slice %arg8[%dma_wait3A_973, %dma_wait3A_993, %dma_wait3A_994, %dma_wait3A_995] : memref<4x2x100x64xf32, #tpu.memory_space<vmem>> -> memref<1x2x100x64xf32, #tpu.memory_space<vmem>>
    %dma_wait3A_997 = tpu.memref_squeeze %dma_wait3A_996 : memref<1x2x100x64xf32, #tpu.memory_space<vmem>> -> memref<2x100x64xf32, #tpu.memory_space<vmem>>
    %dma_wait3A_998 = arith.constant 0 : i32
    %dma_wait3A_999 = arith.constant 0 : i32
    %dma_wait3A_1000 = tpu.memref_slice %dma_wait3A_997[%dma_wait3A_974, %dma_wait3A_998, %dma_wait3A_999] : memref<2x100x64xf32, #tpu.memory_space<vmem>> -> memref<1x100x64xf32, #tpu.memory_space<vmem>>
    %dma_wait3A_1001 = tpu.memref_squeeze %dma_wait3A_1000 : memref<1x100x64xf32, #tpu.memory_space<vmem>> -> memref<100x64xf32, #tpu.memory_space<vmem>>
    tpu.wait_dma2 semaphore(%dma_wait3A_989 : memref<!tpu.dma_semaphore, #tpu.memory_space<semaphore_mem>>) src(%dma_wait3A_1001 : memref<100x64xf32, #tpu.memory_space<vmem>>) dst(%dma_wait3A_992 : memref<100x64xf32, #tpu.memory_space<hbm>>)
    return
  }
}

</mosaic_0001>

<sc_bundles>
// kernel: kernel.3.cloned.1.call-start
scs
__scs_entry_jumppad:
0x0: {  	(pc) =	sbr.rel $0x88, $3  }
0x1: {  	(tag) =	ssettag $0x0;
	lr =	simm.s32 $0x1  }
0x2: {  	[smem:$0x3F9F] =	sst lr;
	_ =	strace $0xD0000000  }
0x3: {  	_ = 	snop  }
0x4: {  	_ = 	snop  }
0x5: {  	_ = 	snop  }
0x6: {  	_ = 	snop  }
0x7: {  	_ = 	snop  }
__scs_overlays_trampoline_lowered:
0x8: {  	[smem:$0x3FAE] =	sst s0  }
0x9: {  	[smem:$0x3FAF] =	sst s1  }
0xa: {  	[smem:$0x3FB0] =	sst s2  }
0xb: {  	[smem:$0x3FB1] =	sst s3  }
0xc: {  	[smem:$0x3FB2] =	sst s4  }
0xd: {  	[smem:$0x3FB3] =	sst s5  }
0xe: {  	[smem:$0x3FB4] =	sst s6  }
0xf: {  	[smem:$0x3FB5] =	sst s7  }
0x10: {  	[smem:$0x3FB6] =	sst s8  }
0x11: {  	[smem:$0x3FB7] =	sst s9;
	s0 =	simm.s32 @!p0 $0x0  }
0x12: {  	s1 =	sld [smem:$0x3F9D];
	s0 =	simm.s32 @p0 $0x1  }
0x13: {  	[smem:$0x3FB8] =	sst s0;
	s0 =	simm.s32 @!p1 $0x0  }
0x14: {  	s2 =	sld [smem:$0x3F9C];
	s0 =	simm.s32 @p1 $0x1  }
0x15: {  	[smem:$0x3FB9] =	sst s0;
	s0 =	simm.s32 @!p2 $0x0  }
0x16: {  	s3 =	sld [smem:$0x3FDB];
	s0 =	simm.s32 @p2 $0x1  }
0x17: {  	s4 =	simm.s32 $0x1BF5;
	[smem:$0x3FBB] =	sst s0  }
0x18: {  	s0 =	sld [smem:$0x3F9E];
	_ =	swait.ge [sflag:s4], $0x0  }
0x19: {  	s7 =	sld [smem:$0x3F9F]  }
0x1a: {  	s8 =	sadd.s32 $0xFFFFE003, lr  }
0x1b: {  	s9 =	sadd.s32 $0xFFFFFEF7, lr;
	s5 =	simm.s32 $0xFFFFFFFF;
	p2 =	slt.u32 s8, $0xFFFFF086  }
0x1c: {  	p1 =	slt.u32 s9, $0xF7A;
	s5 =	simm.s32 @!p2 $0x0  }
0x1d: {  	s5 =	simm.s32 @p1 $0x1;
	p0 =	seq.s32 s7, s2  }
0x1e: {  	s7 =	smul.u32 @!p0 $0xF7A, s2;
	p2 =	seq.s32 @!p0 s5, $0x0  }
0x1f: {  	s9 =	smul.u32 $0xF7A, s1;
	s8 =	simm.s32 @!p0 $0x1BF5;
	p2 =	por !p2, p0  }
0x20: {  	[sflag:s8] =	ssyncset.s32 @!p0 $0xFFFFF086;
	s6 =	sadd.s32 @!p0 s3, s7;
	s7 =	simm.s32 @!p0 $0x108  }
0x21: {  	s3 =	sadd.s32 s3, s9;
	s6 =	sadd.s32 @!p0 $0x88, s6;
	s7 =	simm.s32 @p2 $0x1082  }
0x22: {  	[simem:s7], [sflag:s8] =	dma.local @!p0 [hbm:s6], $0xF7A  }
0x23: {  	s9 =	sor.u32 $0xD0000000, s2;
	s6 =	simm.s32 $0x108;
	_ =	swait.ge @!p0 [sflag:s8], $0x0  }
0x24: {  	s3 =	sadd.s32 $0x88, s3;
	s6 =	simm.s32 @!p1 $0x1082;
	[sflag:s4] =	ssyncset.s32 $0xFFFFF086  }
0x25: {  	[simem:s6], [sflag:s4] =	dma.local [hbm:s3], $0xF7A  }
0x26: {  	[smem:$0x3F9F] =	sst s1;
	(tag) =	ssettag s2;
	_ =	strace s9  }
0x27: {  	s1 =	sld [smem:$0x3FAF]  }
0x28: {  	s2 =	sld [smem:$0x3FB0]  }
0x29: {  	s4 =	sld [smem:$0x3FB2]  }
0x2a: {  	p0 =	seq.s32 s5, $0x0;
	s5 =	sld [smem:$0x3FB3]  }
0x2b: {  	s6 =	sld [smem:$0x3FB4]  }
0x2c: {  	s7 =	sld [smem:$0x3FB5]  }
0x2d: {  	s3 =	simm.s32 $0x108;
	s8 =	sld [smem:$0x3FB6]  }
0x2e: {  	s3 =	simm.s32 @!p0 $0x1082;
	s9 =	sld [smem:$0x3FB7]  }
0x2f: {  	lr =	sadd.s32 s0, s3;
	s0 =	sld [smem:$0x3FAE]  }
0x30: {  	s3 =	sld [smem:$0x3FB1]  }
0x31: {  	[smem:$0x3FBA] =	sst s10  }
0x32: {  	s10 =	sld [smem:$0x3FB8];
	_ =	sdelay $0x3  }
0x33: {  	p0 =	seq.s32 s10, $0x1;
	s10 =	sld [smem:$0x3FBA];
	_ =	sdelay $0x3  }
0x34: {  	[smem:$0x3FBA] =	sst s10  }
0x35: {  	s10 =	sld [smem:$0x3FB9];
	_ =	sdelay $0x3  }
0x36: {  	p1 =	seq.s32 s10, $0x1;
	s10 =	sld [smem:$0x3FBA];
	_ =	sdelay $0x3  }
0x37: {  	[smem:$0x3FBA] =	sst s10  }
0x38: {  	s10 =	sld [smem:$0x3FBB]  }
0x39: {  	_ = 	snop;
	(pc) =	sbr.ind lr, $3  }
0x3a: {  	_ = 	snop  }
0x3b: {  	_ = 	snop  }
0x3c: {  	p2 =	seq.s32 s10, $0x1;
	s10 =	sld [smem:$0x3FBA]  }
0x3d: {  	_ =	shalt  }
0x3e: {  	_ =	shalt  }
0x3f: {  	_ =	shalt  }
0x40: {  	_ =	shalt  }
0x41: {  	_ =	shalt  }
0x42: {  	_ =	shalt  }
0x43: {  	_ =	shalt  }
0x44: {  	_ =	shalt  }
0x45: {  	_ =	shalt  }
0x46: {  	_ =	shalt  }
0x47: {  	_ =	shalt  }
0x48: {  	_ =	shalt  }
0x49: {  	_ =	shalt  }
0x4a: {  	_ =	shalt  }
0x4b: {  	_ =	shalt  }
0x4c: {  	_ =	shalt  }
0x4d: {  	_ =	shalt  }
0x4e: {  	_ =	shalt  }
0x4f: {  	_ =	shalt  }
0x50: {  	_ =	shalt  }
0x51: {  	_ =	shalt  }
0x52: {  	_ =	shalt  }
0x53: {  	_ =	shalt  }
0x54: {  	_ =	shalt  }
0x55: {  	_ =	shalt  }
0x56: {  	_ =	shalt  }
0x57: {  	_ =	shalt  }
0x58: {  	_ =	shalt  }
0x59: {  	_ =	shalt  }
0x5a: {  	_ =	shalt  }
0x5b: {  	_ =	shalt  }
0x5c: {  	_ =	shalt  }
0x5d: {  	_ =	shalt  }
0x5e: {  	_ =	shalt  }
0x5f: {  	_ =	shalt  }
0x60: {  	_ =	shalt  }
0x61: {  	_ =	shalt  }
0x62: {  	_ =	shalt  }
0x63: {  	_ =	shalt  }
0x64: {  	_ =	shalt  }
0x65: {  	_ =	shalt  }
0x66: {  	_ =	shalt  }
0x67: {  	_ =	shalt  }
0x68: {  	_ =	shalt  }
0x69: {  	_ =	shalt  }
0x6a: {  	_ =	shalt  }
0x6b: {  	_ =	shalt  }
0x6c: {  	_ =	shalt  }
0x6d: {  	_ =	shalt  }
0x6e: {  	_ =	shalt  }
0x6f: {  	_ =	shalt  }
0x70: {  	_ =	shalt  }
0x71: {  	_ =	shalt  }
0x72: {  	_ =	shalt  }
0x73: {  	_ =	shalt  }
0x74: {  	_ =	shalt  }
0x75: {  	_ =	shalt  }
0x76: {  	_ =	shalt  }
0x77: {  	_ =	shalt  }
0x78: {  	_ =	shalt  }
0x79: {  	_ =	shalt  }
0x7a: {  	_ =	shalt  }
0x7b: {  	_ =	shalt  }
0x7c: {  	_ =	shalt  }
0x7d: {  	_ =	shalt  }
0x7e: {  	_ =	shalt  }
0x7f: {  	_ =	shalt  }
0x80: {  	_ =	shalt  }
0x81: {  	_ =	shalt  }
0x82: {  	_ =	shalt  }
0x83: {  	_ =	shalt  }
0x84: {  	_ =	shalt  }
0x85: {  	_ =	shalt  }
0x86: {  	_ =	shalt  }
0x87: {  	_ =	shalt  }
.Lfunc_end0:
.L_simem_size_0:
called_computation.1_lowered:
.L_overlay_start_0:
0x88: {  	s2 =	sld [smem:$0x3FD9]  }
0x89: {  	s3 =	sld [smem:$0x3FFE];
	_ =	sdelay $0x1  }
0x8a: {  	s1 =	srdreg.scid  }
0x8b: {  	s0 =	sand.u32 $0x1, s1  }
0x8c: {  	s17 =	sshll.u32 s0, $0xA;
	s2 =	sadd.s32 s3, s2  }
0x8d: {  	s2 =	sadd.s32 s2, s17  }
0x8e: {  	[smem:$0x3FC6] =	sst s2  }
0x8f: {  	_ = 	snop  }
0x90: {  	s2 =	sld [smem:$0x3FD0];
	(tm) =	ssettm $0x1  }
0x91: {  	s18 =	sld [smem:$0x3FFB];
	_ =	sdelay $0x3  }
0x92: {  	_ =	strace s18  }
0x93: {  	s3 =	sld [smem:$0x3FFC];
	_ =	sdelay $0x3  }
0x94: {  	_ =	strace s3  }
0x95: {  	s3 =	sld [smem:$0x3FFD];
	_ =	sdelay $0x3  }
0x96: {  	_ =	strace s3  }
0x97: {  	_ =	strace $0x8FFFFFFF  }
0x98: {  	s19 =	sld [smem:$0x3FDB];
	_ =	sdelay $0x1  }
0x99: {  	s4 =	simm.s32 $_scs_section_size  }
0x9a: {  	s5 =	simm.s32 $_size__tile_overlayer_lowered;
	s6 =	simm.s32 $_tile_overlayer_lowered  }
0x9b: {  	s22 =	simm.s32 $0x1BFF;
	s21 =	sshll.u32 s6, $0x1;
	s3 =	sadd.s32 s4, s19  }
0x9c: {  	s7 =	simm.s32 $0x0;
	s20 =	sshll.u32 s5, $0x1;
	s5 =	sadd.s32 s21, s3  }
0x9d: {  	[timem:s7], [sflag:s22] =	dma.local [hbm:s5], s20  }
0x9e: {  	_ =	swait.ge [sflag:s22], s20  }
0x9f: {  	s4 =	ssub.s32 $0x0, s20;
	[sflag:s22] =	ssyncset.done $0x0  }
0xa0: {  	[sflag:s22] =	ssyncadd.s32 s4;
	_ =	sdelay $0x1  }
0xa1: {  	s23 =	simm.s32 $0x1B8B  }
0xa2: {  	_ =	swait.ge [sflag:s23], $0x1  }
0xa3: {  	[sflag:s23] =	ssyncset.done $0x0  }
0xa4: {  	s25 =	simm.s32 $0x1B8E;
	s24 =	sld [smem:$0x3FFE];
	[sflag:s23] =	ssyncadd.s32 $0xFFFFFFFF  }
0xa5: {  	s26 =	simm.s32 $execute0_lowered;
	[smem:$0x3FD2] =	sst s25  }
0xa6: {  	s5 =	sshll.u32 s26, $0x1;
	_ =	strace $0x80000046;
	[dreg:$0x1] =	wrdreg $0xFFFFFFFF  }
0xa7: {  	s28 =	simm.s32 $_size_execute0_lowered;
	s3 =	sadd.s32 s3, s5;
	[dreg:$0x0] =	wrdreg $0x0  }
0xa8: {  	s5 =	sshll.u32 s28, $0x1;
	[dreg:$0x2] =	wrdreg s3  }
0xa9: {  	[dreg:$0x3] =	wrdreg s5  }
0xaa: {  	[dreg:$0x4] =	wrdreg $0xC0  }
0xab: {  	_ =	task [dreg:s7], $0x5FFFF  }
0xac: {  	[dreg:$0x1] =	wrdreg $0xFFFFFFFF  }
0xad: {  	[dreg:$0x0] =	wrdreg $0x60  }
0xae: {  	[dreg:$0x2] =	wrdreg s24  }
0xaf: {  	[dreg:$0x3] =	wrdreg s2  }
0xb0: {  	[dreg:$0x4] =	wrdreg $0x0  }
0xb1: {  	[dreg:$0x5] =	wrdreg $0x9  }
0xb2: {  	_ =	task.clear_ibuf [dreg:s7], $0x6FFFF;
	_ =	strace $0x90000046  }
0xb3: {  	s29 =	simm.s32 $0x9;
	_ =	strace $0x80000048  }
0xb4: {  	_ =	swait.ge [sflag:s29], $0x1  }
0xb5: {  	[sflag:s29] =	ssyncadd.s32 $0xFFFFFFFF  }
0xb6: {  	_ =	strace $0x90000048  }
0xb7: {  	_ =	sfence  }
0xb8: {  	s30 =	sld [smem:$0x0];
	_ =	sdelay $0x2  }
0xb9: {  	s31 =	sshll.u32 s1, $0xD;
	s1 =	sshrl.u32 s1, $0x2  }
0xba: {  	s3 =	sand.u32 $0x4000, s31;
	s1 =	sadd.s32 s1, s30  }
0xbb: {  	s0 =	sor.u32 s3, s0;
	s1 =	sshll.u32 s1, $0x11  }
0xbc: {  	s0 =	sor.u32 s1, s0  }
0xbd: {  	s0 =	sadd.s32 $0x8F2B, s0  }
0xbe: {  	[sflag:s0] =	ssyncadd.remote.s32 $0x1  }
0xbf: {  	_ =	sfence.sel $0xFFFF  }
0xc0: {  	[dreg:$0x0] =	wrdreg $0xFFFFFFFF;
	(pc) =	sbr.abs _section_cstart, $3  }
0xc1: {  	[dreg:$0x1] =	wrdreg $0xFFFFFFFF  }
0xc2: {  	_ =	task.clear_ibuf [dreg:s7], $0x2FFFF;
	_ =	strace $0x9FFFFFFF  }
0xc3: {  	(tm) =	ssettm $0x7FFFFFFF  }
tec
execute0_lowered:
.L_overlay_start_1:
0x0: {  	(tag) =	ssettag $0x1  }
0x1: {  	s0 =	rddreg [dreg:$0x0]  }
0x2: {  	s2 =	rddreg [dreg:$0x1]  }
0x3: {  	s3 =	srdreg.scid;
	s5 =	stileid.u32  }
0x4: {  	s1 =	rddreg [dreg:$0x2];
	s6 =	simm.s32 $0x0;
	s28 =	simm.s32 $0x80  }
0x5: {  	s29 =	simm.s32 $0x2;
	s30 =	simm.s32 $0x3;
	s31 =	simm.s32 $0xE820  }
0x6: {  	s9 =	simm.s32 $0x9;
	s10 =	simm.s32 $0x8;
	s11 =	simm.s32 $0xA  }
0x7: {  	s12 =	simm.s32 $0xB;
	s3 =	sand.u32 $0x1, s3;
	s4 =	sshll.u32 s5, $0x1  }
0x8: {  	s13 =	simm.s32 $0x0;
	s21 =	smul.u32 $0x64000, s5;
	s4 =	sor.u32 s3, s4  }
0x9: {  	[smem:$0x7FF] =	sst s6;
	s17 =	sadd.s32 $0xA00, s0;
	s16 =	smul.u32 $0xD00, s4  }
0xa: {  	_ =	strace $0x80000047;
	[dreg:$0x4] =	wrdreg s17;
	s7 =	smul.u32 $0x190000, s4  }
0xb: {  	s8 =	ssub.s32 $0x2, s3;
	s4 =	sadd.s32 $0x1B200, s0;
	s6 =	sadd.s32 s16, s0  }
0xc: {  	s18 =	sshrl.u32 s8, $0x1;
	s7 =	sshrl.u32 s7, $0x3;
	s6 =	sadd.s32 $0x1200, s6  }
0xd: {  	s0 =	ssub.s32 s8, s18;
	s7 =	sadd.s32 s2, s7;
	[dreg:$0x5] =	wrdreg s6  }
0xe: {  	p0 =	sne.s32 s5, $0x0;
	s0 =	smax.u32 s0, $0x1;
	[dreg:$0x6] =	wrdreg s7  }
0xf: {  	s5 =	simm.s32 $0x7;
	s19 =	sadd.s32 $0x8, s7;
	[dreg:$0xe] =	wrdreg s0  }
0x10: {  	s3 =	smul.u32 $0x32000, s3;
	s20 =	sadd.s32 $0x640, s7;
	[dreg:$0x7] =	wrdreg s19  }
0x11: {  	s17 =	simm.s32 $0xC;
	s22 =	sadd.s32 $0x648, s7;
	[dreg:$0x8] =	wrdreg s20  }
0x12: {  	s8 =	simm.s32 $0x11A20;
	s23 =	sadd.s32 $0xC80, s7;
	[dreg:$0x9] =	wrdreg s22  }
0x13: {  	s2 =	sadd.s32 s21, s2;
	s24 =	sadd.s32 $0xC88, s7;
	[dreg:$0xa] =	wrdreg s23  }
0x14: {  	s21 =	simm.s32 $0x64;
	s25 =	sadd.s32 $0x319C0, s7;
	[dreg:$0xb] =	wrdreg s24  }
0x15: {  	s26 =	sadd.s32 $0x319C8, s7;
	s2 =	sadd.s32 s3, s2;
	[dreg:$0xc] =	wrdreg s25  }
0x16: {  	s0 =	sshrl.u32 @!p0 s1, $0x3;
	s3 =	simm.s32 $0x10120;
	[dreg:$0xd] =	wrdreg s26  }
0x17: {  	s7 =	simm.s32 $0x4;
	s15 =	sadd.s32 $0x12C8, s2;
	[dreg:$0xf] =	wrdreg s0  }
0x18: {  	s19 =	simm.s32 $0x6B20;
	s20 =	simm.s32 $0x1;
	s23 =	simm.s32 $0x8420  }
0x19: {  	s24 =	simm.s32 $0x9D20;
	s25 =	simm.s32 $0x5;
	s26 =	simm.s32 $0x40  }
0x1a: {  	s0 =	simm.s32 $0xB620;
	s2 =	simm.s32 $0xCF20;
	s22 =	simm.s32 $0x6  }
.LBB2_1:
0x1b: {  	s14 =	rddreg [dreg:$0x4]  }
0x1c: {  	s6 =	simm.s32 @!p0 $0x1C0D;
	s16 =	rddreg [dreg:$0xf]  }
0x1d: {  	[spmem:s16], [sflag:s6] =	dma.local @!p0 [hbm:s14], $0x640  }
0x1e: {  	s6 =	simm.s32 @!p0 $0xD  }
0x1f: {  	_ =	swait.ge @!p0 [sflag:s6], $0x640  }
0x20: {  	s14 =	simm.s32 $0x0;
	[sflag:s6] =	ssyncset.done @!p0 $0x0  }
0x21: {  	s16 =	simm.s32 $0x320;
	s18 =	rddreg [dreg:$0x5];
	[sflag:s6] =	ssyncadd.s32 @!p0 $0xFFFFF9C0  }
0x22: {  	[tilespmem:s16], [sflag:$0xD] =	stream.linear.gather [hbm4b:s18+s14], $0x6800, $0x38;
	[tilespmem:$0x13320] =	vst v63  }
0x23: {  	s18 =	simm.s32 $0xD  }
0x24: {  	_ =	swait.ge [sflag:s18], $0x6800  }
0x25: {  	[sflag:s18] =	ssyncset.done $0x0  }
0x26: {  	[sflag:s18] =	ssyncadd.s32 $0xFFFF9800  }
0x27: {  	[bflag:$0x0] =	sbarrier.arrive $0xFFFF  }
0x28: {  	[tilespmem:s19], [sflag:$0x1] =	stream.linear.gather [spmem:s1], $0x3200, $0x38;
	[tilespmem:$0x13320] =	vst v63  }
0x29: {  	_ =	swait.ge [sflag:s20], $0x3200  }
0x2a: {  	[sflag:s20] =	ssyncset.done $0x0  }
0x2b: {  	[sflag:s20] =	ssyncadd.s32 $0xFFFFCE00  }
0x2c: {  	[tilespmem:s19], [sflag:$0x5] =	stream.indirect.gather.add.f32 [hbm:s4], $0x40, s16, s21, $0xb8;
	[tilespmem:$0x13320] =	vst v63  }
0x2d: {  	s14 =	simm.s32 $0x388  }
0x2e: {  	[tilespmem:s23], [sflag:$0x5] =	stream.indirect.gather.add.f32 [hbm:s4], $0x40, s14, s21, $0xb8;
	[tilespmem:$0x13320] =	vst v63  }
0x2f: {  	_ = 	snop  }
0x30: {  	[tilespmem:s24], [sflag:$0x2] =	stream.linear.gather [spmem:s1], $0x3200, $0x38;
	[tilespmem:$0x13320] =	vst v63  }
0x31: {  	_ =	swait.ge [sflag:s25], $0x1900  }
0x32: {  	[sflag:s25] =	ssyncset.done $0x0  }
0x33: {  	[sflag:s25] =	ssyncadd.s32 $0xFFFFE700  }
0x34: {  	_ =	swait.ge [sflag:s25], $0x1900  }
0x35: {  	[sflag:s25] =	ssyncset.done $0x0  }
0x36: {  	s16 =	rddreg [dreg:$0x6];
	[sflag:s25] =	ssyncadd.s32 $0xFFFFE700  }
0x37: {  	[hbm4b:s16+s26] =	stream.strided.scatter [tilespmem:s19], [sflag:$0x9], $0x1900, s28, s26, $0x38;
	[tilespmem:$0x13320] =	vst v63  }
0x38: {  	s18 =	rddreg [dreg:$0x7]  }
0x39: {  	[hbm4b:s18+s26] =	stream.strided.scatter [tilespmem:s23], [sflag:$0x9], $0x1900, s28, s26, $0x38;
	[tilespmem:$0x13320] =	vst v63  }
0x3a: {  	_ =	swait.ge [sflag:s29], $0x3200  }
0x3b: {  	[sflag:s29] =	ssyncset.done $0x0  }
0x3c: {  	s14 =	simm.s32 $0x3F0;
	[sflag:s29] =	ssyncadd.s32 $0xFFFFCE00  }
0x3d: {  	[tilespmem:s24], [sflag:$0x6] =	stream.indirect.gather.add.f32 [hbm:s4], $0x40, s14, s21, $0xb8;
	[tilespmem:$0x13320] =	vst v63  }
0x3e: {  	s16 =	simm.s32 $0x458  }
0x3f: {  	[tilespmem:s0], [sflag:$0x6] =	stream.indirect.gather.add.f32 [hbm:s4], $0x40, s16, s21, $0xb8;
	[tilespmem:$0x13320] =	vst v63  }
0x40: {  	_ = 	snop  }
0x41: {  	[tilespmem:s2], [sflag:$0x3] =	stream.linear.gather [spmem:s1], $0x3200, $0x38;
	[tilespmem:$0x13320] =	vst v63  }
0x42: {  	_ =	swait.ge [sflag:s22], $0x1900  }
0x43: {  	[sflag:s22] =	ssyncset.done $0x0  }
0x44: {  	[sflag:s22] =	ssyncadd.s32 $0xFFFFE700  }
0x45: {  	_ =	swait.ge [sflag:s22], $0x1900  }
0x46: {  	[sflag:s22] =	ssyncset.done $0x0  }
0x47: {  	s18 =	rddreg [dreg:$0x8];
	[sflag:s22] =	ssyncadd.s32 $0xFFFFE700  }
0x48: {  	[hbm4b:s18+s26] =	stream.strided.scatter [tilespmem:s24], [sflag:$0xA], $0x1900, s28, s26, $0x38;
	[tilespmem:$0x13320] =	vst v63  }
0x49: {  	s14 =	rddreg [dreg:$0x9]  }
0x4a: {  	[hbm4b:s14+s26] =	stream.strided.scatter [tilespmem:s0], [sflag:$0xA], $0x1900, s28, s26, $0x38;
	[tilespmem:$0x13320] =	vst v63  }
0x4b: {  	_ =	swait.ge [sflag:s30], $0x3200  }
0x4c: {  	[sflag:s30] =	ssyncset.done $0x0  }
0x4d: {  	s16 =	simm.s32 $0x4C0;
	[sflag:s30] =	ssyncadd.s32 $0xFFFFCE00  }
0x4e: {  	[tilespmem:s2], [sflag:$0x7] =	stream.indirect.gather.add.f32 [hbm:s4], $0x40, s16, s21, $0xb8;
	[tilespmem:$0x13320] =	vst v63  }
0x4f: {  	s18 =	simm.s32 $0x528  }
0x50: {  	[tilespmem:s31], [sflag:$0x7] =	stream.indirect.gather.add.f32 [hbm:s4], $0x40, s18, s21, $0xb8;
	[tilespmem:$0x13320] =	vst v63  }
0x51: {  	_ = 	snop  }
0x52: {  	[tilespmem:s3], [sflag:$0x4] =	stream.linear.gather [spmem:s1], $0x3200, $0x38;
	[tilespmem:$0x13320] =	vst v63  }
0x53: {  	_ =	swait.ge [sflag:s5], $0x1900  }
0x54: {  	[sflag:s5] =	ssyncset.done $0x0  }
0x55: {  	[sflag:s5] =	ssyncadd.s32 $0xFFFFE700  }
0x56: {  	_ =	swait.ge [sflag:s5], $0x1900  }
0x57: {  	[sflag:s5] =	ssyncset.done $0x0  }
0x58: {  	s14 =	rddreg [dreg:$0xa];
	[sflag:s5] =	ssyncadd.s32 $0xFFFFE700  }
0x59: {  	[hbm4b:s14+s26] =	stream.strided.scatter [tilespmem:s2], [sflag:$0xB], $0x1900, s28, s26, $0x38;
	[tilespmem:$0x13320] =	vst v63  }
0x5a: {  	s16 =	rddreg [dreg:$0xb]  }
0x5b: {  	[hbm4b:s16+s26] =	stream.strided.scatter [tilespmem:s31], [sflag:$0xB], $0x1900, s28, s26, $0x38;
	[tilespmem:$0x13320] =	vst v63  }
0x5c: {  	_ =	swait.ge [sflag:s7], $0x3200  }
0x5d: {  	[sflag:s7] =	ssyncset.done $0x0  }
0x5e: {  	s18 =	simm.s32 $0x590;
	[sflag:s7] =	ssyncadd.s32 $0xFFFFCE00  }
0x5f: {  	[tilespmem:s3], [sflag:$0x8] =	stream.indirect.gather.add.f32 [hbm:s4], $0x40, s18, s21, $0xb8;
	[tilespmem:$0x13320] =	vst v63  }
0x60: {  	s14 =	simm.s32 $0x5F8  }
0x61: {  	[tilespmem:s8], [sflag:$0x8] =	stream.indirect.gather.add.f32 [hbm:s4], $0x40, s14, s21, $0xb8;
	[tilespmem:$0x13320] =	vst v63  }
0x62: {  	_ =	swait.ge [sflag:s9], $0x1900  }
0x63: {  	[sflag:s9] =	ssyncset.done $0x0  }
0x64: {  	[sflag:s9] =	ssyncadd.s32 $0xFFFFE700  }
0x65: {  	_ =	swait.ge [sflag:s9], $0x1900  }
0x66: {  	[sflag:s9] =	ssyncset.done $0x0  }
0x67: {  	[sflag:s9] =	ssyncadd.s32 $0xFFFFE700  }
0x68: {  	[tilespmem:s19], [sflag:$0x1] =	stream.linear.gather [spmem:s1], $0x3200, $0x38;
	[tilespmem:$0x13320] =	vst v63  }
0x69: {  	_ =	swait.ge [sflag:s10], $0x1900  }
0x6a: {  	[sflag:s10] =	ssyncset.done $0x0  }
0x6b: {  	[sflag:s10] =	ssyncadd.s32 $0xFFFFE700  }
0x6c: {  	_ =	swait.ge [sflag:s10], $0x1900  }
0x6d: {  	[sflag:s10] =	ssyncset.done $0x0  }
0x6e: {  	s16 =	sadd.s32 $0xFFFFFFF8, s15;
	[sflag:s10] =	ssyncadd.s32 $0xFFFFE700  }
0x6f: {  	[hbm4b:s16+s26] =	stream.strided.scatter [tilespmem:s3], [sflag:$0xC], $0x1900, s28, s26, $0x38;
	[tilespmem:$0x13320] =	vst v63  }
0x70: {  	_ = 	snop  }
0x71: {  	[hbm4b:s15+s26] =	stream.strided.scatter [tilespmem:s8], [sflag:$0xC], $0x1900, s28, s26, $0x38;
	[tilespmem:$0x13320] =	vst v63  }
0x72: {  	_ =	swait.ge [sflag:s20], $0x3200  }
0x73: {  	[sflag:s20] =	ssyncset.done $0x0  }
0x74: {  	s18 =	simm.s32 $0x660;
	[sflag:s20] =	ssyncadd.s32 $0xFFFFCE00  }
0x75: {  	[tilespmem:s19], [sflag:$0x5] =	stream.indirect.gather.add.f32 [hbm:s4], $0x40, s18, s21, $0xb8;
	[tilespmem:$0x13320] =	vst v63  }
0x76: {  	s14 =	simm.s32 $0x6C8  }
0x77: {  	[tilespmem:s23], [sflag:$0x5] =	stream.indirect.gather.add.f32 [hbm:s4], $0x40, s14, s21, $0xb8;
	[tilespmem:$0x13320] =	vst v63  }
0x78: {  	_ =	swait.ge [sflag:s11], $0x1900  }
0x79: {  	[sflag:s11] =	ssyncset.done $0x0  }
0x7a: {  	[sflag:s11] =	ssyncadd.s32 $0xFFFFE700  }
0x7b: {  	_ =	swait.ge [sflag:s11], $0x1900  }
0x7c: {  	[sflag:s11] =	ssyncset.done $0x0  }
0x7d: {  	[sflag:s11] =	ssyncadd.s32 $0xFFFFE700  }
0x7e: {  	[tilespmem:s24], [sflag:$0x2] =	stream.linear.gather [spmem:s1], $0x3200, $0x38;
	[tilespmem:$0x13320] =	vst v63  }
0x7f: {  	_ =	swait.ge [sflag:s25], $0x1900  }
0x80: {  	[sflag:s25] =	ssyncset.done $0x0  }
0x81: {  	[sflag:s25] =	ssyncadd.s32 $0xFFFFE700  }
0x82: {  	_ =	swait.ge [sflag:s25], $0x1900  }
0x83: {  	[sflag:s25] =	ssyncset.done $0x0  }
0x84: {  	s16 =	sadd.s32 $0x638, s15;
	[sflag:s25] =	ssyncadd.s32 $0xFFFFE700  }
0x85: {  	[hbm4b:s16+s26] =	stream.strided.scatter [tilespmem:s19], [sflag:$0x9], $0x1900, s28, s26, $0x38;
	[tilespmem:$0x13320] =	vst v63  }
0x86: {  	s18 =	sadd.s32 $0x640, s15  }
0x87: {  	[hbm4b:s18+s26] =	stream.strided.scatter [tilespmem:s23], [sflag:$0x9], $0x1900, s28, s26, $0x38;
	[tilespmem:$0x13320] =	vst v63  }
0x88: {  	_ =	swait.ge [sflag:s29], $0x3200  }
0x89: {  	[sflag:s29] =	ssyncset.done $0x0  }
0x8a: {  	s14 =	simm.s32 $0x730;
	[sflag:s29] =	ssyncadd.s32 $0xFFFFCE00  }
0x8b: {  	[tilespmem:s24], [sflag:$0x6] =	stream.indirect.gather.add.f32 [hbm:s4], $0x40, s14, s21, $0xb8;
	[tilespmem:$0x13320] =	vst v63  }
0x8c: {  	s16 =	simm.s32 $0x798  }
0x8d: {  	[tilespmem:s0], [sflag:$0x6] =	stream.indirect.gather.add.f32 [hbm:s4], $0x40, s16, s21, $0xb8;
	[tilespmem:$0x13320] =	vst v63  }
0x8e: {  	_ =	swait.ge [sflag:s12], $0x1900  }
0x8f: {  	[sflag:s12] =	ssyncset.done $0x0  }
0x90: {  	[sflag:s12] =	ssyncadd.s32 $0xFFFFE700  }
0x91: {  	_ =	swait.ge [sflag:s12], $0x1900  }
0x92: {  	[sflag:s12] =	ssyncset.done $0x0  }
0x93: {  	[sflag:s12] =	ssyncadd.s32 $0xFFFFE700  }
0x94: {  	[tilespmem:s2], [sflag:$0x3] =	stream.linear.gather [spmem:s1], $0x3200, $0x38;
	[tilespmem:$0x13320] =	vst v63  }
0x95: {  	_ =	swait.ge [sflag:s22], $0x1900  }
0x96: {  	[sflag:s22] =	ssyncset.done $0x0  }
0x97: {  	[sflag:s22] =	ssyncadd.s32 $0xFFFFE700  }
0x98: {  	_ =	swait.ge [sflag:s22], $0x1900  }
0x99: {  	[sflag:s22] =	ssyncset.done $0x0  }
0x9a: {  	s18 =	sadd.s32 $0xC78, s15;
	[sflag:s22] =	ssyncadd.s32 $0xFFFFE700  }
0x9b: {  	[hbm4b:s18+s26] =	stream.strided.scatter [tilespmem:s24], [sflag:$0xA], $0x1900, s28, s26, $0x38;
	[tilespmem:$0x13320] =	vst v63  }
0x9c: {  	s14 =	sadd.s32 $0xC80, s15  }
0x9d: {  	[hbm4b:s14+s26] =	stream.strided.scatter [tilespmem:s0], [sflag:$0xA], $0x1900, s28, s26, $0x38;
	[tilespmem:$0x13320] =	vst v63  }
0x9e: {  	_ =	swait.ge [sflag:s30], $0x3200  }
0x9f: {  	[sflag:s30] =	ssyncset.done $0x0  }
0xa0: {  	s16 =	simm.s32 $0x800;
	[sflag:s30] =	ssyncadd.s32 $0xFFFFCE00  }
0xa1: {  	[tilespmem:s2], [sflag:$0x7] =	stream.indirect.gather.add.f32 [hbm:s4], $0x40, s16, s21, $0xb8;
	[tilespmem:$0x13320] =	vst v63  }
0xa2: {  	s18 =	simm.s32 $0x868  }
0xa3: {  	[tilespmem:s31], [sflag:$0x7] =	stream.indirect.gather.add.f32 [hbm:s4], $0x40, s18, s21, $0xb8;
	[tilespmem:$0x13320] =	vst v63  }
0xa4: {  	_ =	swait.ge [sflag:s17], $0x1900  }
0xa5: {  	[sflag:s17] =	ssyncset.done $0x0  }
0xa6: {  	[sflag:s17] =	ssyncadd.s32 $0xFFFFE700  }
0xa7: {  	_ =	swait.ge [sflag:s17], $0x1900  }
0xa8: {  	[sflag:s17] =	ssyncset.done $0x0  }
0xa9: {  	[sflag:s17] =	ssyncadd.s32 $0xFFFFE700  }
0xaa: {  	[tilespmem:s3], [sflag:$0x4] =	stream.linear.gather [spmem:s1], $0x3200, $0x38;
	[tilespmem:$0x13320] =	vst v63  }
0xab: {  	_ =	swait.ge [sflag:s5], $0x1900  }
0xac: {  	[sflag:s5] =	ssyncset.done $0x0  }
0xad: {  	[sflag:s5] =	ssyncadd.s32 $0xFFFFE700  }
0xae: {  	_ =	swait.ge [sflag:s5], $0x1900  }
0xaf: {  	[sflag:s5] =	ssyncset.done $0x0  }
0xb0: {  	s14 =	sadd.s32 $0x12B8, s15;
	[sflag:s5] =	ssyncadd.s32 $0xFFFFE700  }
0xb1: {  	[hbm4b:s14+s26] =	stream.strided.scatter [tilespmem:s2], [sflag:$0xB], $0x1900, s28, s26, $0x38;
	[tilespmem:$0x13320] =	vst v63  }
0xb2: {  	s16 =	sadd.s32 $0x12C0, s15  }
0xb3: {  	[hbm4b:s16+s26] =	stream.strided.scatter [tilespmem:s31], [sflag:$0xB], $0x1900, s28, s26, $0x38;
	[tilespmem:$0x13320] =	vst v63  }
0xb4: {  	_ =	swait.ge [sflag:s7], $0x3200  }
0xb5: {  	s6 =	simm.s32 $0x938;
	s18 =	simm.s32 $0x8D0;
	[sflag:s7] =	ssyncset.done $0x0  }
0xb6: {  	s14 =	simm.s32 $0xD00;
	s16 =	sadd.s32 $0x1900, s15;
	[sflag:s7] =	ssyncadd.s32 $0xFFFFCE00  }
0xb7: {  	[tilespmem:s3], [sflag:$0x8] =	stream.indirect.gather.add.f32 [hbm:s4], $0x40, s18, s21, $0xb8;
	[tilespmem:$0x13320] =	vst v63  }
.LBB2_2:
0xb8: {  	[tilespmem:s8], [sflag:$0x8] =	stream.indirect.gather.add.f32 [hbm:s4], $0x40, s6, s21, $0xb8;
	[tilespmem:$0x13320] =	vst v63  }
0xb9: {  	s6 =	smov.u32 s14  }
0xba: {  	p1 =	sne.s32 s14, $0x18600;
	s14 =	sadd.s32 $0xD00, s14;
	_ =	swait.ge [sflag:s9], $0x1900  }
0xbb: {  	[sflag:s9] =	ssyncset.done $0x0  }
0xbc: {  	[sflag:s9] =	ssyncadd.s32 $0xFFFFE700  }
0xbd: {  	_ =	swait.ge [sflag:s9], $0x1900  }
0xbe: {  	[sflag:s9] =	ssyncset.done $0x0  }
0xbf: {  	[sflag:s9] =	ssyncadd.s32 $0xFFFFE700  }
0xc0: {  	[tilespmem:s19], [sflag:$0x1] =	stream.linear.gather [spmem:s1], $0x3200, $0x38;
	[tilespmem:$0x13320] =	vst v63  }
0xc1: {  	_ =	swait.ge [sflag:s10], $0x1900  }
0xc2: {  	[sflag:s10] =	ssyncset.done $0x0  }
0xc3: {  	[sflag:s10] =	ssyncadd.s32 $0xFFFFE700  }
0xc4: {  	_ =	swait.ge [sflag:s10], $0x1900  }
0xc5: {  	[sflag:s10] =	ssyncset.done $0x0  }
0xc6: {  	s18 =	sadd.s32 $0xFFFFFFF8, s16;
	[sflag:s10] =	ssyncadd.s32 $0xFFFFE700  }
0xc7: {  	[hbm4b:s18+s26] =	stream.strided.scatter [tilespmem:s3], [sflag:$0xC], $0x1900, s28, s26, $0x38;
	[tilespmem:$0x13320] =	vst v63  }
0xc8: {  	_ = 	snop  }
0xc9: {  	[hbm4b:s16+s26] =	stream.strided.scatter [tilespmem:s8], [sflag:$0xC], $0x1900, s28, s26, $0x38;
	[tilespmem:$0x13320] =	vst v63  }
0xca: {  	_ =	swait.ge [sflag:s20], $0x3200  }
0xcb: {  	s6 =	sshra.s32 s6, $0x2;
	[sflag:s20] =	ssyncset.done $0x0  }
0xcc: {  	s18 =	sadd.s32 $0x660, s6;
	[sflag:s20] =	ssyncadd.s32 $0xFFFFCE00  }
0xcd: {  	[tilespmem:s19], [sflag:$0x5] =	stream.indirect.gather.add.f32 [hbm:s4], $0x40, s18, s21, $0xb8;
	[tilespmem:$0x13320] =	vst v63  }
0xce: {  	s18 =	sadd.s32 $0x6C8, s6  }
0xcf: {  	[tilespmem:s23], [sflag:$0x5] =	stream.indirect.gather.add.f32 [hbm:s4], $0x40, s18, s21, $0xb8;
	[tilespmem:$0x13320] =	vst v63  }
0xd0: {  	_ =	swait.ge [sflag:s11], $0x1900  }
0xd1: {  	[sflag:s11] =	ssyncset.done $0x0  }
0xd2: {  	[sflag:s11] =	ssyncadd.s32 $0xFFFFE700  }
0xd3: {  	_ =	swait.ge [sflag:s11], $0x1900  }
0xd4: {  	[sflag:s11] =	ssyncset.done $0x0  }
0xd5: {  	[sflag:s11] =	ssyncadd.s32 $0xFFFFE700  }
0xd6: {  	[tilespmem:s24], [sflag:$0x2] =	stream.linear.gather [spmem:s1], $0x3200, $0x38;
	[tilespmem:$0x13320] =	vst v63  }
0xd7: {  	_ =	swait.ge [sflag:s25], $0x1900  }
0xd8: {  	[sflag:s25] =	ssyncset.done $0x0  }
0xd9: {  	[sflag:s25] =	ssyncadd.s32 $0xFFFFE700  }
0xda: {  	_ =	swait.ge [sflag:s25], $0x1900  }
0xdb: {  	[sflag:s25] =	ssyncset.done $0x0  }
0xdc: {  	s18 =	sadd.s32 $0x638, s16;
	[sflag:s25] =	ssyncadd.s32 $0xFFFFE700  }
0xdd: {  	[hbm4b:s18+s26] =	stream.strided.scatter [tilespmem:s19], [sflag:$0x9], $0x1900, s28, s26, $0x38;
	[tilespmem:$0x13320] =	vst v63  }
0xde: {  	s18 =	sadd.s32 $0x640, s16  }
0xdf: {  	[hbm4b:s18+s26] =	stream.strided.scatter [tilespmem:s23], [sflag:$0x9], $0x1900, s28, s26, $0x38;
	[tilespmem:$0x13320] =	vst v63  }
0xe0: {  	_ =	swait.ge [sflag:s29], $0x3200  }
0xe1: {  	[sflag:s29] =	ssyncset.done $0x0  }
0xe2: {  	s18 =	sadd.s32 $0x730, s6;
	[sflag:s29] =	ssyncadd.s32 $0xFFFFCE00  }
0xe3: {  	[tilespmem:s24], [sflag:$0x6] =	stream.indirect.gather.add.f32 [hbm:s4], $0x40, s18, s21, $0xb8;
	[tilespmem:$0x13320] =	vst v63  }
0xe4: {  	s18 =	sadd.s32 $0x798, s6  }
0xe5: {  	[tilespmem:s0], [sflag:$0x6] =	stream.indirect.gather.add.f32 [hbm:s4], $0x40, s18, s21, $0xb8;
	[tilespmem:$0x13320] =	vst v63  }
0xe6: {  	_ =	swait.ge [sflag:s12], $0x1900  }
0xe7: {  	[sflag:s12] =	ssyncset.done $0x0  }
0xe8: {  	[sflag:s12] =	ssyncadd.s32 $0xFFFFE700  }
0xe9: {  	_ =	swait.ge [sflag:s12], $0x1900  }
0xea: {  	[sflag:s12] =	ssyncset.done $0x0  }
0xeb: {  	[sflag:s12] =	ssyncadd.s32 $0xFFFFE700  }
0xec: {  	[tilespmem:s2], [sflag:$0x3] =	stream.linear.gather [spmem:s1], $0x3200, $0x38;
	[tilespmem:$0x13320] =	vst v63  }
0xed: {  	_ =	swait.ge [sflag:s22], $0x1900  }
0xee: {  	[sflag:s22] =	ssyncset.done $0x0  }
0xef: {  	[sflag:s22] =	ssyncadd.s32 $0xFFFFE700  }
0xf0: {  	_ =	swait.ge [sflag:s22], $0x1900  }
0xf1: {  	[sflag:s22] =	ssyncset.done $0x0  }
0xf2: {  	s18 =	sadd.s32 $0xC78, s16;
	[sflag:s22] =	ssyncadd.s32 $0xFFFFE700  }
0xf3: {  	[hbm4b:s18+s26] =	stream.strided.scatter [tilespmem:s24], [sflag:$0xA], $0x1900, s28, s26, $0x38;
	[tilespmem:$0x13320] =	vst v63  }
0xf4: {  	s18 =	sadd.s32 $0xC80, s16  }
0xf5: {  	[hbm4b:s18+s26] =	stream.strided.scatter [tilespmem:s0], [sflag:$0xA], $0x1900, s28, s26, $0x38;
	[tilespmem:$0x13320] =	vst v63  }
0xf6: {  	_ =	swait.ge [sflag:s30], $0x3200  }
0xf7: {  	[sflag:s30] =	ssyncset.done $0x0  }
0xf8: {  	s18 =	sadd.s32 $0x800, s6;
	[sflag:s30] =	ssyncadd.s32 $0xFFFFCE00  }
0xf9: {  	[tilespmem:s2], [sflag:$0x7] =	stream.indirect.gather.add.f32 [hbm:s4], $0x40, s18, s21, $0xb8;
	[tilespmem:$0x13320] =	vst v63  }
0xfa: {  	s18 =	sadd.s32 $0x868, s6  }
0xfb: {  	[tilespmem:s31], [sflag:$0x7] =	stream.indirect.gather.add.f32 [hbm:s4], $0x40, s18, s21, $0xb8;
	[tilespmem:$0x13320] =	vst v63  }
0xfc: {  	_ =	swait.ge [sflag:s17], $0x1900  }
0xfd: {  	[sflag:s17] =	ssyncset.done $0x0  }
0xfe: {  	[sflag:s17] =	ssyncadd.s32 $0xFFFFE700  }
0xff: {  	_ =	swait.ge [sflag:s17], $0x1900  }
0x100: {  	[sflag:s17] =	ssyncset.done $0x0  }
0x101: {  	[sflag:s17] =	ssyncadd.s32 $0xFFFFE700  }
0x102: {  	[tilespmem:s3], [sflag:$0x4] =	stream.linear.gather [spmem:s1], $0x3200, $0x38;
	[tilespmem:$0x13320] =	vst v63  }
0x103: {  	_ =	swait.ge [sflag:s5], $0x1900  }
0x104: {  	[sflag:s5] =	ssyncset.done $0x0  }
0x105: {  	[sflag:s5] =	ssyncadd.s32 $0xFFFFE700  }
0x106: {  	_ =	swait.ge [sflag:s5], $0x1900  }
0x107: {  	[sflag:s5] =	ssyncset.done $0x0  }
0x108: {  	s18 =	sadd.s32 $0x12B8, s16;
	[sflag:s5] =	ssyncadd.s32 $0xFFFFE700  }
0x109: {  	[hbm4b:s18+s26] =	stream.strided.scatter [tilespmem:s2], [sflag:$0xB], $0x1900, s28, s26, $0x38;
	[tilespmem:$0x13320] =	vst v63  }
0x10a: {  	s18 =	sadd.s32 $0x12C0, s16  }
0x10b: {  	[hbm4b:s18+s26] =	stream.strided.scatter [tilespmem:s31], [sflag:$0xB], $0x1900, s28, s26, $0x38;
	[tilespmem:$0x13320] =	vst v63  }
.Ltmp0:
0x10c: {  	_ =	swait.ge [sflag:s7], $0x3200;
	(pc) =	sbr.rel @p1 .LBB2_2-.Ltmp0, $4  }
0x10d: {  	[sflag:s7] =	ssyncset.done $0x0  }
0x10e: {  	s18 =	sadd.s32 $0x8D0, s6;
	[sflag:s7] =	ssyncadd.s32 $0xFFFFCE00  }
0x10f: {  	[tilespmem:s3], [sflag:$0x8] =	stream.indirect.gather.add.f32 [hbm:s4], $0x40, s18, s21, $0xb8;
	[tilespmem:$0x13320] =	vst v63  }
0x110: {  	s16 =	sadd.s32 $0x1900, s16;
	s6 =	sadd.s32 $0x938, s6  }
0x111: {  	[tilespmem:s8], [sflag:$0x8] =	stream.indirect.gather.add.f32 [hbm:s4], $0x40, s6, s21, $0xb8;
	[tilespmem:$0x13320] =	vst v63  }
0x112: {  	_ =	swait.ge [sflag:s10], $0x1900  }
0x113: {  	[sflag:s10] =	ssyncset.done $0x0  }
0x114: {  	[sflag:s10] =	ssyncadd.s32 $0xFFFFE700  }
0x115: {  	_ =	swait.ge [sflag:s10], $0x1900  }
0x116: {  	[sflag:s10] =	ssyncset.done $0x0  }
0x117: {  	s14 =	rddreg [dreg:$0xc];
	[sflag:s10] =	ssyncadd.s32 $0xFFFFE700  }
0x118: {  	[hbm4b:s14+s26] =	stream.strided.scatter [tilespmem:s3], [sflag:$0xC], $0x1900, s28, s26, $0x38;
	[tilespmem:$0x13320] =	vst v63  }
0x119: {  	s16 =	rddreg [dreg:$0xd]  }
0x11a: {  	[hbm4b:s16+s26] =	stream.strided.scatter [tilespmem:s8], [sflag:$0xC], $0x1900, s28, s26, $0x38;
	[tilespmem:$0x13320] =	vst v63  }
0x11b: {  	_ =	swait.ge [sflag:s9], $0x1900  }
0x11c: {  	[sflag:s9] =	ssyncset.done $0x0  }
0x11d: {  	[sflag:s9] =	ssyncadd.s32 $0xFFFFE700  }
0x11e: {  	_ =	swait.ge [sflag:s9], $0x1900  }
0x11f: {  	[sflag:s9] =	ssyncset.done $0x0  }
0x120: {  	[sflag:s9] =	ssyncadd.s32 $0xFFFFE700  }
0x121: {  	_ =	swait.ge [sflag:s11], $0x1900  }
0x122: {  	[sflag:s11] =	ssyncset.done $0x0  }
0x123: {  	[sflag:s11] =	ssyncadd.s32 $0xFFFFE700  }
0x124: {  	_ =	swait.ge [sflag:s11], $0x1900  }
0x125: {  	[sflag:s11] =	ssyncset.done $0x0  }
0x126: {  	[sflag:s11] =	ssyncadd.s32 $0xFFFFE700  }
0x127: {  	_ =	swait.ge [sflag:s12], $0x1900  }
0x128: {  	[sflag:s12] =	ssyncset.done $0x0  }
0x129: {  	[sflag:s12] =	ssyncadd.s32 $0xFFFFE700  }
0x12a: {  	_ =	swait.ge [sflag:s12], $0x1900  }
0x12b: {  	[sflag:s12] =	ssyncset.done $0x0  }
0x12c: {  	[sflag:s12] =	ssyncadd.s32 $0xFFFFE700  }
0x12d: {  	_ =	swait.ge [sflag:s17], $0x1900  }
0x12e: {  	[sflag:s17] =	ssyncset.done $0x0  }
0x12f: {  	[sflag:s17] =	ssyncadd.s32 $0xFFFFE700  }
0x130: {  	_ =	swait.ge [sflag:s17], $0x1900  }
0x131: {  	s13 =	sadd.s32 $0x1, s13;
	s18 =	rddreg [dreg:$0xe]  }
0x132: {  	p1 =	sne.s32 s13, s18  }
.Ltmp1:
0x133: {  	_ = 	snop;
	(pc) =	sbr.rel @p1 .LBB2_1-.Ltmp1, $3  }
0x134: {  	_ =	sdelay $0x1  }
0x135: {  	[sflag:s17] =	ssyncset.done $0x0  }
0x136: {  	[sflag:s17] =	ssyncadd.s32 $0xFFFFE700  }
0x137: {  	_ =	sfence.sel $0x180000  }
0x138: {  	[bflag:$0x0] =	sbarrier.arrive $0xFFFF  }
0x139: {  	_ =	strace $0x90000047  }
0x13a: {  	[bflag:$0x2] =	sbarrier.arrive $0xFFFF  }
0x13b: {  	s0 =	rddreg [dreg:$0x3]  }
0x13c: {  	s0 =	sadd.s32 @!p0 $0x100000, s0  }
0x13d: {  	[sflag:s0] =	ssyncadd.tile.s32 @!p0 $0x1;
	_ =	shalt  }
.Lfunc_end2:
_tile_overlayer_lowered:
.L_overlay_start_2:
0x13e: {  	(tag) =	ssettag $0x2  }
0x13f: {  	s0 =	rddreg [dreg:$0x0];
	s2 =	stileid.u32  }
0x140: {  	s1 =	rddreg [dreg:$0x1];
	p0 =	sne.s32 s2, $0x0  }
0x141: {  	s3 =	rddreg [dreg:$0x2];
	[bflag:$0x3] =	sbarrier.arrive $0xFFFF;
	s2 =	simm.s32 @!p0 $0x1C0D  }
0x142: {  	[timem:s3], [sflag:s2] =	dma.local @!p0 [hbm:s0], s1  }
0x143: {  	s0 =	simm.s32 @!p0 $0xD  }
0x144: {  	_ =	swait.ge @!p0 [sflag:s0], s1  }
0x145: {  	s1 =	ssub.s32 @!p0 $0x0, s1;
	[sflag:s0] =	ssyncset.done @!p0 $0x0  }
0x146: {  	[sflag:s0] =	ssyncadd.s32 @!p0 s1  }
0x147: {  	[bflag:$0x3] =	sbarrier.arrive $0xFFFF  }
0x148: {  	_ =	shalt  }

// kernel: sparse-core-data-format-call.cloned.1.call-start
scs
called_computation_lowered:
.L_overlay_start_0:
0x0: {  	s2 =	sld [smem:$0x3FD9]  }
0x1: {  	s3 =	sld [smem:$0x3FFE];
	_ =	sdelay $0x1  }
0x2: {  	s1 =	srdreg.scid  }
0x3: {  	s0 =	sand.u32 $0x1, s1  }
0x4: {  	s18 =	sshll.u32 s0, $0xA;
	s2 =	sadd.s32 s3, s2  }
0x5: {  	s2 =	sadd.s32 s2, s18  }
0x6: {  	[smem:$0x3FC6] =	sst s2  }
0x7: {  	_ = 	snop  }
0x8: {  	s2 =	sld [smem:$0x3FD0];
	(tm) =	ssettm $0x1  }
0x9: {  	s19 =	sld [smem:$0x3FFB];
	_ =	sdelay $0x3  }
0xa: {  	_ =	strace s19  }
0xb: {  	s3 =	sld [smem:$0x3FFC];
	_ =	sdelay $0x3  }
0xc: {  	_ =	strace s3  }
0xd: {  	s3 =	sld [smem:$0x3FFD];
	_ =	sdelay $0x3  }
0xe: {  	_ =	strace s3  }
0xf: {  	_ =	strace $0x8FFFFFFF  }
0x10: {  	s20 =	sld [smem:$0x3FDB];
	_ =	sdelay $0x1  }
0x11: {  	s4 =	simm.s32 $_scs_section_size  }
0x12: {  	s5 =	simm.s32 $_size__tile_overlayer_lowered;
	s6 =	simm.s32 $_tile_overlayer_lowered  }
0x13: {  	s23 =	simm.s32 $0x1BFF;
	s22 =	sshll.u32 s6, $0x1;
	s3 =	sadd.s32 s4, s20  }
0x14: {  	s7 =	simm.s32 $0x0;
	s21 =	sshll.u32 s5, $0x1;
	s5 =	sadd.s32 s22, s3  }
0x15: {  	[timem:s7], [sflag:s23] =	dma.local [hbm:s5], s21  }
0x16: {  	_ =	swait.ge [sflag:s23], s21  }
0x17: {  	s4 =	ssub.s32 $0x0, s21;
	[sflag:s23] =	ssyncset.done $0x0  }
0x18: {  	[sflag:s23] =	ssyncadd.s32 s4;
	_ =	sdelay $0x1  }
0x19: {  	s24 =	simm.s32 $0x1B8B  }
0x1a: {  	_ =	swait.ge [sflag:s24], $0x1  }
0x1b: {  	[sflag:s24] =	ssyncset.done $0x0  }
0x1c: {  	s26 =	simm.s32 $0x1B8E;
	s25 =	sld [smem:$0x3FFE];
	[sflag:s24] =	ssyncadd.s32 $0xFFFFFFFF  }
0x1d: {  	s27 =	simm.s32 $execute0_lowered;
	[smem:$0x3FD2] =	sst s26  }
0x1e: {  	s5 =	sshll.u32 s27, $0x1;
	_ =	strace $0x80000049;
	[dreg:$0x1] =	wrdreg $0xFFFFFFFF  }
0x1f: {  	s28 =	simm.s32 $_size_execute0_lowered;
	s3 =	sadd.s32 s3, s5;
	[dreg:$0x0] =	wrdreg $0x0  }
0x20: {  	s5 =	sshll.u32 s28, $0x1;
	[dreg:$0x2] =	wrdreg s3  }
0x21: {  	[dreg:$0x3] =	wrdreg s5  }
0x22: {  	[dreg:$0x4] =	wrdreg $0xC0  }
0x23: {  	_ =	task [dreg:s7], $0x5FFFF  }
0x24: {  	[dreg:$0x1] =	wrdreg $0xFFFFFFFF  }
0x25: {  	[dreg:$0x0] =	wrdreg $0x60  }
0x26: {  	[dreg:$0x2] =	wrdreg s25  }
0x27: {  	[dreg:$0x3] =	wrdreg s2  }
0x28: {  	[dreg:$0x4] =	wrdreg $0x9  }
0x29: {  	_ =	task.clear_ibuf [dreg:s7], $0x5FFFF;
	_ =	strace $0x90000049  }
0x2a: {  	s29 =	simm.s32 $0x9;
	_ =	strace $0x8000004B  }
0x2b: {  	_ =	swait.ge [sflag:s29], $0x1  }
0x2c: {  	[sflag:s29] =	ssyncadd.s32 $0xFFFFFFFF  }
0x2d: {  	_ =	strace $0x9000004B  }
0x2e: {  	_ =	sfence  }
0x2f: {  	s30 =	sld [smem:$0x0];
	_ =	sdelay $0x2  }
0x30: {  	s31 =	sshll.u32 s1, $0xD;
	s1 =	sshrl.u32 s1, $0x2  }
0x31: {  	s3 =	sand.u32 $0x4000, s31;
	s1 =	sadd.s32 s1, s30  }
0x32: {  	s0 =	sor.u32 s3, s0;
	s1 =	sshll.u32 s1, $0x11  }
0x33: {  	s0 =	sor.u32 s1, s0  }
0x34: {  	s0 =	sadd.s32 $0x8F2B, s0  }
0x35: {  	[sflag:s0] =	ssyncadd.remote.s32 $0x1  }
0x36: {  	_ =	sfence.sel $0xFFFF  }
0x37: {  	[dreg:$0x0] =	wrdreg $0xFFFFFFFF;
	(pc) =	sbr.abs _section_cstart, $3  }
0x38: {  	[dreg:$0x1] =	wrdreg $0xFFFFFFFF  }
0x39: {  	_ =	task.clear_ibuf [dreg:s7], $0x2FFFF;
	_ =	strace $0x9FFFFFFF  }
0x3a: {  	(tm) =	ssettm $0x7FFFFFFF  }
0x3b: {  	_ =	shalt  }
tec
execute0_lowered:
.L_overlay_start_1:
0x0: {  	(tag) =	ssettag $0x1  }
0x1: {  	s0 =	srdreg.scid  }
0x2: {  	s1 =	sshll.u32 s0, $0x4  }
0x3: {  	s0 =	stileid.u32;
	s1 =	sand.u32 $0x10, s1  }
0x4: {  	s1 =	sor.u32 s0, s1  }
0x5: {  	s6 =	rddreg [dreg:$0x0];
	s4 =	simm.s32 $0x1;
	s2 =	sshll.u32 s1, $0x7  }
0x6: {  	s7 =	simm.s32 $0x2;
	s12 =	simm.s32 $0x0;
	s1 =	ssub.s32 $0x1000, s2  }
0x7: {  	s8 =	simm.s32 $0x8000;
	s13 =	simm.s32 $0x0;
	s3 =	sand.u32 $0xF80, s1  }
0x8: {  	s9 =	simm.s32 $0x0;
	s5 =	sshrl.u32 s1, $0xC;
	p0 =	sne.s32 s3, $0x0  }
.Ltmp0:
0x9: {  	s1 =	rddreg [dreg:$0x2];
	s4 =	simm.s32 @!p0 $0x0;
	(pc) =	sbr.rel .LBB1_1-.Ltmp0, $4  }
0xa: {  	s11 =	simm.s32 $0x0;
	s3 =	rddreg [dreg:$0x1];
	s5 =	sadd.s32 s4, s5  }
0xb: {  	_ =	strace $0x8000004A;
	s4 =	simm.s32 $0x1;
	s5 =	smul.u32 $0xC8, s5  }
0xc: {  	s6 =	sadd.s32 $0xA00, s6;
	s10 =	smov.u32 s2;
	[sflag:s4] =	ssyncpa.u1 $0x0  }
0xd: {  	p0 =	por $0x0, $0x0;
	[sflag:s7] =	ssyncpa.u1 $0x0;
	s7 =	sor.u32 $0x1, s5  }
.LBB1_4:
0xe: {  	s16 =	sshll.u32 s13, $0x3;
	s17 =	sand.u32 $0x78, s13  }
0xf: {  	s30 =	sand.u32 $0x7E00, s13;
	s12 =	sshll.u32 s12, $0xF;
	s16 =	sand.u32 $0xC00, s16  }
0x10: {  	[tilespmem:s15+$0x810 ss:$0x81] =	vst.msk $0xffff, v2;
	s31 =	sand.u32 $0x7, s13;
	s16 =	sor.u32 s17, s16;
	s17 =	sadd.s32 s3, s30  }
0x11: {  	[tilespmem:s15+$0x1020 ss:$0x81] =	vst.msk $0xffff, v0;
	s13 =	sshll.u32 s31, $0x12;
	s12 =	sadd.s32 s12, s17;
	s16 =	sshrl.u32 s16, $0x3  }
0x12: {  	[tilespmem:s15+$0x0 ss:$0x81] =	vst.msk $0xffff, v1;
	s13 =	sor.u32 $0x400, s13;
	s12 =	sadd.s32 s16, s12  }
0x13: {  	[hbm4b:s12+s13] =	stream.strided.scatter [tilespmem:s14], [sflag:$0x2], $0x2000, s8, s13, $0x20;
	[tilespmem:$0x8080] =	vst v63  }
.LBB1_5:
0x14: {  	s14 =	sadd.s32 $0x1, s9  }
0x15: {  	s12 =	sadd.s32 $0x1000, s10;
	s16 =	smov.u32 s10;
	p2 =	sgt.s32 s14, $0xC7  }
0x16: {  	s16 =	smov.u32 @p2 s12  }
0x17: {  	s14 =	simm.s32 @p2 $0x0;
	p2 =	sgt.s32 s16, $0xFFF  }
0x18: {  	s16 =	smov.u32 @p2 s2;
	p2 =	sne.s32 s11, s7  }
.Ltmp1:
0x19: {  	p1 =	slt.u32 s11, $0x2;
	(pc) =	sbr.rel @!p2 .LBB1_6-.Ltmp1, $4  }
0x1a: {  	s15 =	simm.s32 @!p1 $0x2  }
0x1b: {  	s13 =	smov.u32 s10;
	p0 =	por !p0, !p0;
	_ =	swait.ge @!p1 [sflag:s15], $0x2000  }
0x1c: {  	s12 =	smov.u32 s9;
	[sflag:s15] =	ssyncset.done @!p1 $0x0;
	s9 =	smov.u32 s14  }
0x1d: {  	s11 =	sadd.s32 $0x1, s11;
	[sflag:s15] =	ssyncadd.s32 @!p1 $0xFFFFE000;
	s10 =	smov.u32 s16  }
.LBB1_1:
0x1e: {  	p1 =	sge.u32 s11, s5  }
0x1f: {  	s14 =	sand.u32 @!p1 $0x1FFFFFF, s9  }
0x20: {  	s15 =	smulhi.u32 @!p1 $0x147AE15, s14;
	_ =	sdelay $0x1  }
0x21: {  	s15 =	smul.u32 @!p1 $0xC8, s15  }
0x22: {  	s16 =	sxor.u32 @!p1 $0xFFFFFFFF, s11;
	s17 =	smul.u32 @!p1 $0xC80, s10  }
0x23: {  	s31 =	sadd.s32 $0xFFFFFFFF, s11;
	s16 =	sshll.u32 @!p1 s16, $0xD;
	s14 =	ssub.s32 @!p1 s14, s15  }
0x24: {  	s15 =	sand.u32 @!p1 $0x2000, s16;
	s16 =	sadd.s32 @!p1 s6, s17;
	s14 =	sshll.u32 @!p1 s14, $0x4  }
0x25: {  	s17 =	simm.s32 @!p1 $0x6400;
	s14 =	sadd.s32 @!p1 s14, s16;
	s16 =	simm.s32 @!p1 $0x40  }
0x26: {  	[tilespmem:s15], [sflag:$0x1] =	stream.strided.gather @!p1 [hbm4b:s14+s16], $0x2000, s17, s16, $0x38;
	[tilespmem:$0x8080] =	vst v63  }
0x27: {  	p1 =	sge.u32 s31, s5  }
.Ltmp2:
0x28: {  	_ = 	snop;
	(pc) =	sbr.rel @p1 .LBB1_5-.Ltmp2, $1  }
0x29: {  	_ =	sdelay $0x3  }
0x2a: {  	s14 =	simm.s32 $0x1  }
0x2b: {  	_ =	swait.ge [sflag:s4], $0x2000;
	s14 =	simm.s32 @!p0 $0x0  }
0x2c: {  	[sflag:s4] =	ssyncset.done $0x0;
	s15 =	sshll.u32 s14, $0xD  }
0x2d: {  	[sflag:s4] =	ssyncadd.s32 $0xFFFFE000;
	s18 =	sor.u32 $0x20, s15  }
0x2e: {  	s14 =	smul.u32 $0x8100, s14;
	v3 =	vld [tilespmem:s18+$0x10]  }
0x2f: {  	s30 =	sand.u32 $0x1, s11;
	v2 =	vld [tilespmem:s18+$0xFFFFFFF0]  }
0x30: {  	s15 =	smul.u32 $0x8100, s30;
	s14 =	sshrl.u32 s14, $0x2;
	v0 =	vld [tilespmem:s18+$0x0]  }
0x31: {  	v1 =	vld [tilespmem:s18+$0xFFFFFFE0];
	s16 =	sor.u32 $0x4000, s14  }
0x32: {  	s31 =	sshrl.u32 s15, $0x2;
	s15 =	sadd.s32 $0x0, s16  }
0x33: {  	s17 =	simm.s32 $0x4;
	s18 =	sadd.s32 $0x40, s18;
	s14 =	sor.u32 $0x4000, s31;
	[tilespmem:s15+$0x1830 ss:$0x81] =	vst.msk $0xffff, v3  }
.LBB1_3:
0x34: {  	v3 =	vld [tilespmem:s18+$0x10];
	p1 =	sne.s32 s17, $0x1FC;
	[tilespmem:s15+$0x810 ss:$0x81] =	vst.msk $0xffff, v2;
	s19 =	smov.u32 s17;
	s17 =	sadd.s32 $0x4, s17  }
.Ltmp3:
0x35: {  	v2 =	vld [tilespmem:s18+$0xFFFFFFF0];
	[tilespmem:s15+$0x1020 ss:$0x81] =	vst.msk $0xffff, v0;
	(pc) =	sbr.rel @p1 .LBB1_3-.Ltmp3, $4  }
0x36: {  	v0 =	vld [tilespmem:s18+$0x0];
	[tilespmem:s15+$0x0 ss:$0x81] =	vst.msk $0xffff, v1  }
0x37: {  	s15 =	sshra.s32 s19, $0x2;
	v1 =	vld [tilespmem:s18+$0xFFFFFFE0]  }
0x38: {  	s15 =	sadd.s32 s15, s16  }
0x39: {  	s18 =	sadd.s32 $0x40, s18;
	[tilespmem:s15+$0x1830 ss:$0x81] =	vst.msk $0xffff, v3  }
.Ltmp4:
0x3a: {  	_ = 	snop;
	(pc) =	sbr.rel .LBB1_4-.Ltmp4, $1  }
0x3b: {  	_ =	sdelay $0x3  }
.LBB1_6:
0x3c: {  	_ =	sfence.sel $0x180000  }
0x3d: {  	s2 =	simm.s32 $0x1;
	[bflag:$0x0] =	sbarrier.arrive $0xFFFF  }
0x3e: {  	s31 =	simm.s32 $0x2;
	[sflag:s2] =	ssyncpa.u1 $0x1  }
0x3f: {  	[sflag:s31] =	ssyncpa.u1 $0x1  }
0x40: {  	p0 =	sne.s32 s0, $0x0;
	_ =	strace $0x9000004A  }
0x41: {  	s0 =	sadd.s32 @!p0 $0x100000, s1;
	[bflag:$0x2] =	sbarrier.arrive $0xFFFF  }
0x42: {  	[sflag:s0] =	ssyncadd.tile.s32 @!p0 $0x1;
	_ =	shalt  }
.Lfunc_end1:
_tile_overlayer_lowered:
.L_overlay_start_2:
0x43: {  	(tag) =	ssettag $0x2  }
0x44: {  	s0 =	rddreg [dreg:$0x0];
	s2 =	stileid.u32  }
0x45: {  	s1 =	rddreg [dreg:$0x1];
	p0 =	sne.s32 s2, $0x0  }
0x46: {  	s3 =	rddreg [dreg:$0x2];
	[bflag:$0x3] =	sbarrier.arrive $0xFFFF;
	s2 =	simm.s32 @!p0 $0x1C01  }
0x47: {  	[timem:s3], [sflag:s2] =	dma.local @!p0 [hbm:s0], s1  }
0x48: {  	s0 =	simm.s32 @!p0 $0x1  }
0x49: {  	_ =	swait.ge @!p0 [sflag:s0], s1  }
0x4a: {  	s1 =	ssub.s32 @!p0 $0x0, s1;
	[sflag:s0] =	ssyncset.done @!p0 $0x0  }
0x4b: {  	[sflag:s0] =	ssyncadd.s32 @!p0 s1  }
0x4c: {  	[bflag:$0x3] =	sbarrier.arrive $0xFFFF  }
0x4d: {  	_ =	shalt  }

</sc_bundles>
